<compile_context>
chip_gen: v7x
topology: tpu7x:2x2x1
jax: 0.10.2.dev20260603
libtpu: 0.0.44.dev20260713+nightly
codegen_flags: <defaults>
</compile_context>

<pallas_src>
import functools

import jax
import jax.numpy as jnp
from jax import lax
from jax.experimental import pallas as pl
from jax.experimental.pallas import tpu as pltpu
from jax.experimental.pallas import tpu_sc as plsc

Q = 256
R = 4096
V = 32
D = 128
K_TOP = 32
LARGE_NUMBER = 1e10
NEG = -1e30

RB = 256

NC = 2
NS = 16
LANES = 16
NW = NC * NS
QPW = Q // NW
IPW = QPW * K_TOP
NVEC = IPW // LANES


NB = R // RB


def _fused_body(*refs):
    q_ref = refs[0]
    key_refs = refs[1:1 + V]
    am_ref, s_ref, i_ref = refs[1 + V], refs[2 + V], refs[3 + V]
    vals3_ref = refs[4 + V]
    i_blk = pl.program_id(0)

    q = q_ref[...]
    m = None
    a = None
    for v in range(V):
        kv = key_refs[v][:, 0, 0, :]
        s = lax.dot_general(q, kv, (((1,), (1,)), ((), ())),
                            preferred_element_type=jnp.float32)
        if v == 0:
            m = s
            a = jnp.zeros(s.shape, jnp.int32)
        else:
            gt = s > m
            m = jnp.maximum(s, m)
            a = jnp.where(gt, v, a)
    am_ref[...] = a
    vals3_ref[i_blk] = m

    @pl.when(i_blk == NB - 1)
    def _epilogue():
        vals = vals3_ref[...]
        colf3 = (lax.broadcasted_iota(jnp.int32, (NB, Q, RB), 0) * RB
                 + lax.broadcasted_iota(jnp.int32, (NB, Q, RB), 2)
                 ).astype(jnp.float32)
        bigf = jnp.float32(1e9)
        outs_s = []
        outs_i = []
        for _ in range(K_TOP):
            m1 = jnp.max(vals, axis=0)
            mm = jnp.max(m1, axis=1, keepdims=True)
            eq = vals == mm[None, :, :]
            t = jnp.where(eq, colf3, bigf)
            i1 = jnp.min(t, axis=0)
            idxf = jnp.min(i1, axis=1, keepdims=True)
            outs_s.append(mm)
            outs_i.append(idxf)
            vals = jnp.where(eq, NEG, vals)
        s_ref[...] = jnp.concatenate(outs_s, axis=1)
        i_ref[...] = jnp.concatenate(outs_i, axis=1).astype(jnp.int32)


def _keyspec(v):
    return pl.BlockSpec((RB, 1, 1, D), lambda i, _v=v: (i, _v, 0, 0))


def _scores_topk(queries, memory_keys):
    return pl.pallas_call(
        _fused_body,
        grid=(NB,),
        in_specs=[pl.BlockSpec((Q, D), lambda i: (0, 0))]
        + [_keyspec(v) for v in range(V)],
        out_specs=[
            pl.BlockSpec((Q, RB), lambda i: (0, i)),
            pl.BlockSpec((Q, K_TOP), lambda i: (0, 0)),
            pl.BlockSpec((Q, K_TOP), lambda i: (0, 0)),
        ],
        out_shape=[
            jax.ShapeDtypeStruct((Q, R), jnp.int32),
            jax.ShapeDtypeStruct((Q, K_TOP), jnp.float32),
            jax.ShapeDtypeStruct((Q, K_TOP), jnp.int32),
        ],
        scratch_shapes=[pltpu.VMEM((NB, Q, RB), jnp.float32)],
        compiler_params=pltpu.CompilerParams(
            dimension_semantics=("arbitrary",),
            vmem_limit_bytes=100 * 1024 * 1024),
    )(queries, *([memory_keys.reshape(R, V, 1, D)] * V))


def _sc_retrieve(trs, tri, arg2d, ids2d, ents2d, flat_keys, text_ids):
    mesh = plsc.VectorSubcoreMesh(core_axis_name="c", subcore_axis_name="s",
                                  num_cores=NC, num_subcores=NS)

    @functools.partial(
        pl.kernel,
        out_type=[
            jax.ShapeDtypeStruct((Q * K_TOP,), jnp.float32),
            jax.ShapeDtypeStruct((Q * K_TOP,), jnp.float32),
            jax.ShapeDtypeStruct((Q * K_TOP, D), jnp.float32),
            jax.ShapeDtypeStruct((Q, D), jnp.float32),
            jax.ShapeDtypeStruct((Q * K_TOP,), jnp.int32),
            jax.ShapeDtypeStruct((Q * K_TOP,), jnp.int32),
            jax.ShapeDtypeStruct((Q * K_TOP,), jnp.int32),
        ],
        mesh=mesh,
        compiler_params=pltpu.CompilerParams(needs_layout_passes=False,
                                             use_tc_tiling_on_sc=False),
        scratch_types=[
            pltpu.VMEM((IPW,), jnp.float32),
            pltpu.VMEM((IPW,), jnp.int32),
            pltpu.VMEM((IPW,), jnp.int32),
            pltpu.VMEM((IPW, 16), jnp.int32),
            pltpu.VMEM((IPW, 16), jnp.int32),
            pltpu.VMEM((IPW, 16), jnp.int32),
            pltpu.VMEM((IPW,), jnp.int32),
            pltpu.VMEM((IPW,), jnp.float32),
            pltpu.VMEM((IPW,), jnp.float32),
            pltpu.VMEM((IPW,), jnp.int32),
            pltpu.VMEM((IPW,), jnp.int32),
            pltpu.VMEM((IPW, D), jnp.float32),
            pltpu.VMEM((QPW, D), jnp.float32),
            pltpu.VMEM((QPW,), jnp.int32),
            pltpu.SemaphoreType.DMA,
            pltpu.SemaphoreType.DMA,
        ],
    )
    def body(trs_h, tri_h, arg2d_h, ids2d_h, ents2d_h, keys_h, tid_h,
             ms_h, w_h, tv_h, ret_h, ent_h, gti_h, mask_h,
             trs_v, tri_v, rowidx_v, argrows_v, idrows_v, entrows_v,
             gti_v, ms_v, w_v, ent_v, mask_v, keys_v, ret_v, tid_v, sem,
             sem2):
        wid = lax.axis_index("s") * NC + lax.axis_index("c")
        ibase = wid * IPW
        qbase = wid * QPW

        pltpu.sync_copy(trs_h.at[pl.ds(ibase, IPW)], trs_v)
        pltpu.sync_copy(tri_h.at[pl.ds(ibase, IPW)], tri_v)
        pltpu.sync_copy(tid_h.at[pl.ds(qbase, QPW)], tid_v)

        lane = lax.iota(jnp.int32, 16)

        def l1(j, c):
            rid = tri_v[pl.ds(j * LANES, LANES)]
            qg = qbase + j // 2
            rowidx_v[pl.ds(j * LANES, LANES)] = (
                qg * (R // 16) + lax.shift_right_logical(rid, 4))
            return c
        lax.fori_loop(0, NVEC, l1, 0)
        pltpu.async_copy(arg2d_h.at[rowidx_v], argrows_v, sem).wait()

        def l2(j, c):
            rid = tri_v[pl.ds(j * LANES, LANES)]
            pos = j * LANES + lane
            a = plsc.load_gather(argrows_v, [pos, jnp.bitwise_and(rid, 15)])
            g = rid * V + a
            gti_v[pl.ds(j * LANES, LANES)] = g
            rowidx_v[pl.ds(j * LANES, LANES)] = lax.shift_right_logical(g, 4)
            return c
        lax.fori_loop(0, NVEC, l2, 0)
        d_keys = pltpu.make_async_copy(keys_h.at[gti_v], keys_v, sem2)
        d_keys.start()
        d_ids = pltpu.make_async_copy(ids2d_h.at[rowidx_v], idrows_v, sem)
        d_ids.start()
        d_ents = pltpu.make_async_copy(ents2d_h.at[rowidx_v], entrows_v, sem)
        d_ents.start()
        d_ids.wait()
        d_ents.wait()

        def l3(j, c):
            g = gti_v[pl.ds(j * LANES, LANES)]
            pos = j * LANES + lane
            lane16 = jnp.bitwise_and(g, 15)
            mid = plsc.load_gather(idrows_v, [pos, lane16])
            ent = plsc.load_gather(entrows_v, [pos, lane16])
            ent_v[pl.ds(j * LANES, LANES)] = ent
            tloc = jnp.zeros((16,), jnp.int32) + j // 2
            tb = plsc.load_gather(tid_v, [tloc])
            mk = (mid == tb).astype(jnp.int32)
            mask_v[pl.ds(j * LANES, LANES)] = mk
            s = trs_v[pl.ds(j * LANES, LANES)]
            ms_v[pl.ds(j * LANES, LANES)] = (
                s - mk.astype(jnp.float32) * LARGE_NUMBER)
            return c
        lax.fori_loop(0, NVEC, l3, 0)

        def l4(q, c):
            a = ms_v[pl.ds(q * K_TOP, 16)]
            b = ms_v[pl.ds(q * K_TOP + 16, 16)]
            m = jnp.max(jnp.maximum(a, b))
            ea = jnp.exp(a - m)
            eb = jnp.exp(b - m)
            s = jnp.sum(ea) + jnp.sum(eb)
            w_v[pl.ds(q * K_TOP, 16)] = ea / s
            w_v[pl.ds(q * K_TOP + 16, 16)] = eb / s
            return c
        lax.fori_loop(0, QPW, l4, 0)

        d_keys.wait()

        def l5(q, c):
            def inner(k2, acc):
                wk = plsc.load_gather(
                    w_v, [jnp.zeros((16,), jnp.int32) + (q * K_TOP + k2)])
                row = q * K_TOP + k2
                return tuple(
                    acc[ch] + keys_v[row, pl.ds(ch * 16, 16)] * wk
                    for ch in range(D // 16))
            acc0 = tuple(jnp.zeros((16,), jnp.float32)
                         for _ in range(D // 16))
            acc = lax.fori_loop(0, K_TOP, inner, acc0)
            for ch in range(D // 16):
                ret_v[q, pl.ds(ch * 16, 16)] = acc[ch]
            return c
        lax.fori_loop(0, QPW, l5, 0)

        pltpu.sync_copy(ms_v, ms_h.at[pl.ds(ibase, IPW)])
        pltpu.sync_copy(w_v, w_h.at[pl.ds(ibase, IPW)])
        pltpu.sync_copy(keys_v, tv_h.at[pl.ds(ibase, IPW)])
        pltpu.sync_copy(ret_v, ret_h.at[pl.ds(qbase, QPW)])
        pltpu.sync_copy(ent_v, ent_h.at[pl.ds(ibase, IPW)])
        pltpu.sync_copy(gti_v, gti_h.at[pl.ds(ibase, IPW)])
        pltpu.sync_copy(mask_v, mask_h.at[pl.ds(ibase, IPW)])

    return body(trs, tri, arg2d, ids2d, ents2d, flat_keys, text_ids)


def kernel(queries, memory_keys, memory_identifiers, memory_entity_ids,
           text_identifiers):
    flat_keys = memory_keys.reshape(R * V, D)
    ids2d = memory_identifiers.reshape(-1, 16)
    ents2d = memory_entity_ids.reshape(-1, 16)

    row_arg, trs, tri = _scores_topk(queries, memory_keys)
    arg2d = row_arg.reshape(-1, 16)

    ms, w, tv, ret, ent, gti, mk = _sc_retrieve(
        trs.reshape(-1), tri.reshape(-1), arg2d, ids2d, ents2d, flat_keys,
        text_identifiers)

    ms = ms.reshape(Q, K_TOP)
    w = w.reshape(Q, K_TOP)
    tv = tv.reshape(Q, K_TOP, D)
    ent = ent.reshape(Q, K_TOP)
    gti = gti.reshape(Q, K_TOP)
    mask = mk.reshape(Q, K_TOP).astype(jnp.bool_)
    return (ret, ms, w, tv, ent, gti, mask)

# --- scband reference (transcript-rebuilt; emitter-appended) ---
"""Pipeline reference for scband-memory-retrieval-layer-44341242364185 (READ-ONLY COPY).

The authoritative reference and input builder live on the scoring server;
editing this copy changes nothing except your own understanding.
"""

import jax, jax.numpy as jnp
import numpy as np

K_TOP_DEVICE = 32
LARGE_NUMBER = 1e10


def topk_similarity(queries, memory_keys, k_top):
    # queries: [q, d]; memory_keys: [rows, vals_per_row, d]
    rows, vpr, dim = memory_keys.shape
    scores = jnp.einsum('qd,rvd->qrv', queries, memory_keys)
    row_max = jnp.max(scores, axis=-1)  # [q, rows]
    top_row_scores, top_row_ids = jax.lax.top_k(row_max, k_top)  # [q, k]
    # gather the per-value scores of the selected rows, argmax within row
    top_row_all = jnp.take_along_axis(scores, top_row_ids[:, :, None], axis=1)  # [q, k, vpr]
    arg_in_row = jnp.argmax(top_row_all, axis=-1)  # [q, k]
    top_ids = top_row_ids * vpr + arg_in_row  # flat ids into memory_size
    flat_keys = memory_keys.reshape(rows * vpr, dim)
    top_keys = flat_keys[top_ids]  # [q, k, d]
    return top_keys, top_row_scores, top_ids


def setup_inputs(seed: int = 0):
    key = jax.random.key(seed)
    k1, k2, k3, k4, k5 = jax.random.split(key, 5)
    queries = jax.random.normal(k1, (256, 128), dtype=jnp.float32)
    memory_keys = jax.random.normal(k2, (4096, 32, 128), dtype=jnp.float32)
    memory_identifiers = jax.random.randint(k3, (131072,), 0, 50000, dtype=jnp.int32)
    memory_entity_ids = jax.random.randint(k4, (131072,), 0, 1000000, dtype=jnp.int32)
    text_identifiers = jax.random.randint(k5, (256,), 0, 50000, dtype=jnp.int32)
    return {
        'queries': queries,
        'memory_keys': memory_keys,
        'memory_identifiers': memory_identifiers,
        'memory_entity_ids': memory_entity_ids,
        'text_identifiers': text_identifiers,
    }


def reference(queries, memory_keys, memory_identifiers, memory_entity_ids, text_identifiers):
    # Single-device simulation (n_devices = 1): jax.lax.all_gather adds a
    # leading axis of size 1 and jax.lax.pswapaxes is the identity, so the
    # gather / swap / reshape sequence collapses to the local computation.
    # memory_values is None -> top_values = top_keys; k_top_post_selection is None.
    n_queries = queries.shape[0]
    memory_size = memory_keys.shape[0] * memory_keys.shape[1]

    queries_sg = jax.lax.stop_gradient(queries)
    top_keys, top_scores, top_ids = topk_similarity(queries_sg, memory_keys, K_TOP_DEVICE)
    top_values = top_keys  # memory_values is None
    top_entity_ids = memory_entity_ids[top_ids]  # [q, k]
    global_top_ids = top_ids  # + arange(1)*memory_size == identity for 1 device

    # attention scores with gradient (queries not stop-gradient'd here)
    top_scores_wg = jnp.einsum('qd,qkd->qk', queries, top_keys)

    # mask memories that come from the same passage as the query mention
    identifier_mask = (memory_identifiers[top_ids] == text_identifiers[:, None]).astype(jnp.int32)
    # same_passage_memory_policy == 'disallow'
    masked_scores = top_scores_wg - identifier_mask.astype(top_scores_wg.dtype) * LARGE_NUMBER

    attention_weights = jax.nn.softmax(masked_scores, axis=-1)
    retrieved_values = jnp.einsum('qk,qkd->qd', attention_weights, top_values)

    return (retrieved_values, masked_scores, attention_weights, top_values,
            top_entity_ids, global_top_ids, identifier_mask.astype(jnp.bool_))

if __name__ == "__main__":
    import jax
    _d = setup_inputs()
    print(jax.jit(kernel)(*tuple(_d.values())))

</pallas_src>

<mosaic_0001>
#map = affine_map<(d0, d1) -> (0)>
#map1 = affine_map<(d0, d1) -> (0, 0)>
module attributes {stable_mosaic.version = 14 : i64} {
  func.func @body(%arg0: i32, %arg1: i32, %arg2: memref<8192xf32, #tpu.memory_space<hbm>>, %arg3: memref<8192xi32, #tpu.memory_space<hbm>>, %arg4: memref<65536x16xi32, #tpu.memory_space<hbm>>, %arg5: memref<8192x16xi32, #tpu.memory_space<hbm>>, %arg6: memref<8192x16xi32, #tpu.memory_space<hbm>>, %arg7: memref<131072x128xf32, #tpu.memory_space<hbm>>, %arg8: memref<256xi32, #tpu.memory_space<hbm>>, %arg9: memref<8192xf32, #tpu.memory_space<hbm>>, %arg10: memref<8192xf32, #tpu.memory_space<hbm>>, %arg11: memref<8192x128xf32, #tpu.memory_space<hbm>>, %arg12: memref<256x128xf32, #tpu.memory_space<hbm>>, %arg13: memref<8192xi32, #tpu.memory_space<hbm>>, %arg14: memref<8192xi32, #tpu.memory_space<hbm>>, %arg15: memref<8192xi32, #tpu.memory_space<hbm>>, %arg16: memref<256xf32, #tpu.memory_space<vmem>>, %arg17: memref<256xi32, #tpu.memory_space<vmem>>, %arg18: memref<256xi32, #tpu.memory_space<vmem>>, %arg19: memref<256x16xi32, #tpu.memory_space<vmem>>, %arg20: memref<256x16xi32, #tpu.memory_space<vmem>>, %arg21: memref<256x16xi32, #tpu.memory_space<vmem>>, %arg22: memref<256xi32, #tpu.memory_space<vmem>>, %arg23: memref<256xf32, #tpu.memory_space<vmem>>, %arg24: memref<256xf32, #tpu.memory_space<vmem>>, %arg25: memref<256xi32, #tpu.memory_space<vmem>>, %arg26: memref<256xi32, #tpu.memory_space<vmem>>, %arg27: memref<256x128xf32, #tpu.memory_space<vmem>>, %arg28: memref<8x128xf32, #tpu.memory_space<vmem>>, %arg29: memref<8xi32, #tpu.memory_space<vmem>>, %arg30: memref<!tpu.dma_semaphore, #tpu.memory_space<semaphore_mem>>, %arg31: memref<!tpu.dma_semaphore, #tpu.memory_space<semaphore_mem>>) attributes {dimension_semantics = [#tpu.dimension_semantics<core_parallel>, #tpu.dimension_semantics<subcore_parallel>], iteration_bounds = array<i64: 2, 16>, scalar_prefetch = 0 : i64, scratch_operands = 16 : i64, tpu.core_type = #tpu.core_type<sc_vector_subcore>, window_params = [{transform_indices = #map}, {transform_indices = #map}, {transform_indices = #map1}, {transform_indices = #map1}, {transform_indices = #map1}, {transform_indices = #map1}, {transform_indices = #map}, {transform_indices = #map}, {transform_indices = #map}, {transform_indices = #map1}, {transform_indices = #map1}, {transform_indices = #map}, {transform_indices = #map}, {transform_indices = #map}]} {
    %mul3A = arith.constant 2 : i32
    %mul3A_0 = arith.muli %arg1, %mul3A : i32
    %add3A = arith.addi %mul3A_0, %arg0 : i32
    %mul3A_1 = arith.constant 256 : i32
    %mul3A_2 = arith.muli %add3A, %mul3A_1 : i32
    %mul3A_3 = arith.constant 8 : i32
    %mul3A_4 = arith.muli %add3A, %mul3A_3 : i32
    "tpu.region"() ({
      %run_scoped3A = tpu.sem_alloc : memref<!tpu.dma_semaphore, #tpu.memory_space<semaphore_mem>>
      %dma_start3A_56 = tpu.memref_slice %arg2[%mul3A_2] : memref<8192xf32, #tpu.memory_space<hbm>> -> memref<256xf32, #tpu.memory_space<hbm>>
      %dma_start3A_57 = tpu.memref_slice %arg2[%mul3A_2] : memref<8192xf32, #tpu.memory_space<hbm>> -> memref<256xf32, #tpu.memory_space<hbm>>
      tpu.enqueue_dma source(%dma_start3A_57 : memref<256xf32, #tpu.memory_space<hbm>>) target(%arg16 : memref<256xf32, #tpu.memory_space<vmem>>) target_semaphore(%run_scoped3A : memref<!tpu.dma_semaphore, #tpu.memory_space<semaphore_mem>>)
      %dma_wait3A_58 = tpu.memref_slice %arg2[%mul3A_2] : memref<8192xf32, #tpu.memory_space<hbm>> -> memref<256xf32, #tpu.memory_space<hbm>>
      %dma_wait3A_59 = tpu.memref_slice %arg2[%mul3A_2] : memref<8192xf32, #tpu.memory_space<hbm>> -> memref<256xf32, #tpu.memory_space<hbm>>
      tpu.wait_dma2 semaphore(%run_scoped3A : memref<!tpu.dma_semaphore, #tpu.memory_space<semaphore_mem>>) src(%dma_wait3A_59 : memref<256xf32, #tpu.memory_space<hbm>>) dst(%arg16 : memref<256xf32, #tpu.memory_space<vmem>>)
      tpu.yield
    }) : () -> ()
    "tpu.region"() ({
      %run_scoped3A = tpu.sem_alloc : memref<!tpu.dma_semaphore, #tpu.memory_space<semaphore_mem>>
      %dma_start3A_56 = tpu.memref_slice %arg3[%mul3A_2] : memref<8192xi32, #tpu.memory_space<hbm>> -> memref<256xi32, #tpu.memory_space<hbm>>
      %dma_start3A_57 = tpu.memref_slice %arg3[%mul3A_2] : memref<8192xi32, #tpu.memory_space<hbm>> -> memref<256xi32, #tpu.memory_space<hbm>>
      tpu.enqueue_dma source(%dma_start3A_57 : memref<256xi32, #tpu.memory_space<hbm>>) target(%arg17 : memref<256xi32, #tpu.memory_space<vmem>>) target_semaphore(%run_scoped3A : memref<!tpu.dma_semaphore, #tpu.memory_space<semaphore_mem>>)
      %dma_wait3A_58 = tpu.memref_slice %arg3[%mul3A_2] : memref<8192xi32, #tpu.memory_space<hbm>> -> memref<256xi32, #tpu.memory_space<hbm>>
      %dma_wait3A_59 = tpu.memref_slice %arg3[%mul3A_2] : memref<8192xi32, #tpu.memory_space<hbm>> -> memref<256xi32, #tpu.memory_space<hbm>>
      tpu.wait_dma2 semaphore(%run_scoped3A : memref<!tpu.dma_semaphore, #tpu.memory_space<semaphore_mem>>) src(%dma_wait3A_59 : memref<256xi32, #tpu.memory_space<hbm>>) dst(%arg17 : memref<256xi32, #tpu.memory_space<vmem>>)
      tpu.yield
    }) : () -> ()
    "tpu.region"() ({
      %run_scoped3A = tpu.sem_alloc : memref<!tpu.dma_semaphore, #tpu.memory_space<semaphore_mem>>
      %dma_start3A_56 = tpu.memref_slice %arg8[%mul3A_4] : memref<256xi32, #tpu.memory_space<hbm>> -> memref<8xi32, #tpu.memory_space<hbm>>
      %dma_start3A_57 = tpu.memref_slice %arg8[%mul3A_4] : memref<256xi32, #tpu.memory_space<hbm>> -> memref<8xi32, #tpu.memory_space<hbm>>
      tpu.enqueue_dma source(%dma_start3A_57 : memref<8xi32, #tpu.memory_space<hbm>>) target(%arg29 : memref<8xi32, #tpu.memory_space<vmem>>) target_semaphore(%run_scoped3A : memref<!tpu.dma_semaphore, #tpu.memory_space<semaphore_mem>>)
      %dma_wait3A_58 = tpu.memref_slice %arg8[%mul3A_4] : memref<256xi32, #tpu.memory_space<hbm>> -> memref<8xi32, #tpu.memory_space<hbm>>
      %dma_wait3A_59 = tpu.memref_slice %arg8[%mul3A_4] : memref<256xi32, #tpu.memory_space<hbm>> -> memref<8xi32, #tpu.memory_space<hbm>>
      tpu.wait_dma2 semaphore(%run_scoped3A : memref<!tpu.dma_semaphore, #tpu.memory_space<semaphore_mem>>) src(%dma_wait3A_59 : memref<8xi32, #tpu.memory_space<hbm>>) dst(%arg29 : memref<8xi32, #tpu.memory_space<vmem>>)
      tpu.yield
    }) : () -> ()
    %iota3A = tpu.iota {dimensions = array<i32: 0>} : vector<16xi32>
    %scan3A = arith.constant 0 : i32
    %scan3A_5 = arith.constant 0 : i32
    %scan3A_6 = arith.constant 16 : i32
    %scan3A_7 = arith.addi %scan3A_5, %scan3A_6 : i32
    %scan3A_8 = arith.constant 1 : i32
    scf.for %scan3A_56 = %scan3A_5 to %scan3A_7 step %scan3A_8  : i32 {
      %mul3A_57 = arith.constant 16 : i32
      %mul3A_58 = arith.muli %scan3A_56, %mul3A_57 : i32
      %get3A = arith.index_cast %mul3A_58 : i32 to index
      %get3A_59 = tpu.vector_load %arg17[%get3A] {strides = array<i32>} : memref<256xi32, #tpu.memory_space<vmem>>, vector<16xi32>,
      %jit3A = arith.constant 2 : i32
      %div3A = arith.divsi %scan3A_56, %jit3A : i32
      %sign3A = arith.constant 0 : i32
      %sign3A_60 = arith.cmpi sgt, %scan3A_56, %sign3A : i32
      %sign3A_61 = arith.extui %sign3A_60 : i1 to i32
      %sign3A_62 = arith.constant 0 : i32
      %sign3A_63 = arith.cmpi slt, %scan3A_56, %sign3A_62 : i32
      %sign3A_64 = arith.extui %sign3A_63 : i1 to i32
      %sign3A_65 = arith.subi %sign3A_61, %sign3A_64 : i32
      %sign3A_66 = arith.constant 0 : i32
      %sign3A_67 = arith.cmpi sgt, %jit3A, %sign3A_66 : i32
      %sign3A_68 = arith.extui %sign3A_67 : i1 to i32
      %sign3A_69 = arith.constant 0 : i32
      %sign3A_70 = arith.cmpi slt, %jit3A, %sign3A_69 : i32
      %sign3A_71 = arith.extui %sign3A_70 : i1 to i32
      %sign3A_72 = arith.subi %sign3A_68, %sign3A_71 : i32
      %ne3A = arith.cmpi ne, %sign3A_65, %sign3A_72 : i32
      %rem3A = arith.remsi %scan3A_56, %jit3A : i32
      %ne3A_73 = arith.constant 0 : i32
      %ne3A_74 = arith.cmpi ne, %rem3A, %ne3A_73 : i32
      %and3A = arith.andi %ne3A, %ne3A_74 : i1
      %sub3A = arith.constant 1 : i32
      %sub3A_75 = arith.subi %div3A, %sub3A : i32
      %select_n3A = arith.select %and3A, %sub3A_75, %div3A : i32
      %add3A_76 = arith.addi %mul3A_4, %select_n3A : i32
      %mul3A_77 = arith.constant 256 : i32
      %mul3A_78 = arith.muli %add3A_76, %mul3A_77 : i32
      %shift_right_logical3A = arith.constant 4 : i32
      %shift_right_logical3A_79 = vector.broadcast %shift_right_logical3A : i32 to vector<16xi32>
      %shift_right_logical3A_80 = arith.shrui %get3A_59, %shift_right_logical3A_79 : vector<16xi32>
      %add3A_81 = vector.broadcast %mul3A_78 : i32 to vector<16xi32>
      %add3A_82 = arith.addi %add3A_81, %shift_right_logical3A_80 : vector<16xi32>
      %mul3A_83 = arith.constant 16 : i32
      %mul3A_84 = arith.muli %scan3A_56, %mul3A_83 : i32
      %swap3A = arith.index_cast %mul3A_84 : i32 to index
      %swap3A_85 = tpu.vector_load %arg18[%swap3A] {strides = array<i32>} : memref<256xi32, #tpu.memory_space<vmem>>, vector<16xi32>,
      tpu.vector_store %arg18[%swap3A], %add3A_82 {strides = array<i32>} : memref<256xi32, #tpu.memory_space<vmem>>, vector<16xi32>,
    }
    %scan3A_9 = arith.constant 16 : i32
    %dma_start3A = arith.constant 0 : i32
    %dma_start3A_10 = arith.constant 0 : i32
    %dma_start3A_11 = tpu.memref_slice %arg4[%dma_start3A, %dma_start3A_10] : memref<65536x16xi32, #tpu.memory_space<hbm>> -> memref<65536x16xi32, #tpu.memory_space<hbm>>
    tpu.enqueue_indirect_dma source(%dma_start3A_11 : memref<65536x16xi32, #tpu.memory_space<hbm>>) target(%arg19 : memref<256x16xi32, #tpu.memory_space<vmem>>) offsets(%arg18 : memref<256xi32, #tpu.memory_space<vmem>>) semaphore(%arg30 : memref<!tpu.dma_semaphore, #tpu.memory_space<semaphore_mem>>)
    %dma_wait3A = arith.constant 0 : i32
    %dma_wait3A_12 = arith.constant 0 : i32
    %dma_wait3A_13 = tpu.memref_slice %arg4[%dma_wait3A, %dma_wait3A_12] : memref<65536x16xi32, #tpu.memory_space<hbm>> -> memref<65536x16xi32, #tpu.memory_space<hbm>>
    tpu.wait_indirect_dma semaphore(%arg30 : memref<!tpu.dma_semaphore, #tpu.memory_space<semaphore_mem>>) src(%dma_wait3A_13 : memref<65536x16xi32, #tpu.memory_space<hbm>>) dst(%arg19 : memref<256x16xi32, #tpu.memory_space<vmem>>)
    %scan3A_14 = arith.constant 0 : i32
    %scan3A_15 = arith.constant 0 : i32
    %scan3A_16 = arith.constant 16 : i32
    %scan3A_17 = arith.addi %scan3A_15, %scan3A_16 : i32
    %scan3A_18 = arith.constant 1 : i32
    scf.for %scan3A_56 = %scan3A_15 to %scan3A_17 step %scan3A_18  : i32 {
      %mul3A_57 = arith.constant 16 : i32
      %mul3A_58 = arith.muli %scan3A_56, %mul3A_57 : i32
      %get3A = arith.index_cast %mul3A_58 : i32 to index
      %get3A_59 = tpu.vector_load %arg17[%get3A] {strides = array<i32>} : memref<256xi32, #tpu.memory_space<vmem>>, vector<16xi32>,
      %mul3A_60 = arith.constant 16 : i32
      %mul3A_61 = arith.muli %scan3A_56, %mul3A_60 : i32
      %add3A_62 = vector.broadcast %mul3A_61 : i32 to vector<16xi32>
      %add3A_63 = arith.addi %add3A_62, %iota3A : vector<16xi32>
      %and3A = arith.constant 15 : i32
      %and3A_64 = vector.broadcast %and3A : i32 to vector<16xi32>
      %and3A_65 = arith.andi %get3A_59, %and3A_64 : vector<16xi32>
      %gather3A = tpu.vector_load_idx %arg19[%add3A_63, %and3A_65] : memref<256x16xi32, #tpu.memory_space<vmem>>[vector<16xi32>, vector<16xi32>], vector<16xi32>,
      %mul3A_66 = arith.constant 32 : i32
      %mul3A_67 = vector.broadcast %mul3A_66 : i32 to vector<16xi32>
      %mul3A_68 = arith.muli %get3A_59, %mul3A_67 : vector<16xi32>
      %add3A_69 = arith.addi %mul3A_68, %gather3A : vector<16xi32>
      %mul3A_70 = arith.constant 16 : i32
      %mul3A_71 = arith.muli %scan3A_56, %mul3A_70 : i32
      %swap3A = arith.index_cast %mul3A_71 : i32 to index
      %swap3A_72 = tpu.vector_load %arg22[%swap3A] {strides = array<i32>} : memref<256xi32, #tpu.memory_space<vmem>>, vector<16xi32>,
      tpu.vector_store %arg22[%swap3A], %add3A_69 {strides = array<i32>} : memref<256xi32, #tpu.memory_space<vmem>>, vector<16xi32>,
      %shift_right_logical3A = arith.constant 4 : i32
      %shift_right_logical3A_73 = vector.broadcast %shift_right_logical3A : i32 to vector<16xi32>
      %shift_right_logical3A_74 = arith.shrui %add3A_69, %shift_right_logical3A_73 : vector<16xi32>
      %mul3A_75 = arith.constant 16 : i32
      %mul3A_76 = arith.muli %scan3A_56, %mul3A_75 : i32
      %swap3A_77 = arith.index_cast %mul3A_76 : i32 to index
      %swap3A_78 = tpu.vector_load %arg18[%swap3A_77] {strides = array<i32>} : memref<256xi32, #tpu.memory_space<vmem>>, vector<16xi32>,
      tpu.vector_store %arg18[%swap3A_77], %shift_right_logical3A_74 {strides = array<i32>} : memref<256xi32, #tpu.memory_space<vmem>>, vector<16xi32>,
    }
    %scan3A_19 = arith.constant 16 : i32
    %dma_start3A_20 = arith.constant 0 : i32
    %dma_start3A_21 = arith.constant 0 : i32
    %dma_start3A_22 = tpu.memref_slice %arg7[%dma_start3A_20, %dma_start3A_21] : memref<131072x128xf32, #tpu.memory_space<hbm>> -> memref<131072x128xf32, #tpu.memory_space<hbm>>
    tpu.enqueue_indirect_dma source(%dma_start3A_22 : memref<131072x128xf32, #tpu.memory_space<hbm>>) target(%arg27 : memref<256x128xf32, #tpu.memory_space<vmem>>) offsets(%arg22 : memref<256xi32, #tpu.memory_space<vmem>>) semaphore(%arg31 : memref<!tpu.dma_semaphore, #tpu.memory_space<semaphore_mem>>)
    %dma_start3A_23 = arith.constant 0 : i32
    %dma_start3A_24 = arith.constant 0 : i32
    %dma_start3A_25 = tpu.memref_slice %arg5[%dma_start3A_23, %dma_start3A_24] : memref<8192x16xi32, #tpu.memory_space<hbm>> -> memref<8192x16xi32, #tpu.memory_space<hbm>>
    tpu.enqueue_indirect_dma source(%dma_start3A_25 : memref<8192x16xi32, #tpu.memory_space<hbm>>) target(%arg20 : memref<256x16xi32, #tpu.memory_space<vmem>>) offsets(%arg18 : memref<256xi32, #tpu.memory_space<vmem>>) semaphore(%arg30 : memref<!tpu.dma_semaphore, #tpu.memory_space<semaphore_mem>>)
    %dma_start3A_26 = arith.constant 0 : i32
    %dma_start3A_27 = arith.constant 0 : i32
    %dma_start3A_28 = tpu.memref_slice %arg6[%dma_start3A_26, %dma_start3A_27] : memref<8192x16xi32, #tpu.memory_space<hbm>> -> memref<8192x16xi32, #tpu.memory_space<hbm>>
    tpu.enqueue_indirect_dma source(%dma_start3A_28 : memref<8192x16xi32, #tpu.memory_space<hbm>>) target(%arg21 : memref<256x16xi32, #tpu.memory_space<vmem>>) offsets(%arg18 : memref<256xi32, #tpu.memory_space<vmem>>) semaphore(%arg30 : memref<!tpu.dma_semaphore, #tpu.memory_space<semaphore_mem>>)
    %dma_wait3A_29 = arith.constant 0 : i32
    %dma_wait3A_30 = arith.constant 0 : i32
    %dma_wait3A_31 = tpu.memref_slice %arg5[%dma_wait3A_29, %dma_wait3A_30] : memref<8192x16xi32, #tpu.memory_space<hbm>> -> memref<8192x16xi32, #tpu.memory_space<hbm>>
    tpu.wait_indirect_dma semaphore(%arg30 : memref<!tpu.dma_semaphore, #tpu.memory_space<semaphore_mem>>) src(%dma_wait3A_31 : memref<8192x16xi32, #tpu.memory_space<hbm>>) dst(%arg20 : memref<256x16xi32, #tpu.memory_space<vmem>>)
    %dma_wait3A_32 = arith.constant 0 : i32
    %dma_wait3A_33 = arith.constant 0 : i32
    %dma_wait3A_34 = tpu.memref_slice %arg6[%dma_wait3A_32, %dma_wait3A_33] : memref<8192x16xi32, #tpu.memory_space<hbm>> -> memref<8192x16xi32, #tpu.memory_space<hbm>>
    tpu.wait_indirect_dma semaphore(%arg30 : memref<!tpu.dma_semaphore, #tpu.memory_space<semaphore_mem>>) src(%dma_wait3A_34 : memref<8192x16xi32, #tpu.memory_space<hbm>>) dst(%arg21 : memref<256x16xi32, #tpu.memory_space<vmem>>)
    %scan3A_35 = arith.constant 0 : i32
    %scan3A_36 = arith.constant 0 : i32
    %scan3A_37 = arith.constant 16 : i32
    %scan3A_38 = arith.addi %scan3A_36, %scan3A_37 : i32
    %scan3A_39 = arith.constant 1 : i32
    scf.for %scan3A_56 = %scan3A_36 to %scan3A_38 step %scan3A_39  : i32 {
      %mul3A_57 = arith.constant 16 : i32
      %mul3A_58 = arith.muli %scan3A_56, %mul3A_57 : i32
      %get3A = arith.index_cast %mul3A_58 : i32 to index
      %get3A_59 = tpu.vector_load %arg22[%get3A] {strides = array<i32>} : memref<256xi32, #tpu.memory_space<vmem>>, vector<16xi32>,
      %mul3A_60 = arith.constant 16 : i32
      %mul3A_61 = arith.muli %scan3A_56, %mul3A_60 : i32
      %add3A_62 = vector.broadcast %mul3A_61 : i32 to vector<16xi32>
      %add3A_63 = arith.addi %add3A_62, %iota3A : vector<16xi32>
      %and3A = arith.constant 15 : i32
      %and3A_64 = vector.broadcast %and3A : i32 to vector<16xi32>
      %and3A_65 = arith.andi %get3A_59, %and3A_64 : vector<16xi32>
      %gather3A = tpu.vector_load_idx %arg20[%add3A_63, %and3A_65] : memref<256x16xi32, #tpu.memory_space<vmem>>[vector<16xi32>, vector<16xi32>], vector<16xi32>,
      %gather3A_66 = tpu.vector_load_idx %arg21[%add3A_63, %and3A_65] : memref<256x16xi32, #tpu.memory_space<vmem>>[vector<16xi32>, vector<16xi32>], vector<16xi32>,
      %mul3A_67 = arith.constant 16 : i32
      %mul3A_68 = arith.muli %scan3A_56, %mul3A_67 : i32
      %swap3A = arith.index_cast %mul3A_68 : i32 to index
      %swap3A_69 = tpu.vector_load %arg25[%swap3A] {strides = array<i32>} : memref<256xi32, #tpu.memory_space<vmem>>, vector<16xi32>,
      tpu.vector_store %arg25[%swap3A], %gather3A_66 {strides = array<i32>} : memref<256xi32, #tpu.memory_space<vmem>>, vector<16xi32>,
      %broadcast_in_dim3A = arith.constant 0 : i32
      %broadcast_in_dim3A_70 = vector.broadcast %broadcast_in_dim3A : i32 to vector<16xi32>
      %jit3A = arith.constant 2 : i32
      %div3A = arith.divsi %scan3A_56, %jit3A : i32
      %sign3A = arith.constant 0 : i32
      %sign3A_71 = arith.cmpi sgt, %scan3A_56, %sign3A : i32
      %sign3A_72 = arith.extui %sign3A_71 : i1 to i32
      %sign3A_73 = arith.constant 0 : i32
      %sign3A_74 = arith.cmpi slt, %scan3A_56, %sign3A_73 : i32
      %sign3A_75 = arith.extui %sign3A_74 : i1 to i32
      %sign3A_76 = arith.subi %sign3A_72, %sign3A_75 : i32
      %sign3A_77 = arith.constant 0 : i32
      %sign3A_78 = arith.cmpi sgt, %jit3A, %sign3A_77 : i32
      %sign3A_79 = arith.extui %sign3A_78 : i1 to i32
      %sign3A_80 = arith.constant 0 : i32
      %sign3A_81 = arith.cmpi slt, %jit3A, %sign3A_80 : i32
      %sign3A_82 = arith.extui %sign3A_81 : i1 to i32
      %sign3A_83 = arith.subi %sign3A_79, %sign3A_82 : i32
      %ne3A = arith.cmpi ne, %sign3A_76, %sign3A_83 : i32
      %rem3A = arith.remsi %scan3A_56, %jit3A : i32
      %ne3A_84 = arith.constant 0 : i32
      %ne3A_85 = arith.cmpi ne, %rem3A, %ne3A_84 : i32
      %and3A_86 = arith.andi %ne3A, %ne3A_85 : i1
      %sub3A = arith.constant 1 : i32
      %sub3A_87 = arith.subi %div3A, %sub3A : i32
      %select_n3A = arith.select %and3A_86, %sub3A_87, %div3A : i32
      %add3A_88 = vector.broadcast %select_n3A : i32 to vector<16xi32>
      %add3A_89 = arith.addi %broadcast_in_dim3A_70, %add3A_88 : vector<16xi32>
      %gather3A_90 = tpu.vector_load_idx %arg29[%add3A_89] : memref<8xi32, #tpu.memory_space<vmem>>[vector<16xi32>], vector<16xi32>,
      %eq3A = arith.cmpi eq, %gather3A, %gather3A_90 : vector<16xi32>
      %convert_element_type3A = arith.extui %eq3A : vector<16xi1> to vector<16xi32>
      %mul3A_91 = arith.constant 16 : i32
      %mul3A_92 = arith.muli %scan3A_56, %mul3A_91 : i32
      %swap3A_93 = arith.index_cast %mul3A_92 : i32 to index
      %swap3A_94 = tpu.vector_load %arg26[%swap3A_93] {strides = array<i32>} : memref<256xi32, #tpu.memory_space<vmem>>, vector<16xi32>,
      tpu.vector_store %arg26[%swap3A_93], %convert_element_type3A {strides = array<i32>} : memref<256xi32, #tpu.memory_space<vmem>>, vector<16xi32>,
      %mul3A_95 = arith.constant 16 : i32
      %mul3A_96 = arith.muli %scan3A_56, %mul3A_95 : i32
      %get3A_97 = arith.index_cast %mul3A_96 : i32 to index
      %get3A_98 = tpu.vector_load %arg16[%get3A_97] {strides = array<i32>} : memref<256xf32, #tpu.memory_space<vmem>>, vector<16xf32>,
      %convert_element_type3A_99 = arith.sitofp %convert_element_type3A : vector<16xi32> to vector<16xf32>
      %mul3A_100 = arith.constant 1.000000e+10 : f32
      %mul3A_101 = vector.broadcast %mul3A_100 : f32 to vector<16xf32>
      %mul3A_102 = arith.mulf %convert_element_type3A_99, %mul3A_101 : vector<16xf32>
      %sub3A_103 = arith.subf %get3A_98, %mul3A_102 : vector<16xf32>
      %mul3A_104 = arith.constant 16 : i32
      %mul3A_105 = arith.muli %scan3A_56, %mul3A_104 : i32
      %swap3A_106 = arith.index_cast %mul3A_105 : i32 to index
      %swap3A_107 = tpu.vector_load %arg23[%swap3A_106] {strides = array<i32>} : memref<256xf32, #tpu.memory_space<vmem>>, vector<16xf32>,
      tpu.vector_store %arg23[%swap3A_106], %sub3A_103 {strides = array<i32>} : memref<256xf32, #tpu.memory_space<vmem>>, vector<16xf32>,
    }
    %scan3A_40 = arith.constant 16 : i32
    %scan3A_41 = arith.constant 0 : i32
    %scan3A_42 = arith.constant 0 : i32
    %scan3A_43 = arith.constant 8 : i32
    %scan3A_44 = arith.addi %scan3A_42, %scan3A_43 : i32
    %scan3A_45 = arith.constant 1 : i32
    scf.for %scan3A_56 = %scan3A_42 to %scan3A_44 step %scan3A_45  : i32 {
      %mul3A_57 = arith.constant 32 : i32
      %mul3A_58 = arith.muli %scan3A_56, %mul3A_57 : i32
      %get3A = arith.index_cast %mul3A_58 : i32 to index
      %get3A_59 = tpu.vector_load %arg23[%get3A] {strides = array<i32>} : memref<256xf32, #tpu.memory_space<vmem>>, vector<16xf32>,
      %mul3A_60 = arith.constant 32 : i32
      %mul3A_61 = arith.muli %scan3A_56, %mul3A_60 : i32
      %add3A_62 = arith.constant 16 : i32
      %add3A_63 = arith.addi %mul3A_61, %add3A_62 : i32
      %get3A_64 = arith.index_cast %add3A_63 : i32 to index
      %get3A_65 = tpu.vector_load %arg23[%get3A_64] {strides = array<i32>} : memref<256xf32, #tpu.memory_space<vmem>>, vector<16xf32>,
      %max3A = arith.maximumf %get3A_59, %get3A_65 : vector<16xf32>
      %reduce_max3A = arith.constant true
      %reduce_max3A_66 = vector.broadcast %reduce_max3A : i1 to vector<16xi1>
      %reduce_max3A_67 = tpu.scan <max>, %max3A masked %reduce_max3A_66 : vector<16xf32>, vector<16xi1> -> vector<16xf32>
      %reduce_max3A_68 = vector.extract %reduce_max3A_67[15] : f32 from vector<16xf32>
      %sub3A = vector.broadcast %reduce_max3A_68 : f32 to vector<16xf32>
      %sub3A_69 = arith.subf %get3A_59, %sub3A : vector<16xf32>
      %exp3A = math.exp %sub3A_69 : vector<16xf32>
      %sub3A_70 = vector.broadcast %reduce_max3A_68 : f32 to vector<16xf32>
      %sub3A_71 = arith.subf %get3A_65, %sub3A_70 : vector<16xf32>
      %exp3A_72 = math.exp %sub3A_71 : vector<16xf32>
      %reduce_sum3A = arith.constant true
      %reduce_sum3A_73 = vector.broadcast %reduce_sum3A : i1 to vector<16xi1>
      %reduce_sum3A_74 = tpu.scan <sum>, %exp3A masked %reduce_sum3A_73 : vector<16xf32>, vector<16xi1> -> vector<16xf32>
      %reduce_sum3A_75 = vector.extract %reduce_sum3A_74[15] : f32 from vector<16xf32>
      %reduce_sum3A_76 = arith.constant true
      %reduce_sum3A_77 = vector.broadcast %reduce_sum3A_76 : i1 to vector<16xi1>
      %reduce_sum3A_78 = tpu.scan <sum>, %exp3A_72 masked %reduce_sum3A_77 : vector<16xf32>, vector<16xi1> -> vector<16xf32>
      %reduce_sum3A_79 = vector.extract %reduce_sum3A_78[15] : f32 from vector<16xf32>
      %add3A_80 = arith.addf %reduce_sum3A_75, %reduce_sum3A_79 : f32
      %div3A = vector.broadcast %add3A_80 : f32 to vector<16xf32>
      %div3A_81 = arith.divf %exp3A, %div3A : vector<16xf32>
      %mul3A_82 = arith.constant 32 : i32
      %mul3A_83 = arith.muli %scan3A_56, %mul3A_82 : i32
      %swap3A = arith.index_cast %mul3A_83 : i32 to index
      %swap3A_84 = tpu.vector_load %arg24[%swap3A] {strides = array<i32>} : memref<256xf32, #tpu.memory_space<vmem>>, vector<16xf32>,
      tpu.vector_store %arg24[%swap3A], %div3A_81 {strides = array<i32>} : memref<256xf32, #tpu.memory_space<vmem>>, vector<16xf32>,
      %div3A_85 = vector.broadcast %add3A_80 : f32 to vector<16xf32>
      %div3A_86 = arith.divf %exp3A_72, %div3A_85 : vector<16xf32>
      %mul3A_87 = arith.constant 32 : i32
      %mul3A_88 = arith.muli %scan3A_56, %mul3A_87 : i32
      %add3A_89 = arith.constant 16 : i32
      %add3A_90 = arith.addi %mul3A_88, %add3A_89 : i32
      %swap3A_91 = arith.index_cast %add3A_90 : i32 to index
      %swap3A_92 = tpu.vector_load %arg24[%swap3A_91] {strides = array<i32>} : memref<256xf32, #tpu.memory_space<vmem>>, vector<16xf32>,
      tpu.vector_store %arg24[%swap3A_91], %div3A_86 {strides = array<i32>} : memref<256xf32, #tpu.memory_space<vmem>>, vector<16xf32>,
    }
    %scan3A_46 = arith.constant 8 : i32
    %dma_wait3A_47 = arith.constant 0 : i32
    %dma_wait3A_48 = arith.constant 0 : i32
    %dma_wait3A_49 = tpu.memref_slice %arg7[%dma_wait3A_47, %dma_wait3A_48] : memref<131072x128xf32, #tpu.memory_space<hbm>> -> memref<131072x128xf32, #tpu.memory_space<hbm>>
    tpu.wait_indirect_dma semaphore(%arg31 : memref<!tpu.dma_semaphore, #tpu.memory_space<semaphore_mem>>) src(%dma_wait3A_49 : memref<131072x128xf32, #tpu.memory_space<hbm>>) dst(%arg27 : memref<256x128xf32, #tpu.memory_space<vmem>>)
    %scan3A_50 = arith.constant 0 : i32
    %scan3A_51 = arith.constant 0 : i32
    %scan3A_52 = arith.constant 8 : i32
    %scan3A_53 = arith.addi %scan3A_51, %scan3A_52 : i32
    %scan3A_54 = arith.constant 1 : i32
    scf.for %scan3A_56 = %scan3A_51 to %scan3A_53 step %scan3A_54  : i32 {
      %broadcast_in_dim3A = arith.constant 0.000000e+00 : f32
      %broadcast_in_dim3A_57 = vector.broadcast %broadcast_in_dim3A : f32 to vector<16xf32>
      %broadcast_in_dim3A_58 = arith.constant 0.000000e+00 : f32
      %broadcast_in_dim3A_59 = vector.broadcast %broadcast_in_dim3A_58 : f32 to vector<16xf32>
      %broadcast_in_dim3A_60 = arith.constant 0.000000e+00 : f32
      %broadcast_in_dim3A_61 = vector.broadcast %broadcast_in_dim3A_60 : f32 to vector<16xf32>
      %broadcast_in_dim3A_62 = arith.constant 0.000000e+00 : f32
      %broadcast_in_dim3A_63 = vector.broadcast %broadcast_in_dim3A_62 : f32 to vector<16xf32>
      %broadcast_in_dim3A_64 = arith.constant 0.000000e+00 : f32
      %broadcast_in_dim3A_65 = vector.broadcast %broadcast_in_dim3A_64 : f32 to vector<16xf32>
      %broadcast_in_dim3A_66 = arith.constant 0.000000e+00 : f32
      %broadcast_in_dim3A_67 = vector.broadcast %broadcast_in_dim3A_66 : f32 to vector<16xf32>
      %broadcast_in_dim3A_68 = arith.constant 0.000000e+00 : f32
      %broadcast_in_dim3A_69 = vector.broadcast %broadcast_in_dim3A_68 : f32 to vector<16xf32>
      %broadcast_in_dim3A_70 = arith.constant 0.000000e+00 : f32
      %broadcast_in_dim3A_71 = vector.broadcast %broadcast_in_dim3A_70 : f32 to vector<16xf32>
      %scan3A_72 = arith.constant 0 : i32
      %scan3A_73 = arith.constant 32 : i32
      %scan3A_74 = arith.addi %scan3A_72, %scan3A_73 : i32
      %scan3A_75 = arith.constant 1 : i32
      %scan3A_76:8 = scf.for %scan3A_101 = %scan3A_72 to %scan3A_74 step %scan3A_75 iter_args(%scan3A_102 = %broadcast_in_dim3A_57, %scan3A_103 = %broadcast_in_dim3A_59, %scan3A_104 = %broadcast_in_dim3A_61, %scan3A_105 = %broadcast_in_dim3A_63, %scan3A_106 = %broadcast_in_dim3A_65, %scan3A_107 = %broadcast_in_dim3A_67, %scan3A_108 = %broadcast_in_dim3A_69, %scan3A_109 = %broadcast_in_dim3A_71) -> (vector<16xf32>, vector<16xf32>, vector<16xf32>, vector<16xf32>, vector<16xf32>, vector<16xf32>, vector<16xf32>, vector<16xf32>)  : i32 {
        %broadcast_in_dim3A_110 = arith.constant 0 : i32
        %broadcast_in_dim3A_111 = vector.broadcast %broadcast_in_dim3A_110 : i32 to vector<16xi32>
        %mul3A_112 = arith.constant 32 : i32
        %mul3A_113 = arith.muli %scan3A_56, %mul3A_112 : i32
        %add3A_114 = arith.addi %mul3A_113, %scan3A_101 : i32
        %add3A_115 = vector.broadcast %add3A_114 : i32 to vector<16xi32>
        %add3A_116 = arith.addi %broadcast_in_dim3A_111, %add3A_115 : vector<16xi32>
        %gather3A = tpu.vector_load_idx %arg24[%add3A_116] : memref<256xf32, #tpu.memory_space<vmem>>[vector<16xi32>], vector<16xf32>,
        %mul3A_117 = arith.constant 32 : i32
        %mul3A_118 = arith.muli %scan3A_56, %mul3A_117 : i32
        %add3A_119 = arith.addi %mul3A_118, %scan3A_101 : i32
        %get3A = arith.index_cast %add3A_119 : i32 to index
        %get3A_120 = arith.constant 0 : index
        %get3A_121 = tpu.vector_load %arg27[%get3A, %get3A_120] {strides = array<i32>} : memref<256x128xf32, #tpu.memory_space<vmem>>, vector<16xf32>,
        %mul3A_122 = arith.mulf %get3A_121, %gather3A : vector<16xf32>
        %add3A_123 = arith.addf %scan3A_102, %mul3A_122 : vector<16xf32>
        %get3A_124 = arith.index_cast %add3A_119 : i32 to index
        %get3A_125 = arith.constant 16 : index
        %get3A_126 = tpu.vector_load %arg27[%get3A_124, %get3A_125] {strides = array<i32>} : memref<256x128xf32, #tpu.memory_space<vmem>>, vector<16xf32>,
        %mul3A_127 = arith.mulf %get3A_126, %gather3A : vector<16xf32>
        %add3A_128 = arith.addf %scan3A_103, %mul3A_127 : vector<16xf32>
        %get3A_129 = arith.index_cast %add3A_119 : i32 to index
        %get3A_130 = arith.constant 32 : index
        %get3A_131 = tpu.vector_load %arg27[%get3A_129, %get3A_130] {strides = array<i32>} : memref<256x128xf32, #tpu.memory_space<vmem>>, vector<16xf32>,
        %mul3A_132 = arith.mulf %get3A_131, %gather3A : vector<16xf32>
        %add3A_133 = arith.addf %scan3A_104, %mul3A_132 : vector<16xf32>
        %get3A_134 = arith.index_cast %add3A_119 : i32 to index
        %get3A_135 = arith.constant 48 : index
        %get3A_136 = tpu.vector_load %arg27[%get3A_134, %get3A_135] {strides = array<i32>} : memref<256x128xf32, #tpu.memory_space<vmem>>, vector<16xf32>,
        %mul3A_137 = arith.mulf %get3A_136, %gather3A : vector<16xf32>
        %add3A_138 = arith.addf %scan3A_105, %mul3A_137 : vector<16xf32>
        %get3A_139 = arith.index_cast %add3A_119 : i32 to index
        %get3A_140 = arith.constant 64 : index
        %get3A_141 = tpu.vector_load %arg27[%get3A_139, %get3A_140] {strides = array<i32>} : memref<256x128xf32, #tpu.memory_space<vmem>>, vector<16xf32>,
        %mul3A_142 = arith.mulf %get3A_141, %gather3A : vector<16xf32>
        %add3A_143 = arith.addf %scan3A_106, %mul3A_142 : vector<16xf32>
        %get3A_144 = arith.index_cast %add3A_119 : i32 to index
        %get3A_145 = arith.constant 80 : index
        %get3A_146 = tpu.vector_load %arg27[%get3A_144, %get3A_145] {strides = array<i32>} : memref<256x128xf32, #tpu.memory_space<vmem>>, vector<16xf32>,
        %mul3A_147 = arith.mulf %get3A_146, %gather3A : vector<16xf32>
        %add3A_148 = arith.addf %scan3A_107, %mul3A_147 : vector<16xf32>
        %get3A_149 = arith.index_cast %add3A_119 : i32 to index
        %get3A_150 = arith.constant 96 : index
        %get3A_151 = tpu.vector_load %arg27[%get3A_149, %get3A_150] {strides = array<i32>} : memref<256x128xf32, #tpu.memory_space<vmem>>, vector<16xf32>,
        %mul3A_152 = arith.mulf %get3A_151, %gather3A : vector<16xf32>
        %add3A_153 = arith.addf %scan3A_108, %mul3A_152 : vector<16xf32>
        %get3A_154 = arith.index_cast %add3A_119 : i32 to index
        %get3A_155 = arith.constant 112 : index
        %get3A_156 = tpu.vector_load %arg27[%get3A_154, %get3A_155] {strides = array<i32>} : memref<256x128xf32, #tpu.memory_space<vmem>>, vector<16xf32>,
        %mul3A_157 = arith.mulf %get3A_156, %gather3A : vector<16xf32>
        %add3A_158 = arith.addf %scan3A_109, %mul3A_157 : vector<16xf32>
        scf.yield %add3A_123, %add3A_128, %add3A_133, %add3A_138, %add3A_143, %add3A_148, %add3A_153, %add3A_158 : vector<16xf32>, vector<16xf32>, vector<16xf32>, vector<16xf32>, vector<16xf32>, vector<16xf32>, vector<16xf32>, vector<16xf32>
      }
      %scan3A_77 = arith.constant 32 : i32
      %swap3A = arith.index_cast %scan3A_56 : i32 to index
      %swap3A_78 = arith.constant 0 : index
      %swap3A_79 = tpu.vector_load %arg28[%swap3A, %swap3A_78] {strides = array<i32>} : memref<8x128xf32, #tpu.memory_space<vmem>>, vector<16xf32>,
      tpu.vector_store %arg28[%swap3A, %swap3A_78], %scan3A_76#0 {strides = array<i32>} : memref<8x128xf32, #tpu.memory_space<vmem>>, vector<16xf32>,
      %swap3A_80 = arith.index_cast %scan3A_56 : i32 to index
      %swap3A_81 = arith.constant 16 : index
      %swap3A_82 = tpu.vector_load %arg28[%swap3A_80, %swap3A_81] {strides = array<i32>} : memref<8x128xf32, #tpu.memory_space<vmem>>, vector<16xf32>,
      tpu.vector_store %arg28[%swap3A_80, %swap3A_81], %scan3A_76#1 {strides = array<i32>} : memref<8x128xf32, #tpu.memory_space<vmem>>, vector<16xf32>,
      %swap3A_83 = arith.index_cast %scan3A_56 : i32 to index
      %swap3A_84 = arith.constant 32 : index
      %swap3A_85 = tpu.vector_load %arg28[%swap3A_83, %swap3A_84] {strides = array<i32>} : memref<8x128xf32, #tpu.memory_space<vmem>>, vector<16xf32>,
      tpu.vector_store %arg28[%swap3A_83, %swap3A_84], %scan3A_76#2 {strides = array<i32>} : memref<8x128xf32, #tpu.memory_space<vmem>>, vector<16xf32>,
      %swap3A_86 = arith.index_cast %scan3A_56 : i32 to index
      %swap3A_87 = arith.constant 48 : index
      %swap3A_88 = tpu.vector_load %arg28[%swap3A_86, %swap3A_87] {strides = array<i32>} : memref<8x128xf32, #tpu.memory_space<vmem>>, vector<16xf32>,
      tpu.vector_store %arg28[%swap3A_86, %swap3A_87], %scan3A_76#3 {strides = array<i32>} : memref<8x128xf32, #tpu.memory_space<vmem>>, vector<16xf32>,
      %swap3A_89 = arith.index_cast %scan3A_56 : i32 to index
      %swap3A_90 = arith.constant 64 : index
      %swap3A_91 = tpu.vector_load %arg28[%swap3A_89, %swap3A_90] {strides = array<i32>} : memref<8x128xf32, #tpu.memory_space<vmem>>, vector<16xf32>,
      tpu.vector_store %arg28[%swap3A_89, %swap3A_90], %scan3A_76#4 {strides = array<i32>} : memref<8x128xf32, #tpu.memory_space<vmem>>, vector<16xf32>,
      %swap3A_92 = arith.index_cast %scan3A_56 : i32 to index
      %swap3A_93 = arith.constant 80 : index
      %swap3A_94 = tpu.vector_load %arg28[%swap3A_92, %swap3A_93] {strides = array<i32>} : memref<8x128xf32, #tpu.memory_space<vmem>>, vector<16xf32>,
      tpu.vector_store %arg28[%swap3A_92, %swap3A_93], %scan3A_76#5 {strides = array<i32>} : memref<8x128xf32, #tpu.memory_space<vmem>>, vector<16xf32>,
      %swap3A_95 = arith.index_cast %scan3A_56 : i32 to index
      %swap3A_96 = arith.constant 96 : index
      %swap3A_97 = tpu.vector_load %arg28[%swap3A_95, %swap3A_96] {strides = array<i32>} : memref<8x128xf32, #tpu.memory_space<vmem>>, vector<16xf32>,
      tpu.vector_store %arg28[%swap3A_95, %swap3A_96], %scan3A_76#6 {strides = array<i32>} : memref<8x128xf32, #tpu.memory_space<vmem>>, vector<16xf32>,
      %swap3A_98 = arith.index_cast %scan3A_56 : i32 to index
      %swap3A_99 = arith.constant 112 : index
      %swap3A_100 = tpu.vector_load %arg28[%swap3A_98, %swap3A_99] {strides = array<i32>} : memref<8x128xf32, #tpu.memory_space<vmem>>, vector<16xf32>,
      tpu.vector_store %arg28[%swap3A_98, %swap3A_99], %scan3A_76#7 {strides = array<i32>} : memref<8x128xf32, #tpu.memory_space<vmem>>, vector<16xf32>,
    }
    %scan3A_55 = arith.constant 8 : i32
    "tpu.region"() ({
      %run_scoped3A = tpu.sem_alloc : memref<!tpu.dma_semaphore, #tpu.memory_space<semaphore_mem>>
      %dma_start3A_56 = tpu.memref_slice %arg9[%mul3A_2] : memref<8192xf32, #tpu.memory_space<hbm>> -> memref<256xf32, #tpu.memory_space<hbm>>
      %dma_start3A_57 = tpu.memref_slice %arg9[%mul3A_2] : memref<8192xf32, #tpu.memory_space<hbm>> -> memref<256xf32, #tpu.memory_space<hbm>>
      tpu.enqueue_dma source(%arg23 : memref<256xf32, #tpu.memory_space<vmem>>) target(%dma_start3A_57 : memref<256xf32, #tpu.memory_space<hbm>>) target_semaphore(%run_scoped3A : memref<!tpu.dma_semaphore, #tpu.memory_space<semaphore_mem>>)
      %dma_wait3A_58 = tpu.memref_slice %arg9[%mul3A_2] : memref<8192xf32, #tpu.memory_space<hbm>> -> memref<256xf32, #tpu.memory_space<hbm>>
      %dma_wait3A_59 = tpu.memref_slice %arg9[%mul3A_2] : memref<8192xf32, #tpu.memory_space<hbm>> -> memref<256xf32, #tpu.memory_space<hbm>>
      tpu.wait_dma2 semaphore(%run_scoped3A : memref<!tpu.dma_semaphore, #tpu.memory_space<semaphore_mem>>) src(%arg23 : memref<256xf32, #tpu.memory_space<vmem>>) dst(%dma_wait3A_59 : memref<256xf32, #tpu.memory_space<hbm>>)
      tpu.yield
    }) : () -> ()
    "tpu.region"() ({
      %run_scoped3A = tpu.sem_alloc : memref<!tpu.dma_semaphore, #tpu.memory_space<semaphore_mem>>
      %dma_start3A_56 = tpu.memref_slice %arg10[%mul3A_2] : memref<8192xf32, #tpu.memory_space<hbm>> -> memref<256xf32, #tpu.memory_space<hbm>>
      %dma_start3A_57 = tpu.memref_slice %arg10[%mul3A_2] : memref<8192xf32, #tpu.memory_space<hbm>> -> memref<256xf32, #tpu.memory_space<hbm>>
      tpu.enqueue_dma source(%arg24 : memref<256xf32, #tpu.memory_space<vmem>>) target(%dma_start3A_57 : memref<256xf32, #tpu.memory_space<hbm>>) target_semaphore(%run_scoped3A : memref<!tpu.dma_semaphore, #tpu.memory_space<semaphore_mem>>)
      %dma_wait3A_58 = tpu.memref_slice %arg10[%mul3A_2] : memref<8192xf32, #tpu.memory_space<hbm>> -> memref<256xf32, #tpu.memory_space<hbm>>
      %dma_wait3A_59 = tpu.memref_slice %arg10[%mul3A_2] : memref<8192xf32, #tpu.memory_space<hbm>> -> memref<256xf32, #tpu.memory_space<hbm>>
      tpu.wait_dma2 semaphore(%run_scoped3A : memref<!tpu.dma_semaphore, #tpu.memory_space<semaphore_mem>>) src(%arg24 : memref<256xf32, #tpu.memory_space<vmem>>) dst(%dma_wait3A_59 : memref<256xf32, #tpu.memory_space<hbm>>)
      tpu.yield
    }) : () -> ()
    "tpu.region"() ({
      %run_scoped3A = tpu.sem_alloc : memref<!tpu.dma_semaphore, #tpu.memory_space<semaphore_mem>>
      %dma_start3A_56 = arith.constant 0 : i32
      %dma_start3A_57 = tpu.memref_slice %arg11[%mul3A_2, %dma_start3A_56] : memref<8192x128xf32, #tpu.memory_space<hbm>> -> memref<256x128xf32, #tpu.memory_space<hbm>>
      %dma_start3A_58 = arith.constant 0 : i32
      %dma_start3A_59 = tpu.memref_slice %arg11[%mul3A_2, %dma_start3A_58] : memref<8192x128xf32, #tpu.memory_space<hbm>> -> memref<256x128xf32, #tpu.memory_space<hbm>>
      tpu.enqueue_dma source(%arg27 : memref<256x128xf32, #tpu.memory_space<vmem>>) target(%dma_start3A_59 : memref<256x128xf32, #tpu.memory_space<hbm>>) target_semaphore(%run_scoped3A : memref<!tpu.dma_semaphore, #tpu.memory_space<semaphore_mem>>)
      %dma_wait3A_60 = arith.constant 0 : i32
      %dma_wait3A_61 = tpu.memref_slice %arg11[%mul3A_2, %dma_wait3A_60] : memref<8192x128xf32, #tpu.memory_space<hbm>> -> memref<256x128xf32, #tpu.memory_space<hbm>>
      %dma_wait3A_62 = arith.constant 0 : i32
      %dma_wait3A_63 = tpu.memref_slice %arg11[%mul3A_2, %dma_wait3A_62] : memref<8192x128xf32, #tpu.memory_space<hbm>> -> memref<256x128xf32, #tpu.memory_space<hbm>>
      tpu.wait_dma2 semaphore(%run_scoped3A : memref<!tpu.dma_semaphore, #tpu.memory_space<semaphore_mem>>) src(%arg27 : memref<256x128xf32, #tpu.memory_space<vmem>>) dst(%dma_wait3A_63 : memref<256x128xf32, #tpu.memory_space<hbm>>)
      tpu.yield
    }) : () -> ()
    "tpu.region"() ({
      %run_scoped3A = tpu.sem_alloc : memref<!tpu.dma_semaphore, #tpu.memory_space<semaphore_mem>>
      %dma_start3A_56 = arith.constant 0 : i32
      %dma_start3A_57 = tpu.memref_slice %arg12[%mul3A_4, %dma_start3A_56] : memref<256x128xf32, #tpu.memory_space<hbm>> -> memref<8x128xf32, #tpu.memory_space<hbm>>
      %dma_start3A_58 = arith.constant 0 : i32
      %dma_start3A_59 = tpu.memref_slice %arg12[%mul3A_4, %dma_start3A_58] : memref<256x128xf32, #tpu.memory_space<hbm>> -> memref<8x128xf32, #tpu.memory_space<hbm>>
      tpu.enqueue_dma source(%arg28 : memref<8x128xf32, #tpu.memory_space<vmem>>) target(%dma_start3A_59 : memref<8x128xf32, #tpu.memory_space<hbm>>) target_semaphore(%run_scoped3A : memref<!tpu.dma_semaphore, #tpu.memory_space<semaphore_mem>>)
      %dma_wait3A_60 = arith.constant 0 : i32
      %dma_wait3A_61 = tpu.memref_slice %arg12[%mul3A_4, %dma_wait3A_60] : memref<256x128xf32, #tpu.memory_space<hbm>> -> memref<8x128xf32, #tpu.memory_space<hbm>>
      %dma_wait3A_62 = arith.constant 0 : i32
      %dma_wait3A_63 = tpu.memref_slice %arg12[%mul3A_4, %dma_wait3A_62] : memref<256x128xf32, #tpu.memory_space<hbm>> -> memref<8x128xf32, #tpu.memory_space<hbm>>
      tpu.wait_dma2 semaphore(%run_scoped3A : memref<!tpu.dma_semaphore, #tpu.memory_space<semaphore_mem>>) src(%arg28 : memref<8x128xf32, #tpu.memory_space<vmem>>) dst(%dma_wait3A_63 : memref<8x128xf32, #tpu.memory_space<hbm>>)
      tpu.yield
    }) : () -> ()
    "tpu.region"() ({
      %run_scoped3A = tpu.sem_alloc : memref<!tpu.dma_semaphore, #tpu.memory_space<semaphore_mem>>
      %dma_start3A_56 = tpu.memref_slice %arg13[%mul3A_2] : memref<8192xi32, #tpu.memory_space<hbm>> -> memref<256xi32, #tpu.memory_space<hbm>>
      %dma_start3A_57 = tpu.memref_slice %arg13[%mul3A_2] : memref<8192xi32, #tpu.memory_space<hbm>> -> memref<256xi32, #tpu.memory_space<hbm>>
      tpu.enqueue_dma source(%arg25 : memref<256xi32, #tpu.memory_space<vmem>>) target(%dma_start3A_57 : memref<256xi32, #tpu.memory_space<hbm>>) target_semaphore(%run_scoped3A : memref<!tpu.dma_semaphore, #tpu.memory_space<semaphore_mem>>)
      %dma_wait3A_58 = tpu.memref_slice %arg13[%mul3A_2] : memref<8192xi32, #tpu.memory_space<hbm>> -> memref<256xi32, #tpu.memory_space<hbm>>
      %dma_wait3A_59 = tpu.memref_slice %arg13[%mul3A_2] : memref<8192xi32, #tpu.memory_space<hbm>> -> memref<256xi32, #tpu.memory_space<hbm>>
      tpu.wait_dma2 semaphore(%run_scoped3A : memref<!tpu.dma_semaphore, #tpu.memory_space<semaphore_mem>>) src(%arg25 : memref<256xi32, #tpu.memory_space<vmem>>) dst(%dma_wait3A_59 : memref<256xi32, #tpu.memory_space<hbm>>)
      tpu.yield
    }) : () -> ()
    "tpu.region"() ({
      %run_scoped3A = tpu.sem_alloc : memref<!tpu.dma_semaphore, #tpu.memory_space<semaphore_mem>>
      %dma_start3A_56 = tpu.memref_slice %arg14[%mul3A_2] : memref<8192xi32, #tpu.memory_space<hbm>> -> memref<256xi32, #tpu.memory_space<hbm>>
      %dma_start3A_57 = tpu.memref_slice %arg14[%mul3A_2] : memref<8192xi32, #tpu.memory_space<hbm>> -> memref<256xi32, #tpu.memory_space<hbm>>
      tpu.enqueue_dma source(%arg22 : memref<256xi32, #tpu.memory_space<vmem>>) target(%dma_start3A_57 : memref<256xi32, #tpu.memory_space<hbm>>) target_semaphore(%run_scoped3A : memref<!tpu.dma_semaphore, #tpu.memory_space<semaphore_mem>>)
      %dma_wait3A_58 = tpu.memref_slice %arg14[%mul3A_2] : memref<8192xi32, #tpu.memory_space<hbm>> -> memref<256xi32, #tpu.memory_space<hbm>>
      %dma_wait3A_59 = tpu.memref_slice %arg14[%mul3A_2] : memref<8192xi32, #tpu.memory_space<hbm>> -> memref<256xi32, #tpu.memory_space<hbm>>
      tpu.wait_dma2 semaphore(%run_scoped3A : memref<!tpu.dma_semaphore, #tpu.memory_space<semaphore_mem>>) src(%arg22 : memref<256xi32, #tpu.memory_space<vmem>>) dst(%dma_wait3A_59 : memref<256xi32, #tpu.memory_space<hbm>>)
      tpu.yield
    }) : () -> ()
    "tpu.region"() ({
      %run_scoped3A = tpu.sem_alloc : memref<!tpu.dma_semaphore, #tpu.memory_space<semaphore_mem>>
      %dma_start3A_56 = tpu.memref_slice %arg15[%mul3A_2] : memref<8192xi32, #tpu.memory_space<hbm>> -> memref<256xi32, #tpu.memory_space<hbm>>
      %dma_start3A_57 = tpu.memref_slice %arg15[%mul3A_2] : memref<8192xi32, #tpu.memory_space<hbm>> -> memref<256xi32, #tpu.memory_space<hbm>>
      tpu.enqueue_dma source(%arg26 : memref<256xi32, #tpu.memory_space<vmem>>) target(%dma_start3A_57 : memref<256xi32, #tpu.memory_space<hbm>>) target_semaphore(%run_scoped3A : memref<!tpu.dma_semaphore, #tpu.memory_space<semaphore_mem>>)
      %dma_wait3A_58 = tpu.memref_slice %arg15[%mul3A_2] : memref<8192xi32, #tpu.memory_space<hbm>> -> memref<256xi32, #tpu.memory_space<hbm>>
      %dma_wait3A_59 = tpu.memref_slice %arg15[%mul3A_2] : memref<8192xi32, #tpu.memory_space<hbm>> -> memref<256xi32, #tpu.memory_space<hbm>>
      tpu.wait_dma2 semaphore(%run_scoped3A : memref<!tpu.dma_semaphore, #tpu.memory_space<semaphore_mem>>) src(%arg26 : memref<256xi32, #tpu.memory_space<vmem>>) dst(%dma_wait3A_59 : memref<256xi32, #tpu.memory_space<hbm>>)
      tpu.yield
    }) : () -> ()
    return
  }
}

module attributes {stable_mosaic.version = 14 : i64} {
  func.func @_fused_body(%arg0: i32, %arg1: memref<256x128xf32, #tpu.memory_space<vmem>>, %arg2: memref<256x1x1x128xf32, #tpu.memory_space<vmem>>, %arg3: memref<256x1x1x128xf32, #tpu.memory_space<vmem>>, %arg4: memref<256x1x1x128xf32, #tpu.memory_space<vmem>>, %arg5: memref<256x1x1x128xf32, #tpu.memory_space<vmem>>, %arg6: memref<256x1x1x128xf32, #tpu.memory_space<vmem>>, %arg7: memref<256x1x1x128xf32, #tpu.memory_space<vmem>>, %arg8: memref<256x1x1x128xf32, #tpu.memory_space<vmem>>, %arg9: memref<256x1x1x128xf32, #tpu.memory_space<vmem>>, %arg10: memref<256x1x1x128xf32, #tpu.memory_space<vmem>>, %arg11: memref<256x1x1x128xf32, #tpu.memory_space<vmem>>, %arg12: memref<256x1x1x128xf32, #tpu.memory_space<vmem>>, %arg13: memref<256x1x1x128xf32, #tpu.memory_space<vmem>>, %arg14: memref<256x1x1x128xf32, #tpu.memory_space<vmem>>, %arg15: memref<256x1x1x128xf32, #tpu.memory_space<vmem>>, %arg16: memref<256x1x1x128xf32, #tpu.memory_space<vmem>>, %arg17: memref<256x1x1x128xf32, #tpu.memory_space<vmem>>, %arg18: memref<256x1x1x128xf32, #tpu.memory_space<vmem>>, %arg19: memref<256x1x1x128xf32, #tpu.memory_space<vmem>>, %arg20: memref<256x1x1x128xf32, #tpu.memory_space<vmem>>, %arg21: memref<256x1x1x128xf32, #tpu.memory_space<vmem>>, %arg22: memref<256x1x1x128xf32, #tpu.memory_space<vmem>>, %arg23: memref<256x1x1x128xf32, #tpu.memory_space<vmem>>, %arg24: memref<256x1x1x128xf32, #tpu.memory_space<vmem>>, %arg25: memref<256x1x1x128xf32, #tpu.memory_space<vmem>>, %arg26: memref<256x1x1x128xf32, #tpu.memory_space<vmem>>, %arg27: memref<256x1x1x128xf32, #tpu.memory_space<vmem>>, %arg28: memref<256x1x1x128xf32, #tpu.memory_space<vmem>>, %arg29: memref<256x1x1x128xf32, #tpu.memory_space<vmem>>, %arg30: memref<256x1x1x128xf32, #tpu.memory_space<vmem>>, %arg31: memref<256x1x1x128xf32, #tpu.memory_space<vmem>>, %arg32: memref<256x1x1x128xf32, #tpu.memory_space<vmem>>, %arg33: memref<256x1x1x128xf32, #tpu.memory_space<vmem>>, %arg34: memref<256x256xi32, #tpu.memory_space<vmem>>, %arg35: memref<256x32xf32, #tpu.memory_space<vmem>>, %arg36: memref<256x32xi32, #tpu.memory_space<vmem>>, %arg37: memref<16x256x256xf32, #tpu.memory_space<vmem>>) attributes {dimension_semantics = [#tpu.dimension_semantics<arbitrary>], iteration_bounds = array<i64: 16>, scalar_prefetch = 0 : i64, scratch_operands = 1 : i64, tpu.core_type = #tpu.core_type<tc>, window_params = [{pipeline_mode = #tpu.pipeline_mode<synchronous>, transform_indices = @transform_0, window_bounds = array<i64: 256, 128>}, {transform_indices = @transform_1, window_bounds = array<i64: 256, 1, 1, 128>}, {transform_indices = @transform_2, window_bounds = array<i64: 256, 1, 1, 128>}, {transform_indices = @transform_3, window_bounds = array<i64: 256, 1, 1, 128>}, {transform_indices = @transform_4, window_bounds = array<i64: 256, 1, 1, 128>}, {transform_indices = @transform_5, window_bounds = array<i64: 256, 1, 1, 128>}, {transform_indices = @transform_6, window_bounds = array<i64: 256, 1, 1, 128>}, {transform_indices = @transform_7, window_bounds = array<i64: 256, 1, 1, 128>}, {transform_indices = @transform_8, window_bounds = array<i64: 256, 1, 1, 128>}, {transform_indices = @transform_9, window_bounds = array<i64: 256, 1, 1, 128>}, {transform_indices = @transform_10, window_bounds = array<i64: 256, 1, 1, 128>}, {transform_indices = @transform_11, window_bounds = array<i64: 256, 1, 1, 128>}, {transform_indices = @transform_12, window_bounds = array<i64: 256, 1, 1, 128>}, {transform_indices = @transform_13, window_bounds = array<i64: 256, 1, 1, 128>}, {transform_indices = @transform_14, window_bounds = array<i64: 256, 1, 1, 128>}, {transform_indices = @transform_15, window_bounds = array<i64: 256, 1, 1, 128>}, {transform_indices = @transform_16, window_bounds = array<i64: 256, 1, 1, 128>}, {transform_indices = @transform_17, window_bounds = array<i64: 256, 1, 1, 128>}, {transform_indices = @transform_18, window_bounds = array<i64: 256, 1, 1, 128>}, {transform_indices = @transform_19, window_bounds = array<i64: 256, 1, 1, 128>}, {transform_indices = @transform_20, window_bounds = array<i64: 256, 1, 1, 128>}, {transform_indices = @transform_21, window_bounds = array<i64: 256, 1, 1, 128>}, {transform_indices = @transform_22, window_bounds = array<i64: 256, 1, 1, 128>}, {transform_indices = @transform_23, window_bounds = array<i64: 256, 1, 1, 128>}, {transform_indices = @transform_24, window_bounds = array<i64: 256, 1, 1, 128>}, {transform_indices = @transform_25, window_bounds = array<i64: 256, 1, 1, 128>}, {transform_indices = @transform_26, window_bounds = array<i64: 256, 1, 1, 128>}, {transform_indices = @transform_27, window_bounds = array<i64: 256, 1, 1, 128>}, {transform_indices = @transform_28, window_bounds = array<i64: 256, 1, 1, 128>}, {transform_indices = @transform_29, window_bounds = array<i64: 256, 1, 1, 128>}, {transform_indices = @transform_30, window_bounds = array<i64: 256, 1, 1, 128>}, {transform_indices = @transform_31, window_bounds = array<i64: 256, 1, 1, 128>}, {transform_indices = @transform_32, window_bounds = array<i64: 256, 1, 1, 128>}, {transform_indices = @transform_33, window_bounds = array<i64: 256, 256>}, {pipeline_mode = #tpu.pipeline_mode<synchronous>, transform_indices = @transform_34, window_bounds = array<i64: 256, 32>}, {pipeline_mode = #tpu.pipeline_mode<synchronous>, transform_indices = @transform_35, window_bounds = array<i64: 256, 32>}]} {
    %get3A = arith.constant 0 : index
    %get3A_0 = arith.constant 0 : index
    %get3A_1 = vector.load %arg1[%get3A, %get3A_0] : memref<256x128xf32, #tpu.memory_space<vmem>>, vector<256x128xf32>
    %get3A_2 = arith.constant 0 : index
    %get3A_3 = arith.constant 0 : index
    %get3A_4 = arith.constant 0 : index
    %get3A_5 = arith.constant 0 : index
    %get3A_6 = vector.load %arg2[%get3A_2, %get3A_3, %get3A_4, %get3A_5] : memref<256x1x1x128xf32, #tpu.memory_space<vmem>>, vector<256x1x1x128xf32>
    %get3A_7 = vector.shape_cast %get3A_6 : vector<256x1x1x128xf32> to vector<256x128xf32>
    %dot_general3A = arith.constant dense<0.000000e+00> : vector<256x256xf32>
    %dot_general3A_8 = tpu.matmul %get3A_1, %get3A_7, %dot_general3A {dimension_numbers = #tpu.dot_dimension_numbers<[1], [1], [0], [0], [0, 0, 1, 0], [], []>, transpose_lhs_hint = false} : vector<256x128xf32>, vector<256x128xf32>, vector<256x256xf32> -> vector<256x256xf32>
    %broadcast_in_dim3A = arith.constant 0 : i32
    %broadcast_in_dim3A_9 = vector.broadcast %broadcast_in_dim3A : i32 to vector<256x256xi32>
    %get3A_10 = arith.constant 0 : index
    %get3A_11 = arith.constant 0 : index
    %get3A_12 = arith.constant 0 : index
    %get3A_13 = arith.constant 0 : index
    %get3A_14 = vector.load %arg3[%get3A_10, %get3A_11, %get3A_12, %get3A_13] : memref<256x1x1x128xf32, #tpu.memory_space<vmem>>, vector<256x1x1x128xf32>
    %get3A_15 = vector.shape_cast %get3A_14 : vector<256x1x1x128xf32> to vector<256x128xf32>
    %dot_general3A_16 = arith.constant dense<0.000000e+00> : vector<256x256xf32>
    %dot_general3A_17 = tpu.matmul %get3A_1, %get3A_15, %dot_general3A_16 {dimension_numbers = #tpu.dot_dimension_numbers<[1], [1], [0], [0], [0, 0, 1, 0], [], []>, transpose_lhs_hint = false} : vector<256x128xf32>, vector<256x128xf32>, vector<256x256xf32> -> vector<256x256xf32>
    %gt3A = arith.cmpf ogt, %dot_general3A_17, %dot_general3A_8 : vector<256x256xf32>
    %max3A = arith.maximumf %dot_general3A_17, %dot_general3A_8 : vector<256x256xf32>
    %jit3A = arith.constant 1 : i32
    %broadcast_in_dim3A_18 = vector.broadcast %jit3A : i32 to vector<256x256xi32>
    %select_n3A = arith.select %gt3A, %broadcast_in_dim3A_18, %broadcast_in_dim3A_9 : vector<256x256xi1>, vector<256x256xi32>
    %get3A_19 = arith.constant 0 : index
    %get3A_20 = arith.constant 0 : index
    %get3A_21 = arith.constant 0 : index
    %get3A_22 = arith.constant 0 : index
    %get3A_23 = vector.load %arg4[%get3A_19, %get3A_20, %get3A_21, %get3A_22] : memref<256x1x1x128xf32, #tpu.memory_space<vmem>>, vector<256x1x1x128xf32>
    %get3A_24 = vector.shape_cast %get3A_23 : vector<256x1x1x128xf32> to vector<256x128xf32>
    %dot_general3A_25 = arith.constant dense<0.000000e+00> : vector<256x256xf32>
    %dot_general3A_26 = tpu.matmul %get3A_1, %get3A_24, %dot_general3A_25 {dimension_numbers = #tpu.dot_dimension_numbers<[1], [1], [0], [0], [0, 0, 1, 0], [], []>, transpose_lhs_hint = false} : vector<256x128xf32>, vector<256x128xf32>, vector<256x256xf32> -> vector<256x256xf32>
    %gt3A_27 = arith.cmpf ogt, %dot_general3A_26, %max3A : vector<256x256xf32>
    %max3A_28 = arith.maximumf %dot_general3A_26, %max3A : vector<256x256xf32>
    %jit3A_29 = arith.constant 2 : i32
    %broadcast_in_dim3A_30 = vector.broadcast %jit3A_29 : i32 to vector<256x256xi32>
    %select_n3A_31 = arith.select %gt3A_27, %broadcast_in_dim3A_30, %select_n3A : vector<256x256xi1>, vector<256x256xi32>
    %get3A_32 = arith.constant 0 : index
    %get3A_33 = arith.constant 0 : index
    %get3A_34 = arith.constant 0 : index
    %get3A_35 = arith.constant 0 : index
    %get3A_36 = vector.load %arg5[%get3A_32, %get3A_33, %get3A_34, %get3A_35] : memref<256x1x1x128xf32, #tpu.memory_space<vmem>>, vector<256x1x1x128xf32>
    %get3A_37 = vector.shape_cast %get3A_36 : vector<256x1x1x128xf32> to vector<256x128xf32>
    %dot_general3A_38 = arith.constant dense<0.000000e+00> : vector<256x256xf32>
    %dot_general3A_39 = tpu.matmul %get3A_1, %get3A_37, %dot_general3A_38 {dimension_numbers = #tpu.dot_dimension_numbers<[1], [1], [0], [0], [0, 0, 1, 0], [], []>, transpose_lhs_hint = false} : vector<256x128xf32>, vector<256x128xf32>, vector<256x256xf32> -> vector<256x256xf32>
    %gt3A_40 = arith.cmpf ogt, %dot_general3A_39, %max3A_28 : vector<256x256xf32>
    %max3A_41 = arith.maximumf %dot_general3A_39, %max3A_28 : vector<256x256xf32>
    %jit3A_42 = arith.constant 3 : i32
    %broadcast_in_dim3A_43 = vector.broadcast %jit3A_42 : i32 to vector<256x256xi32>
    %select_n3A_44 = arith.select %gt3A_40, %broadcast_in_dim3A_43, %select_n3A_31 : vector<256x256xi1>, vector<256x256xi32>
    %get3A_45 = arith.constant 0 : index
    %get3A_46 = arith.constant 0 : index
    %get3A_47 = arith.constant 0 : index
    %get3A_48 = arith.constant 0 : index
    %get3A_49 = vector.load %arg6[%get3A_45, %get3A_46, %get3A_47, %get3A_48] : memref<256x1x1x128xf32, #tpu.memory_space<vmem>>, vector<256x1x1x128xf32>
    %get3A_50 = vector.shape_cast %get3A_49 : vector<256x1x1x128xf32> to vector<256x128xf32>
    %dot_general3A_51 = arith.constant dense<0.000000e+00> : vector<256x256xf32>
    %dot_general3A_52 = tpu.matmul %get3A_1, %get3A_50, %dot_general3A_51 {dimension_numbers = #tpu.dot_dimension_numbers<[1], [1], [0], [0], [0, 0, 1, 0], [], []>, transpose_lhs_hint = false} : vector<256x128xf32>, vector<256x128xf32>, vector<256x256xf32> -> vector<256x256xf32>
    %gt3A_53 = arith.cmpf ogt, %dot_general3A_52, %max3A_41 : vector<256x256xf32>
    %max3A_54 = arith.maximumf %dot_general3A_52, %max3A_41 : vector<256x256xf32>
    %jit3A_55 = arith.constant 4 : i32
    %broadcast_in_dim3A_56 = vector.broadcast %jit3A_55 : i32 to vector<256x256xi32>
    %select_n3A_57 = arith.select %gt3A_53, %broadcast_in_dim3A_56, %select_n3A_44 : vector<256x256xi1>, vector<256x256xi32>
    %get3A_58 = arith.constant 0 : index
    %get3A_59 = arith.constant 0 : index
    %get3A_60 = arith.constant 0 : index
    %get3A_61 = arith.constant 0 : index
    %get3A_62 = vector.load %arg7[%get3A_58, %get3A_59, %get3A_60, %get3A_61] : memref<256x1x1x128xf32, #tpu.memory_space<vmem>>, vector<256x1x1x128xf32>
    %get3A_63 = vector.shape_cast %get3A_62 : vector<256x1x1x128xf32> to vector<256x128xf32>
    %dot_general3A_64 = arith.constant dense<0.000000e+00> : vector<256x256xf32>
    %dot_general3A_65 = tpu.matmul %get3A_1, %get3A_63, %dot_general3A_64 {dimension_numbers = #tpu.dot_dimension_numbers<[1], [1], [0], [0], [0, 0, 1, 0], [], []>, transpose_lhs_hint = false} : vector<256x128xf32>, vector<256x128xf32>, vector<256x256xf32> -> vector<256x256xf32>
    %gt3A_66 = arith.cmpf ogt, %dot_general3A_65, %max3A_54 : vector<256x256xf32>
    %max3A_67 = arith.maximumf %dot_general3A_65, %max3A_54 : vector<256x256xf32>
    %jit3A_68 = arith.constant 5 : i32
    %broadcast_in_dim3A_69 = vector.broadcast %jit3A_68 : i32 to vector<256x256xi32>
    %select_n3A_70 = arith.select %gt3A_66, %broadcast_in_dim3A_69, %select_n3A_57 : vector<256x256xi1>, vector<256x256xi32>
    %get3A_71 = arith.constant 0 : index
    %get3A_72 = arith.constant 0 : index
    %get3A_73 = arith.constant 0 : index
    %get3A_74 = arith.constant 0 : index
    %get3A_75 = vector.load %arg8[%get3A_71, %get3A_72, %get3A_73, %get3A_74] : memref<256x1x1x128xf32, #tpu.memory_space<vmem>>, vector<256x1x1x128xf32>
    %get3A_76 = vector.shape_cast %get3A_75 : vector<256x1x1x128xf32> to vector<256x128xf32>
    %dot_general3A_77 = arith.constant dense<0.000000e+00> : vector<256x256xf32>
    %dot_general3A_78 = tpu.matmul %get3A_1, %get3A_76, %dot_general3A_77 {dimension_numbers = #tpu.dot_dimension_numbers<[1], [1], [0], [0], [0, 0, 1, 0], [], []>, transpose_lhs_hint = false} : vector<256x128xf32>, vector<256x128xf32>, vector<256x256xf32> -> vector<256x256xf32>
    %gt3A_79 = arith.cmpf ogt, %dot_general3A_78, %max3A_67 : vector<256x256xf32>
    %max3A_80 = arith.maximumf %dot_general3A_78, %max3A_67 : vector<256x256xf32>
    %jit3A_81 = arith.constant 6 : i32
    %broadcast_in_dim3A_82 = vector.broadcast %jit3A_81 : i32 to vector<256x256xi32>
    %select_n3A_83 = arith.select %gt3A_79, %broadcast_in_dim3A_82, %select_n3A_70 : vector<256x256xi1>, vector<256x256xi32>
    %get3A_84 = arith.constant 0 : index
    %get3A_85 = arith.constant 0 : index
    %get3A_86 = arith.constant 0 : index
    %get3A_87 = arith.constant 0 : index
    %get3A_88 = vector.load %arg9[%get3A_84, %get3A_85, %get3A_86, %get3A_87] : memref<256x1x1x128xf32, #tpu.memory_space<vmem>>, vector<256x1x1x128xf32>
    %get3A_89 = vector.shape_cast %get3A_88 : vector<256x1x1x128xf32> to vector<256x128xf32>
    %dot_general3A_90 = arith.constant dense<0.000000e+00> : vector<256x256xf32>
    %dot_general3A_91 = tpu.matmul %get3A_1, %get3A_89, %dot_general3A_90 {dimension_numbers = #tpu.dot_dimension_numbers<[1], [1], [0], [0], [0, 0, 1, 0], [], []>, transpose_lhs_hint = false} : vector<256x128xf32>, vector<256x128xf32>, vector<256x256xf32> -> vector<256x256xf32>
    %gt3A_92 = arith.cmpf ogt, %dot_general3A_91, %max3A_80 : vector<256x256xf32>
    %max3A_93 = arith.maximumf %dot_general3A_91, %max3A_80 : vector<256x256xf32>
    %jit3A_94 = arith.constant 7 : i32
    %broadcast_in_dim3A_95 = vector.broadcast %jit3A_94 : i32 to vector<256x256xi32>
    %select_n3A_96 = arith.select %gt3A_92, %broadcast_in_dim3A_95, %select_n3A_83 : vector<256x256xi1>, vector<256x256xi32>
    %get3A_97 = arith.constant 0 : index
    %get3A_98 = arith.constant 0 : index
    %get3A_99 = arith.constant 0 : index
    %get3A_100 = arith.constant 0 : index
    %get3A_101 = vector.load %arg10[%get3A_97, %get3A_98, %get3A_99, %get3A_100] : memref<256x1x1x128xf32, #tpu.memory_space<vmem>>, vector<256x1x1x128xf32>
    %get3A_102 = vector.shape_cast %get3A_101 : vector<256x1x1x128xf32> to vector<256x128xf32>
    %dot_general3A_103 = arith.constant dense<0.000000e+00> : vector<256x256xf32>
    %dot_general3A_104 = tpu.matmul %get3A_1, %get3A_102, %dot_general3A_103 {dimension_numbers = #tpu.dot_dimension_numbers<[1], [1], [0], [0], [0, 0, 1, 0], [], []>, transpose_lhs_hint = false} : vector<256x128xf32>, vector<256x128xf32>, vector<256x256xf32> -> vector<256x256xf32>
    %gt3A_105 = arith.cmpf ogt, %dot_general3A_104, %max3A_93 : vector<256x256xf32>
    %max3A_106 = arith.maximumf %dot_general3A_104, %max3A_93 : vector<256x256xf32>
    %jit3A_107 = arith.constant 8 : i32
    %broadcast_in_dim3A_108 = vector.broadcast %jit3A_107 : i32 to vector<256x256xi32>
    %select_n3A_109 = arith.select %gt3A_105, %broadcast_in_dim3A_108, %select_n3A_96 : vector<256x256xi1>, vector<256x256xi32>
    %get3A_110 = arith.constant 0 : index
    %get3A_111 = arith.constant 0 : index
    %get3A_112 = arith.constant 0 : index
    %get3A_113 = arith.constant 0 : index
    %get3A_114 = vector.load %arg11[%get3A_110, %get3A_111, %get3A_112, %get3A_113] : memref<256x1x1x128xf32, #tpu.memory_space<vmem>>, vector<256x1x1x128xf32>
    %get3A_115 = vector.shape_cast %get3A_114 : vector<256x1x1x128xf32> to vector<256x128xf32>
    %dot_general3A_116 = arith.constant dense<0.000000e+00> : vector<256x256xf32>
    %dot_general3A_117 = tpu.matmul %get3A_1, %get3A_115, %dot_general3A_116 {dimension_numbers = #tpu.dot_dimension_numbers<[1], [1], [0], [0], [0, 0, 1, 0], [], []>, transpose_lhs_hint = false} : vector<256x128xf32>, vector<256x128xf32>, vector<256x256xf32> -> vector<256x256xf32>
    %gt3A_118 = arith.cmpf ogt, %dot_general3A_117, %max3A_106 : vector<256x256xf32>
    %max3A_119 = arith.maximumf %dot_general3A_117, %max3A_106 : vector<256x256xf32>
    %jit3A_120 = arith.constant 9 : i32
    %broadcast_in_dim3A_121 = vector.broadcast %jit3A_120 : i32 to vector<256x256xi32>
    %select_n3A_122 = arith.select %gt3A_118, %broadcast_in_dim3A_121, %select_n3A_109 : vector<256x256xi1>, vector<256x256xi32>
    %get3A_123 = arith.constant 0 : index
    %get3A_124 = arith.constant 0 : index
    %get3A_125 = arith.constant 0 : index
    %get3A_126 = arith.constant 0 : index
    %get3A_127 = vector.load %arg12[%get3A_123, %get3A_124, %get3A_125, %get3A_126] : memref<256x1x1x128xf32, #tpu.memory_space<vmem>>, vector<256x1x1x128xf32>
    %get3A_128 = vector.shape_cast %get3A_127 : vector<256x1x1x128xf32> to vector<256x128xf32>
    %dot_general3A_129 = arith.constant dense<0.000000e+00> : vector<256x256xf32>
    %dot_general3A_130 = tpu.matmul %get3A_1, %get3A_128, %dot_general3A_129 {dimension_numbers = #tpu.dot_dimension_numbers<[1], [1], [0], [0], [0, 0, 1, 0], [], []>, transpose_lhs_hint = false} : vector<256x128xf32>, vector<256x128xf32>, vector<256x256xf32> -> vector<256x256xf32>
    %gt3A_131 = arith.cmpf ogt, %dot_general3A_130, %max3A_119 : vector<256x256xf32>
    %max3A_132 = arith.maximumf %dot_general3A_130, %max3A_119 : vector<256x256xf32>
    %jit3A_133 = arith.constant 10 : i32
    %broadcast_in_dim3A_134 = vector.broadcast %jit3A_133 : i32 to vector<256x256xi32>
    %select_n3A_135 = arith.select %gt3A_131, %broadcast_in_dim3A_134, %select_n3A_122 : vector<256x256xi1>, vector<256x256xi32>
    %get3A_136 = arith.constant 0 : index
    %get3A_137 = arith.constant 0 : index
    %get3A_138 = arith.constant 0 : index
    %get3A_139 = arith.constant 0 : index
    %get3A_140 = vector.load %arg13[%get3A_136, %get3A_137, %get3A_138, %get3A_139] : memref<256x1x1x128xf32, #tpu.memory_space<vmem>>, vector<256x1x1x128xf32>
    %get3A_141 = vector.shape_cast %get3A_140 : vector<256x1x1x128xf32> to vector<256x128xf32>
    %dot_general3A_142 = arith.constant dense<0.000000e+00> : vector<256x256xf32>
    %dot_general3A_143 = tpu.matmul %get3A_1, %get3A_141, %dot_general3A_142 {dimension_numbers = #tpu.dot_dimension_numbers<[1], [1], [0], [0], [0, 0, 1, 0], [], []>, transpose_lhs_hint = false} : vector<256x128xf32>, vector<256x128xf32>, vector<256x256xf32> -> vector<256x256xf32>
    %gt3A_144 = arith.cmpf ogt, %dot_general3A_143, %max3A_132 : vector<256x256xf32>
    %max3A_145 = arith.maximumf %dot_general3A_143, %max3A_132 : vector<256x256xf32>
    %jit3A_146 = arith.constant 11 : i32
    %broadcast_in_dim3A_147 = vector.broadcast %jit3A_146 : i32 to vector<256x256xi32>
    %select_n3A_148 = arith.select %gt3A_144, %broadcast_in_dim3A_147, %select_n3A_135 : vector<256x256xi1>, vector<256x256xi32>
    %get3A_149 = arith.constant 0 : index
    %get3A_150 = arith.constant 0 : index
    %get3A_151 = arith.constant 0 : index
    %get3A_152 = arith.constant 0 : index
    %get3A_153 = vector.load %arg14[%get3A_149, %get3A_150, %get3A_151, %get3A_152] : memref<256x1x1x128xf32, #tpu.memory_space<vmem>>, vector<256x1x1x128xf32>
    %get3A_154 = vector.shape_cast %get3A_153 : vector<256x1x1x128xf32> to vector<256x128xf32>
    %dot_general3A_155 = arith.constant dense<0.000000e+00> : vector<256x256xf32>
    %dot_general3A_156 = tpu.matmul %get3A_1, %get3A_154, %dot_general3A_155 {dimension_numbers = #tpu.dot_dimension_numbers<[1], [1], [0], [0], [0, 0, 1, 0], [], []>, transpose_lhs_hint = false} : vector<256x128xf32>, vector<256x128xf32>, vector<256x256xf32> -> vector<256x256xf32>
    %gt3A_157 = arith.cmpf ogt, %dot_general3A_156, %max3A_145 : vector<256x256xf32>
    %max3A_158 = arith.maximumf %dot_general3A_156, %max3A_145 : vector<256x256xf32>
    %jit3A_159 = arith.constant 12 : i32
    %broadcast_in_dim3A_160 = vector.broadcast %jit3A_159 : i32 to vector<256x256xi32>
    %select_n3A_161 = arith.select %gt3A_157, %broadcast_in_dim3A_160, %select_n3A_148 : vector<256x256xi1>, vector<256x256xi32>
    %get3A_162 = arith.constant 0 : index
    %get3A_163 = arith.constant 0 : index
    %get3A_164 = arith.constant 0 : index
    %get3A_165 = arith.constant 0 : index
    %get3A_166 = vector.load %arg15[%get3A_162, %get3A_163, %get3A_164, %get3A_165] : memref<256x1x1x128xf32, #tpu.memory_space<vmem>>, vector<256x1x1x128xf32>
    %get3A_167 = vector.shape_cast %get3A_166 : vector<256x1x1x128xf32> to vector<256x128xf32>
    %dot_general3A_168 = arith.constant dense<0.000000e+00> : vector<256x256xf32>
    %dot_general3A_169 = tpu.matmul %get3A_1, %get3A_167, %dot_general3A_168 {dimension_numbers = #tpu.dot_dimension_numbers<[1], [1], [0], [0], [0, 0, 1, 0], [], []>, transpose_lhs_hint = false} : vector<256x128xf32>, vector<256x128xf32>, vector<256x256xf32> -> vector<256x256xf32>
    %gt3A_170 = arith.cmpf ogt, %dot_general3A_169, %max3A_158 : vector<256x256xf32>
    %max3A_171 = arith.maximumf %dot_general3A_169, %max3A_158 : vector<256x256xf32>
    %jit3A_172 = arith.constant 13 : i32
    %broadcast_in_dim3A_173 = vector.broadcast %jit3A_172 : i32 to vector<256x256xi32>
    %select_n3A_174 = arith.select %gt3A_170, %broadcast_in_dim3A_173, %select_n3A_161 : vector<256x256xi1>, vector<256x256xi32>
    %get3A_175 = arith.constant 0 : index
    %get3A_176 = arith.constant 0 : index
    %get3A_177 = arith.constant 0 : index
    %get3A_178 = arith.constant 0 : index
    %get3A_179 = vector.load %arg16[%get3A_175, %get3A_176, %get3A_177, %get3A_178] : memref<256x1x1x128xf32, #tpu.memory_space<vmem>>, vector<256x1x1x128xf32>
    %get3A_180 = vector.shape_cast %get3A_179 : vector<256x1x1x128xf32> to vector<256x128xf32>
    %dot_general3A_181 = arith.constant dense<0.000000e+00> : vector<256x256xf32>
    %dot_general3A_182 = tpu.matmul %get3A_1, %get3A_180, %dot_general3A_181 {dimension_numbers = #tpu.dot_dimension_numbers<[1], [1], [0], [0], [0, 0, 1, 0], [], []>, transpose_lhs_hint = false} : vector<256x128xf32>, vector<256x128xf32>, vector<256x256xf32> -> vector<256x256xf32>
    %gt3A_183 = arith.cmpf ogt, %dot_general3A_182, %max3A_171 : vector<256x256xf32>
    %max3A_184 = arith.maximumf %dot_general3A_182, %max3A_171 : vector<256x256xf32>
    %jit3A_185 = arith.constant 14 : i32
    %broadcast_in_dim3A_186 = vector.broadcast %jit3A_185 : i32 to vector<256x256xi32>
    %select_n3A_187 = arith.select %gt3A_183, %broadcast_in_dim3A_186, %select_n3A_174 : vector<256x256xi1>, vector<256x256xi32>
    %get3A_188 = arith.constant 0 : index
    %get3A_189 = arith.constant 0 : index
    %get3A_190 = arith.constant 0 : index
    %get3A_191 = arith.constant 0 : index
    %get3A_192 = vector.load %arg17[%get3A_188, %get3A_189, %get3A_190, %get3A_191] : memref<256x1x1x128xf32, #tpu.memory_space<vmem>>, vector<256x1x1x128xf32>
    %get3A_193 = vector.shape_cast %get3A_192 : vector<256x1x1x128xf32> to vector<256x128xf32>
    %dot_general3A_194 = arith.constant dense<0.000000e+00> : vector<256x256xf32>
    %dot_general3A_195 = tpu.matmul %get3A_1, %get3A_193, %dot_general3A_194 {dimension_numbers = #tpu.dot_dimension_numbers<[1], [1], [0], [0], [0, 0, 1, 0], [], []>, transpose_lhs_hint = false} : vector<256x128xf32>, vector<256x128xf32>, vector<256x256xf32> -> vector<256x256xf32>
    %gt3A_196 = arith.cmpf ogt, %dot_general3A_195, %max3A_184 : vector<256x256xf32>
    %max3A_197 = arith.maximumf %dot_general3A_195, %max3A_184 : vector<256x256xf32>
    %jit3A_198 = arith.constant 15 : i32
    %broadcast_in_dim3A_199 = vector.broadcast %jit3A_198 : i32 to vector<256x256xi32>
    %select_n3A_200 = arith.select %gt3A_196, %broadcast_in_dim3A_199, %select_n3A_187 : vector<256x256xi1>, vector<256x256xi32>
    %get3A_201 = arith.constant 0 : index
    %get3A_202 = arith.constant 0 : index
    %get3A_203 = arith.constant 0 : index
    %get3A_204 = arith.constant 0 : index
    %get3A_205 = vector.load %arg18[%get3A_201, %get3A_202, %get3A_203, %get3A_204] : memref<256x1x1x128xf32, #tpu.memory_space<vmem>>, vector<256x1x1x128xf32>
    %get3A_206 = vector.shape_cast %get3A_205 : vector<256x1x1x128xf32> to vector<256x128xf32>
    %dot_general3A_207 = arith.constant dense<0.000000e+00> : vector<256x256xf32>
    %dot_general3A_208 = tpu.matmul %get3A_1, %get3A_206, %dot_general3A_207 {dimension_numbers = #tpu.dot_dimension_numbers<[1], [1], [0], [0], [0, 0, 1, 0], [], []>, transpose_lhs_hint = false} : vector<256x128xf32>, vector<256x128xf32>, vector<256x256xf32> -> vector<256x256xf32>
    %gt3A_209 = arith.cmpf ogt, %dot_general3A_208, %max3A_197 : vector<256x256xf32>
    %max3A_210 = arith.maximumf %dot_general3A_208, %max3A_197 : vector<256x256xf32>
    %jit3A_211 = arith.constant 16 : i32
    %broadcast_in_dim3A_212 = vector.broadcast %jit3A_211 : i32 to vector<256x256xi32>
    %select_n3A_213 = arith.select %gt3A_209, %broadcast_in_dim3A_212, %select_n3A_200 : vector<256x256xi1>, vector<256x256xi32>
    %get3A_214 = arith.constant 0 : index
    %get3A_215 = arith.constant 0 : index
    %get3A_216 = arith.constant 0 : index
    %get3A_217 = arith.constant 0 : index
    %get3A_218 = vector.load %arg19[%get3A_214, %get3A_215, %get3A_216, %get3A_217] : memref<256x1x1x128xf32, #tpu.memory_space<vmem>>, vector<256x1x1x128xf32>
    %get3A_219 = vector.shape_cast %get3A_218 : vector<256x1x1x128xf32> to vector<256x128xf32>
    %dot_general3A_220 = arith.constant dense<0.000000e+00> : vector<256x256xf32>
    %dot_general3A_221 = tpu.matmul %get3A_1, %get3A_219, %dot_general3A_220 {dimension_numbers = #tpu.dot_dimension_numbers<[1], [1], [0], [0], [0, 0, 1, 0], [], []>, transpose_lhs_hint = false} : vector<256x128xf32>, vector<256x128xf32>, vector<256x256xf32> -> vector<256x256xf32>
    %gt3A_222 = arith.cmpf ogt, %dot_general3A_221, %max3A_210 : vector<256x256xf32>
    %max3A_223 = arith.maximumf %dot_general3A_221, %max3A_210 : vector<256x256xf32>
    %jit3A_224 = arith.constant 17 : i32
    %broadcast_in_dim3A_225 = vector.broadcast %jit3A_224 : i32 to vector<256x256xi32>
    %select_n3A_226 = arith.select %gt3A_222, %broadcast_in_dim3A_225, %select_n3A_213 : vector<256x256xi1>, vector<256x256xi32>
    %get3A_227 = arith.constant 0 : index
    %get3A_228 = arith.constant 0 : index
    %get3A_229 = arith.constant 0 : index
    %get3A_230 = arith.constant 0 : index
    %get3A_231 = vector.load %arg20[%get3A_227, %get3A_228, %get3A_229, %get3A_230] : memref<256x1x1x128xf32, #tpu.memory_space<vmem>>, vector<256x1x1x128xf32>
    %get3A_232 = vector.shape_cast %get3A_231 : vector<256x1x1x128xf32> to vector<256x128xf32>
    %dot_general3A_233 = arith.constant dense<0.000000e+00> : vector<256x256xf32>
    %dot_general3A_234 = tpu.matmul %get3A_1, %get3A_232, %dot_general3A_233 {dimension_numbers = #tpu.dot_dimension_numbers<[1], [1], [0], [0], [0, 0, 1, 0], [], []>, transpose_lhs_hint = false} : vector<256x128xf32>, vector<256x128xf32>, vector<256x256xf32> -> vector<256x256xf32>
    %gt3A_235 = arith.cmpf ogt, %dot_general3A_234, %max3A_223 : vector<256x256xf32>
    %max3A_236 = arith.maximumf %dot_general3A_234, %max3A_223 : vector<256x256xf32>
    %jit3A_237 = arith.constant 18 : i32
    %broadcast_in_dim3A_238 = vector.broadcast %jit3A_237 : i32 to vector<256x256xi32>
    %select_n3A_239 = arith.select %gt3A_235, %broadcast_in_dim3A_238, %select_n3A_226 : vector<256x256xi1>, vector<256x256xi32>
    %get3A_240 = arith.constant 0 : index
    %get3A_241 = arith.constant 0 : index
    %get3A_242 = arith.constant 0 : index
    %get3A_243 = arith.constant 0 : index
    %get3A_244 = vector.load %arg21[%get3A_240, %get3A_241, %get3A_242, %get3A_243] : memref<256x1x1x128xf32, #tpu.memory_space<vmem>>, vector<256x1x1x128xf32>
    %get3A_245 = vector.shape_cast %get3A_244 : vector<256x1x1x128xf32> to vector<256x128xf32>
    %dot_general3A_246 = arith.constant dense<0.000000e+00> : vector<256x256xf32>
    %dot_general3A_247 = tpu.matmul %get3A_1, %get3A_245, %dot_general3A_246 {dimension_numbers = #tpu.dot_dimension_numbers<[1], [1], [0], [0], [0, 0, 1, 0], [], []>, transpose_lhs_hint = false} : vector<256x128xf32>, vector<256x128xf32>, vector<256x256xf32> -> vector<256x256xf32>
    %gt3A_248 = arith.cmpf ogt, %dot_general3A_247, %max3A_236 : vector<256x256xf32>
    %max3A_249 = arith.maximumf %dot_general3A_247, %max3A_236 : vector<256x256xf32>
    %jit3A_250 = arith.constant 19 : i32
    %broadcast_in_dim3A_251 = vector.broadcast %jit3A_250 : i32 to vector<256x256xi32>
    %select_n3A_252 = arith.select %gt3A_248, %broadcast_in_dim3A_251, %select_n3A_239 : vector<256x256xi1>, vector<256x256xi32>
    %get3A_253 = arith.constant 0 : index
    %get3A_254 = arith.constant 0 : index
    %get3A_255 = arith.constant 0 : index
    %get3A_256 = arith.constant 0 : index
    %get3A_257 = vector.load %arg22[%get3A_253, %get3A_254, %get3A_255, %get3A_256] : memref<256x1x1x128xf32, #tpu.memory_space<vmem>>, vector<256x1x1x128xf32>
    %get3A_258 = vector.shape_cast %get3A_257 : vector<256x1x1x128xf32> to vector<256x128xf32>
    %dot_general3A_259 = arith.constant dense<0.000000e+00> : vector<256x256xf32>
    %dot_general3A_260 = tpu.matmul %get3A_1, %get3A_258, %dot_general3A_259 {dimension_numbers = #tpu.dot_dimension_numbers<[1], [1], [0], [0], [0, 0, 1, 0], [], []>, transpose_lhs_hint = false} : vector<256x128xf32>, vector<256x128xf32>, vector<256x256xf32> -> vector<256x256xf32>
    %gt3A_261 = arith.cmpf ogt, %dot_general3A_260, %max3A_249 : vector<256x256xf32>
    %max3A_262 = arith.maximumf %dot_general3A_260, %max3A_249 : vector<256x256xf32>
    %jit3A_263 = arith.constant 20 : i32
    %broadcast_in_dim3A_264 = vector.broadcast %jit3A_263 : i32 to vector<256x256xi32>
    %select_n3A_265 = arith.select %gt3A_261, %broadcast_in_dim3A_264, %select_n3A_252 : vector<256x256xi1>, vector<256x256xi32>
    %get3A_266 = arith.constant 0 : index
    %get3A_267 = arith.constant 0 : index
    %get3A_268 = arith.constant 0 : index
    %get3A_269 = arith.constant 0 : index
    %get3A_270 = vector.load %arg23[%get3A_266, %get3A_267, %get3A_268, %get3A_269] : memref<256x1x1x128xf32, #tpu.memory_space<vmem>>, vector<256x1x1x128xf32>
    %get3A_271 = vector.shape_cast %get3A_270 : vector<256x1x1x128xf32> to vector<256x128xf32>
    %dot_general3A_272 = arith.constant dense<0.000000e+00> : vector<256x256xf32>
    %dot_general3A_273 = tpu.matmul %get3A_1, %get3A_271, %dot_general3A_272 {dimension_numbers = #tpu.dot_dimension_numbers<[1], [1], [0], [0], [0, 0, 1, 0], [], []>, transpose_lhs_hint = false} : vector<256x128xf32>, vector<256x128xf32>, vector<256x256xf32> -> vector<256x256xf32>
    %gt3A_274 = arith.cmpf ogt, %dot_general3A_273, %max3A_262 : vector<256x256xf32>
    %max3A_275 = arith.maximumf %dot_general3A_273, %max3A_262 : vector<256x256xf32>
    %jit3A_276 = arith.constant 21 : i32
    %broadcast_in_dim3A_277 = vector.broadcast %jit3A_276 : i32 to vector<256x256xi32>
    %select_n3A_278 = arith.select %gt3A_274, %broadcast_in_dim3A_277, %select_n3A_265 : vector<256x256xi1>, vector<256x256xi32>
    %get3A_279 = arith.constant 0 : index
    %get3A_280 = arith.constant 0 : index
    %get3A_281 = arith.constant 0 : index
    %get3A_282 = arith.constant 0 : index
    %get3A_283 = vector.load %arg24[%get3A_279, %get3A_280, %get3A_281, %get3A_282] : memref<256x1x1x128xf32, #tpu.memory_space<vmem>>, vector<256x1x1x128xf32>
    %get3A_284 = vector.shape_cast %get3A_283 : vector<256x1x1x128xf32> to vector<256x128xf32>
    %dot_general3A_285 = arith.constant dense<0.000000e+00> : vector<256x256xf32>
    %dot_general3A_286 = tpu.matmul %get3A_1, %get3A_284, %dot_general3A_285 {dimension_numbers = #tpu.dot_dimension_numbers<[1], [1], [0], [0], [0, 0, 1, 0], [], []>, transpose_lhs_hint = false} : vector<256x128xf32>, vector<256x128xf32>, vector<256x256xf32> -> vector<256x256xf32>
    %gt3A_287 = arith.cmpf ogt, %dot_general3A_286, %max3A_275 : vector<256x256xf32>
    %max3A_288 = arith.maximumf %dot_general3A_286, %max3A_275 : vector<256x256xf32>
    %jit3A_289 = arith.constant 22 : i32
    %broadcast_in_dim3A_290 = vector.broadcast %jit3A_289 : i32 to vector<256x256xi32>
    %select_n3A_291 = arith.select %gt3A_287, %broadcast_in_dim3A_290, %select_n3A_278 : vector<256x256xi1>, vector<256x256xi32>
    %get3A_292 = arith.constant 0 : index
    %get3A_293 = arith.constant 0 : index
    %get3A_294 = arith.constant 0 : index
    %get3A_295 = arith.constant 0 : index
    %get3A_296 = vector.load %arg25[%get3A_292, %get3A_293, %get3A_294, %get3A_295] : memref<256x1x1x128xf32, #tpu.memory_space<vmem>>, vector<256x1x1x128xf32>
    %get3A_297 = vector.shape_cast %get3A_296 : vector<256x1x1x128xf32> to vector<256x128xf32>
    %dot_general3A_298 = arith.constant dense<0.000000e+00> : vector<256x256xf32>
    %dot_general3A_299 = tpu.matmul %get3A_1, %get3A_297, %dot_general3A_298 {dimension_numbers = #tpu.dot_dimension_numbers<[1], [1], [0], [0], [0, 0, 1, 0], [], []>, transpose_lhs_hint = false} : vector<256x128xf32>, vector<256x128xf32>, vector<256x256xf32> -> vector<256x256xf32>
    %gt3A_300 = arith.cmpf ogt, %dot_general3A_299, %max3A_288 : vector<256x256xf32>
    %max3A_301 = arith.maximumf %dot_general3A_299, %max3A_288 : vector<256x256xf32>
    %jit3A_302 = arith.constant 23 : i32
    %broadcast_in_dim3A_303 = vector.broadcast %jit3A_302 : i32 to vector<256x256xi32>
    %select_n3A_304 = arith.select %gt3A_300, %broadcast_in_dim3A_303, %select_n3A_291 : vector<256x256xi1>, vector<256x256xi32>
    %get3A_305 = arith.constant 0 : index
    %get3A_306 = arith.constant 0 : index
    %get3A_307 = arith.constant 0 : index
    %get3A_308 = arith.constant 0 : index
    %get3A_309 = vector.load %arg26[%get3A_305, %get3A_306, %get3A_307, %get3A_308] : memref<256x1x1x128xf32, #tpu.memory_space<vmem>>, vector<256x1x1x128xf32>
    %get3A_310 = vector.shape_cast %get3A_309 : vector<256x1x1x128xf32> to vector<256x128xf32>
    %dot_general3A_311 = arith.constant dense<0.000000e+00> : vector<256x256xf32>
    %dot_general3A_312 = tpu.matmul %get3A_1, %get3A_310, %dot_general3A_311 {dimension_numbers = #tpu.dot_dimension_numbers<[1], [1], [0], [0], [0, 0, 1, 0], [], []>, transpose_lhs_hint = false} : vector<256x128xf32>, vector<256x128xf32>, vector<256x256xf32> -> vector<256x256xf32>
    %gt3A_313 = arith.cmpf ogt, %dot_general3A_312, %max3A_301 : vector<256x256xf32>
    %max3A_314 = arith.maximumf %dot_general3A_312, %max3A_301 : vector<256x256xf32>
    %jit3A_315 = arith.constant 24 : i32
    %broadcast_in_dim3A_316 = vector.broadcast %jit3A_315 : i32 to vector<256x256xi32>
    %select_n3A_317 = arith.select %gt3A_313, %broadcast_in_dim3A_316, %select_n3A_304 : vector<256x256xi1>, vector<256x256xi32>
    %get3A_318 = arith.constant 0 : index
    %get3A_319 = arith.constant 0 : index
    %get3A_320 = arith.constant 0 : index
    %get3A_321 = arith.constant 0 : index
    %get3A_322 = vector.load %arg27[%get3A_318, %get3A_319, %get3A_320, %get3A_321] : memref<256x1x1x128xf32, #tpu.memory_space<vmem>>, vector<256x1x1x128xf32>
    %get3A_323 = vector.shape_cast %get3A_322 : vector<256x1x1x128xf32> to vector<256x128xf32>
    %dot_general3A_324 = arith.constant dense<0.000000e+00> : vector<256x256xf32>
    %dot_general3A_325 = tpu.matmul %get3A_1, %get3A_323, %dot_general3A_324 {dimension_numbers = #tpu.dot_dimension_numbers<[1], [1], [0], [0], [0, 0, 1, 0], [], []>, transpose_lhs_hint = false} : vector<256x128xf32>, vector<256x128xf32>, vector<256x256xf32> -> vector<256x256xf32>
    %gt3A_326 = arith.cmpf ogt, %dot_general3A_325, %max3A_314 : vector<256x256xf32>
    %max3A_327 = arith.maximumf %dot_general3A_325, %max3A_314 : vector<256x256xf32>
    %jit3A_328 = arith.constant 25 : i32
    %broadcast_in_dim3A_329 = vector.broadcast %jit3A_328 : i32 to vector<256x256xi32>
    %select_n3A_330 = arith.select %gt3A_326, %broadcast_in_dim3A_329, %select_n3A_317 : vector<256x256xi1>, vector<256x256xi32>
    %get3A_331 = arith.constant 0 : index
    %get3A_332 = arith.constant 0 : index
    %get3A_333 = arith.constant 0 : index
    %get3A_334 = arith.constant 0 : index
    %get3A_335 = vector.load %arg28[%get3A_331, %get3A_332, %get3A_333, %get3A_334] : memref<256x1x1x128xf32, #tpu.memory_space<vmem>>, vector<256x1x1x128xf32>
    %get3A_336 = vector.shape_cast %get3A_335 : vector<256x1x1x128xf32> to vector<256x128xf32>
    %dot_general3A_337 = arith.constant dense<0.000000e+00> : vector<256x256xf32>
    %dot_general3A_338 = tpu.matmul %get3A_1, %get3A_336, %dot_general3A_337 {dimension_numbers = #tpu.dot_dimension_numbers<[1], [1], [0], [0], [0, 0, 1, 0], [], []>, transpose_lhs_hint = false} : vector<256x128xf32>, vector<256x128xf32>, vector<256x256xf32> -> vector<256x256xf32>
    %gt3A_339 = arith.cmpf ogt, %dot_general3A_338, %max3A_327 : vector<256x256xf32>
    %max3A_340 = arith.maximumf %dot_general3A_338, %max3A_327 : vector<256x256xf32>
    %jit3A_341 = arith.constant 26 : i32
    %broadcast_in_dim3A_342 = vector.broadcast %jit3A_341 : i32 to vector<256x256xi32>
    %select_n3A_343 = arith.select %gt3A_339, %broadcast_in_dim3A_342, %select_n3A_330 : vector<256x256xi1>, vector<256x256xi32>
    %get3A_344 = arith.constant 0 : index
    %get3A_345 = arith.constant 0 : index
    %get3A_346 = arith.constant 0 : index
    %get3A_347 = arith.constant 0 : index
    %get3A_348 = vector.load %arg29[%get3A_344, %get3A_345, %get3A_346, %get3A_347] : memref<256x1x1x128xf32, #tpu.memory_space<vmem>>, vector<256x1x1x128xf32>
    %get3A_349 = vector.shape_cast %get3A_348 : vector<256x1x1x128xf32> to vector<256x128xf32>
    %dot_general3A_350 = arith.constant dense<0.000000e+00> : vector<256x256xf32>
    %dot_general3A_351 = tpu.matmul %get3A_1, %get3A_349, %dot_general3A_350 {dimension_numbers = #tpu.dot_dimension_numbers<[1], [1], [0], [0], [0, 0, 1, 0], [], []>, transpose_lhs_hint = false} : vector<256x128xf32>, vector<256x128xf32>, vector<256x256xf32> -> vector<256x256xf32>
    %gt3A_352 = arith.cmpf ogt, %dot_general3A_351, %max3A_340 : vector<256x256xf32>
    %max3A_353 = arith.maximumf %dot_general3A_351, %max3A_340 : vector<256x256xf32>
    %jit3A_354 = arith.constant 27 : i32
    %broadcast_in_dim3A_355 = vector.broadcast %jit3A_354 : i32 to vector<256x256xi32>
    %select_n3A_356 = arith.select %gt3A_352, %broadcast_in_dim3A_355, %select_n3A_343 : vector<256x256xi1>, vector<256x256xi32>
    %get3A_357 = arith.constant 0 : index
    %get3A_358 = arith.constant 0 : index
    %get3A_359 = arith.constant 0 : index
    %get3A_360 = arith.constant 0 : index
    %get3A_361 = vector.load %arg30[%get3A_357, %get3A_358, %get3A_359, %get3A_360] : memref<256x1x1x128xf32, #tpu.memory_space<vmem>>, vector<256x1x1x128xf32>
    %get3A_362 = vector.shape_cast %get3A_361 : vector<256x1x1x128xf32> to vector<256x128xf32>
    %dot_general3A_363 = arith.constant dense<0.000000e+00> : vector<256x256xf32>
    %dot_general3A_364 = tpu.matmul %get3A_1, %get3A_362, %dot_general3A_363 {dimension_numbers = #tpu.dot_dimension_numbers<[1], [1], [0], [0], [0, 0, 1, 0], [], []>, transpose_lhs_hint = false} : vector<256x128xf32>, vector<256x128xf32>, vector<256x256xf32> -> vector<256x256xf32>
    %gt3A_365 = arith.cmpf ogt, %dot_general3A_364, %max3A_353 : vector<256x256xf32>
    %max3A_366 = arith.maximumf %dot_general3A_364, %max3A_353 : vector<256x256xf32>
    %jit3A_367 = arith.constant 28 : i32
    %broadcast_in_dim3A_368 = vector.broadcast %jit3A_367 : i32 to vector<256x256xi32>
    %select_n3A_369 = arith.select %gt3A_365, %broadcast_in_dim3A_368, %select_n3A_356 : vector<256x256xi1>, vector<256x256xi32>
    %get3A_370 = arith.constant 0 : index
    %get3A_371 = arith.constant 0 : index
    %get3A_372 = arith.constant 0 : index
    %get3A_373 = arith.constant 0 : index
    %get3A_374 = vector.load %arg31[%get3A_370, %get3A_371, %get3A_372, %get3A_373] : memref<256x1x1x128xf32, #tpu.memory_space<vmem>>, vector<256x1x1x128xf32>
    %get3A_375 = vector.shape_cast %get3A_374 : vector<256x1x1x128xf32> to vector<256x128xf32>
    %dot_general3A_376 = arith.constant dense<0.000000e+00> : vector<256x256xf32>
    %dot_general3A_377 = tpu.matmul %get3A_1, %get3A_375, %dot_general3A_376 {dimension_numbers = #tpu.dot_dimension_numbers<[1], [1], [0], [0], [0, 0, 1, 0], [], []>, transpose_lhs_hint = false} : vector<256x128xf32>, vector<256x128xf32>, vector<256x256xf32> -> vector<256x256xf32>
    %gt3A_378 = arith.cmpf ogt, %dot_general3A_377, %max3A_366 : vector<256x256xf32>
    %max3A_379 = arith.maximumf %dot_general3A_377, %max3A_366 : vector<256x256xf32>
    %jit3A_380 = arith.constant 29 : i32
    %broadcast_in_dim3A_381 = vector.broadcast %jit3A_380 : i32 to vector<256x256xi32>
    %select_n3A_382 = arith.select %gt3A_378, %broadcast_in_dim3A_381, %select_n3A_369 : vector<256x256xi1>, vector<256x256xi32>
    %get3A_383 = arith.constant 0 : index
    %get3A_384 = arith.constant 0 : index
    %get3A_385 = arith.constant 0 : index
    %get3A_386 = arith.constant 0 : index
    %get3A_387 = vector.load %arg32[%get3A_383, %get3A_384, %get3A_385, %get3A_386] : memref<256x1x1x128xf32, #tpu.memory_space<vmem>>, vector<256x1x1x128xf32>
    %get3A_388 = vector.shape_cast %get3A_387 : vector<256x1x1x128xf32> to vector<256x128xf32>
    %dot_general3A_389 = arith.constant dense<0.000000e+00> : vector<256x256xf32>
    %dot_general3A_390 = tpu.matmul %get3A_1, %get3A_388, %dot_general3A_389 {dimension_numbers = #tpu.dot_dimension_numbers<[1], [1], [0], [0], [0, 0, 1, 0], [], []>, transpose_lhs_hint = false} : vector<256x128xf32>, vector<256x128xf32>, vector<256x256xf32> -> vector<256x256xf32>
    %gt3A_391 = arith.cmpf ogt, %dot_general3A_390, %max3A_379 : vector<256x256xf32>
    %max3A_392 = arith.maximumf %dot_general3A_390, %max3A_379 : vector<256x256xf32>
    %jit3A_393 = arith.constant 30 : i32
    %broadcast_in_dim3A_394 = vector.broadcast %jit3A_393 : i32 to vector<256x256xi32>
    %select_n3A_395 = arith.select %gt3A_391, %broadcast_in_dim3A_394, %select_n3A_382 : vector<256x256xi1>, vector<256x256xi32>
    %get3A_396 = arith.constant 0 : index
    %get3A_397 = arith.constant 0 : index
    %get3A_398 = arith.constant 0 : index
    %get3A_399 = arith.constant 0 : index
    %get3A_400 = vector.load %arg33[%get3A_396, %get3A_397, %get3A_398, %get3A_399] : memref<256x1x1x128xf32, #tpu.memory_space<vmem>>, vector<256x1x1x128xf32>
    %get3A_401 = vector.shape_cast %get3A_400 : vector<256x1x1x128xf32> to vector<256x128xf32>
    %dot_general3A_402 = arith.constant dense<0.000000e+00> : vector<256x256xf32>
    %dot_general3A_403 = tpu.matmul %get3A_1, %get3A_401, %dot_general3A_402 {dimension_numbers = #tpu.dot_dimension_numbers<[1], [1], [0], [0], [0, 0, 1, 0], [], []>, transpose_lhs_hint = false} : vector<256x128xf32>, vector<256x128xf32>, vector<256x256xf32> -> vector<256x256xf32>
    %gt3A_404 = arith.cmpf ogt, %dot_general3A_403, %max3A_392 : vector<256x256xf32>
    %max3A_405 = arith.maximumf %dot_general3A_403, %max3A_392 : vector<256x256xf32>
    %jit3A_406 = arith.constant 31 : i32
    %broadcast_in_dim3A_407 = vector.broadcast %jit3A_406 : i32 to vector<256x256xi32>
    %select_n3A_408 = arith.select %gt3A_404, %broadcast_in_dim3A_407, %select_n3A_395 : vector<256x256xi1>, vector<256x256xi32>
    %swap3A = arith.constant 0 : index
    %swap3A_409 = arith.constant 0 : index
    %swap3A_410 = vector.load %arg34[%swap3A, %swap3A_409] : memref<256x256xi32, #tpu.memory_space<vmem>>, vector<256x256xi32>
    tpu.vector_store %arg34[%swap3A, %swap3A_409], %select_n3A_408 {strides = array<i32>} : memref<256x256xi32, #tpu.memory_space<vmem>>, vector<256x256xi32>,
    %swap3A_411 = arith.index_cast %arg0 : i32 to index
    %swap3A_412 = arith.constant 0 : index
    %swap3A_413 = arith.constant 0 : index
    %swap3A_414 = vector.load %arg37[%swap3A_411, %swap3A_412, %swap3A_413] : memref<16x256x256xf32, #tpu.memory_space<vmem>>, vector<1x256x256xf32>
    %swap3A_415 = vector.shape_cast %swap3A_414 : vector<1x256x256xf32> to vector<256x256xf32>
    %swap3A_416 = vector.shape_cast %max3A_405 : vector<256x256xf32> to vector<1x256x256xf32>
    tpu.vector_store %arg37[%swap3A_411, %swap3A_412, %swap3A_413], %swap3A_416 {strides = array<i32>} : memref<16x256x256xf32, #tpu.memory_space<vmem>>, vector<1x256x256xf32>,
    %eq3A = arith.constant 15 : i32
    %eq3A_417 = arith.cmpi eq, %arg0, %eq3A : i32
    %convert_element_type3A = arith.extui %eq3A_417 : i1 to i32
    %cond3A = arith.constant 0 : i32
    %cond3A_418 = arith.cmpi ne, %convert_element_type3A, %cond3A : i32
    scf.if %cond3A_418 {
      %get3A_419 = arith.constant 0 : index
      %get3A_420 = arith.constant 0 : index
      %get3A_421 = arith.constant 0 : index
      %get3A_422 = vector.load %arg37[%get3A_419, %get3A_420, %get3A_421] : memref<16x256x256xf32, #tpu.memory_space<vmem>>, vector<16x256x256xf32>
      %iota3A = tpu.iota {dimensions = array<i32: 0>} : vector<16x256x256xi32>
      %mul3A = arith.constant 256 : i32
      %mul3A_423 = vector.broadcast %mul3A : i32 to vector<16x256x256xi32>
      %mul3A_424 = arith.muli %iota3A, %mul3A_423 : vector<16x256x256xi32>
      %iota3A_425 = tpu.iota {dimensions = array<i32: 2>} : vector<16x256x256xi32>
      %add3A = arith.addi %mul3A_424, %iota3A_425 : vector<16x256x256xi32>
      %convert_element_type3A_426 = arith.sitofp %add3A : vector<16x256x256xi32> to vector<16x256x256xf32>
      %reduce_max3A = arith.constant dense<0xFF800000> : vector<256x256xf32>
      %reduce_max3A_427 = vector.multi_reduction <maximumf>, %get3A_422, %reduce_max3A [0] : vector<16x256x256xf32> to vector<256x256xf32>
      %reduce_max3A_428 = arith.constant dense<0xFF800000> : vector<256xf32>
      %reduce_max3A_429 = vector.multi_reduction <maximumf>, %reduce_max3A_427, %reduce_max3A_428 [1] : vector<256x256xf32> to vector<256xf32>
      %broadcast_in_dim3A_430 = vector.shape_cast %reduce_max3A_429 : vector<256xf32> to vector<256x1xf32>
      %broadcast_in_dim3A_431 = vector.shape_cast %broadcast_in_dim3A_430 : vector<256x1xf32> to vector<1x256x1xf32>
      %eq3A_432 = vector.broadcast %broadcast_in_dim3A_431 : vector<1x256x1xf32> to vector<16x256x256xf32>
      %eq3A_433 = arith.cmpf oeq, %get3A_422, %eq3A_432 : vector<16x256x256xf32>
      %jit3A_434 = arith.constant 1.000000e+09 : f32
      %broadcast_in_dim3A_435 = vector.broadcast %jit3A_434 : f32 to vector<16x256x256xf32>
      %select_n3A_436 = arith.select %eq3A_433, %convert_element_type3A_426, %broadcast_in_dim3A_435 : vector<16x256x256xi1>, vector<16x256x256xf32>
      %reduce_min3A = arith.constant dense<0x7F800000> : vector<256x256xf32>
      %reduce_min3A_437 = vector.multi_reduction <minimumf>, %select_n3A_436, %reduce_min3A [0] : vector<16x256x256xf32> to vector<256x256xf32>
      %reduce_min3A_438 = arith.constant dense<0x7F800000> : vector<256xf32>
      %reduce_min3A_439 = vector.multi_reduction <minimumf>, %reduce_min3A_437, %reduce_min3A_438 [1] : vector<256x256xf32> to vector<256xf32>
      %broadcast_in_dim3A_440 = vector.shape_cast %reduce_min3A_439 : vector<256xf32> to vector<256x1xf32>
      %jit3A_441 = arith.constant -1.000000e+30 : f32
      %broadcast_in_dim3A_442 = vector.broadcast %jit3A_441 : f32 to vector<16x256x256xf32>
      %select_n3A_443 = arith.select %eq3A_433, %broadcast_in_dim3A_442, %get3A_422 : vector<16x256x256xi1>, vector<16x256x256xf32>
      %reduce_max3A_444 = arith.constant dense<0xFF800000> : vector<256x256xf32>
      %reduce_max3A_445 = vector.multi_reduction <maximumf>, %select_n3A_443, %reduce_max3A_444 [0] : vector<16x256x256xf32> to vector<256x256xf32>
      %reduce_max3A_446 = arith.constant dense<0xFF800000> : vector<256xf32>
      %reduce_max3A_447 = vector.multi_reduction <maximumf>, %reduce_max3A_445, %reduce_max3A_446 [1] : vector<256x256xf32> to vector<256xf32>
      %broadcast_in_dim3A_448 = vector.shape_cast %reduce_max3A_447 : vector<256xf32> to vector<256x1xf32>
      %broadcast_in_dim3A_449 = vector.shape_cast %broadcast_in_dim3A_448 : vector<256x1xf32> to vector<1x256x1xf32>
      %eq3A_450 = vector.broadcast %broadcast_in_dim3A_449 : vector<1x256x1xf32> to vector<16x256x256xf32>
      %eq3A_451 = arith.cmpf oeq, %select_n3A_443, %eq3A_450 : vector<16x256x256xf32>
      %jit3A_452 = arith.constant 1.000000e+09 : f32
      %broadcast_in_dim3A_453 = vector.broadcast %jit3A_452 : f32 to vector<16x256x256xf32>
      %select_n3A_454 = arith.select %eq3A_451, %convert_element_type3A_426, %broadcast_in_dim3A_453 : vector<16x256x256xi1>, vector<16x256x256xf32>
      %reduce_min3A_455 = arith.constant dense<0x7F800000> : vector<256x256xf32>
      %reduce_min3A_456 = vector.multi_reduction <minimumf>, %select_n3A_454, %reduce_min3A_455 [0] : vector<16x256x256xf32> to vector<256x256xf32>
      %reduce_min3A_457 = arith.constant dense<0x7F800000> : vector<256xf32>
      %reduce_min3A_458 = vector.multi_reduction <minimumf>, %reduce_min3A_456, %reduce_min3A_457 [1] : vector<256x256xf32> to vector<256xf32>
      %broadcast_in_dim3A_459 = vector.shape_cast %reduce_min3A_458 : vector<256xf32> to vector<256x1xf32>
      %jit3A_460 = arith.constant -1.000000e+30 : f32
      %broadcast_in_dim3A_461 = vector.broadcast %jit3A_460 : f32 to vector<16x256x256xf32>
      %select_n3A_462 = arith.select %eq3A_451, %broadcast_in_dim3A_461, %select_n3A_443 : vector<16x256x256xi1>, vector<16x256x256xf32>
      %reduce_max3A_463 = arith.constant dense<0xFF800000> : vector<256x256xf32>
      %reduce_max3A_464 = vector.multi_reduction <maximumf>, %select_n3A_462, %reduce_max3A_463 [0] : vector<16x256x256xf32> to vector<256x256xf32>
      %reduce_max3A_465 = arith.constant dense<0xFF800000> : vector<256xf32>
      %reduce_max3A_466 = vector.multi_reduction <maximumf>, %reduce_max3A_464, %reduce_max3A_465 [1] : vector<256x256xf32> to vector<256xf32>
      %broadcast_in_dim3A_467 = vector.shape_cast %reduce_max3A_466 : vector<256xf32> to vector<256x1xf32>
      %broadcast_in_dim3A_468 = vector.shape_cast %broadcast_in_dim3A_467 : vector<256x1xf32> to vector<1x256x1xf32>
      %eq3A_469 = vector.broadcast %broadcast_in_dim3A_468 : vector<1x256x1xf32> to vector<16x256x256xf32>
      %eq3A_470 = arith.cmpf oeq, %select_n3A_462, %eq3A_469 : vector<16x256x256xf32>
      %jit3A_471 = arith.constant 1.000000e+09 : f32
      %broadcast_in_dim3A_472 = vector.broadcast %jit3A_471 : f32 to vector<16x256x256xf32>
      %select_n3A_473 = arith.select %eq3A_470, %convert_element_type3A_426, %broadcast_in_dim3A_472 : vector<16x256x256xi1>, vector<16x256x256xf32>
      %reduce_min3A_474 = arith.constant dense<0x7F800000> : vector<256x256xf32>
      %reduce_min3A_475 = vector.multi_reduction <minimumf>, %select_n3A_473, %reduce_min3A_474 [0] : vector<16x256x256xf32> to vector<256x256xf32>
      %reduce_min3A_476 = arith.constant dense<0x7F800000> : vector<256xf32>
      %reduce_min3A_477 = vector.multi_reduction <minimumf>, %reduce_min3A_475, %reduce_min3A_476 [1] : vector<256x256xf32> to vector<256xf32>
      %broadcast_in_dim3A_478 = vector.shape_cast %reduce_min3A_477 : vector<256xf32> to vector<256x1xf32>
      %jit3A_479 = arith.constant -1.000000e+30 : f32
      %broadcast_in_dim3A_480 = vector.broadcast %jit3A_479 : f32 to vector<16x256x256xf32>
      %select_n3A_481 = arith.select %eq3A_470, %broadcast_in_dim3A_480, %select_n3A_462 : vector<16x256x256xi1>, vector<16x256x256xf32>
      %reduce_max3A_482 = arith.constant dense<0xFF800000> : vector<256x256xf32>
      %reduce_max3A_483 = vector.multi_reduction <maximumf>, %select_n3A_481, %reduce_max3A_482 [0] : vector<16x256x256xf32> to vector<256x256xf32>
      %reduce_max3A_484 = arith.constant dense<0xFF800000> : vector<256xf32>
      %reduce_max3A_485 = vector.multi_reduction <maximumf>, %reduce_max3A_483, %reduce_max3A_484 [1] : vector<256x256xf32> to vector<256xf32>
      %broadcast_in_dim3A_486 = vector.shape_cast %reduce_max3A_485 : vector<256xf32> to vector<256x1xf32>
      %broadcast_in_dim3A_487 = vector.shape_cast %broadcast_in_dim3A_486 : vector<256x1xf32> to vector<1x256x1xf32>
      %eq3A_488 = vector.broadcast %broadcast_in_dim3A_487 : vector<1x256x1xf32> to vector<16x256x256xf32>
      %eq3A_489 = arith.cmpf oeq, %select_n3A_481, %eq3A_488 : vector<16x256x256xf32>
      %jit3A_490 = arith.constant 1.000000e+09 : f32
      %broadcast_in_dim3A_491 = vector.broadcast %jit3A_490 : f32 to vector<16x256x256xf32>
      %select_n3A_492 = arith.select %eq3A_489, %convert_element_type3A_426, %broadcast_in_dim3A_491 : vector<16x256x256xi1>, vector<16x256x256xf32>
      %reduce_min3A_493 = arith.constant dense<0x7F800000> : vector<256x256xf32>
      %reduce_min3A_494 = vector.multi_reduction <minimumf>, %select_n3A_492, %reduce_min3A_493 [0] : vector<16x256x256xf32> to vector<256x256xf32>
      %reduce_min3A_495 = arith.constant dense<0x7F800000> : vector<256xf32>
      %reduce_min3A_496 = vector.multi_reduction <minimumf>, %reduce_min3A_494, %reduce_min3A_495 [1] : vector<256x256xf32> to vector<256xf32>
      %broadcast_in_dim3A_497 = vector.shape_cast %reduce_min3A_496 : vector<256xf32> to vector<256x1xf32>
      %jit3A_498 = arith.constant -1.000000e+30 : f32
      %broadcast_in_dim3A_499 = vector.broadcast %jit3A_498 : f32 to vector<16x256x256xf32>
      %select_n3A_500 = arith.select %eq3A_489, %broadcast_in_dim3A_499, %select_n3A_481 : vector<16x256x256xi1>, vector<16x256x256xf32>
      %reduce_max3A_501 = arith.constant dense<0xFF800000> : vector<256x256xf32>
      %reduce_max3A_502 = vector.multi_reduction <maximumf>, %select_n3A_500, %reduce_max3A_501 [0] : vector<16x256x256xf32> to vector<256x256xf32>
      %reduce_max3A_503 = arith.constant dense<0xFF800000> : vector<256xf32>
      %reduce_max3A_504 = vector.multi_reduction <maximumf>, %reduce_max3A_502, %reduce_max3A_503 [1] : vector<256x256xf32> to vector<256xf32>
      %broadcast_in_dim3A_505 = vector.shape_cast %reduce_max3A_504 : vector<256xf32> to vector<256x1xf32>
      %broadcast_in_dim3A_506 = vector.shape_cast %broadcast_in_dim3A_505 : vector<256x1xf32> to vector<1x256x1xf32>
      %eq3A_507 = vector.broadcast %broadcast_in_dim3A_506 : vector<1x256x1xf32> to vector<16x256x256xf32>
      %eq3A_508 = arith.cmpf oeq, %select_n3A_500, %eq3A_507 : vector<16x256x256xf32>
      %jit3A_509 = arith.constant 1.000000e+09 : f32
      %broadcast_in_dim3A_510 = vector.broadcast %jit3A_509 : f32 to vector<16x256x256xf32>
      %select_n3A_511 = arith.select %eq3A_508, %convert_element_type3A_426, %broadcast_in_dim3A_510 : vector<16x256x256xi1>, vector<16x256x256xf32>
      %reduce_min3A_512 = arith.constant dense<0x7F800000> : vector<256x256xf32>
      %reduce_min3A_513 = vector.multi_reduction <minimumf>, %select_n3A_511, %reduce_min3A_512 [0] : vector<16x256x256xf32> to vector<256x256xf32>
      %reduce_min3A_514 = arith.constant dense<0x7F800000> : vector<256xf32>
      %reduce_min3A_515 = vector.multi_reduction <minimumf>, %reduce_min3A_513, %reduce_min3A_514 [1] : vector<256x256xf32> to vector<256xf32>
      %broadcast_in_dim3A_516 = vector.shape_cast %reduce_min3A_515 : vector<256xf32> to vector<256x1xf32>
      %jit3A_517 = arith.constant -1.000000e+30 : f32
      %broadcast_in_dim3A_518 = vector.broadcast %jit3A_517 : f32 to vector<16x256x256xf32>
      %select_n3A_519 = arith.select %eq3A_508, %broadcast_in_dim3A_518, %select_n3A_500 : vector<16x256x256xi1>, vector<16x256x256xf32>
      %reduce_max3A_520 = arith.constant dense<0xFF800000> : vector<256x256xf32>
      %reduce_max3A_521 = vector.multi_reduction <maximumf>, %select_n3A_519, %reduce_max3A_520 [0] : vector<16x256x256xf32> to vector<256x256xf32>
      %reduce_max3A_522 = arith.constant dense<0xFF800000> : vector<256xf32>
      %reduce_max3A_523 = vector.multi_reduction <maximumf>, %reduce_max3A_521, %reduce_max3A_522 [1] : vector<256x256xf32> to vector<256xf32>
      %broadcast_in_dim3A_524 = vector.shape_cast %reduce_max3A_523 : vector<256xf32> to vector<256x1xf32>
      %broadcast_in_dim3A_525 = vector.shape_cast %broadcast_in_dim3A_524 : vector<256x1xf32> to vector<1x256x1xf32>
      %eq3A_526 = vector.broadcast %broadcast_in_dim3A_525 : vector<1x256x1xf32> to vector<16x256x256xf32>
      %eq3A_527 = arith.cmpf oeq, %select_n3A_519, %eq3A_526 : vector<16x256x256xf32>
      %jit3A_528 = arith.constant 1.000000e+09 : f32
      %broadcast_in_dim3A_529 = vector.broadcast %jit3A_528 : f32 to vector<16x256x256xf32>
      %select_n3A_530 = arith.select %eq3A_527, %convert_element_type3A_426, %broadcast_in_dim3A_529 : vector<16x256x256xi1>, vector<16x256x256xf32>
      %reduce_min3A_531 = arith.constant dense<0x7F800000> : vector<256x256xf32>
      %reduce_min3A_532 = vector.multi_reduction <minimumf>, %select_n3A_530, %reduce_min3A_531 [0] : vector<16x256x256xf32> to vector<256x256xf32>
      %reduce_min3A_533 = arith.constant dense<0x7F800000> : vector<256xf32>
      %reduce_min3A_534 = vector.multi_reduction <minimumf>, %reduce_min3A_532, %reduce_min3A_533 [1] : vector<256x256xf32> to vector<256xf32>
      %broadcast_in_dim3A_535 = vector.shape_cast %reduce_min3A_534 : vector<256xf32> to vector<256x1xf32>
      %jit3A_536 = arith.constant -1.000000e+30 : f32
      %broadcast_in_dim3A_537 = vector.broadcast %jit3A_536 : f32 to vector<16x256x256xf32>
      %select_n3A_538 = arith.select %eq3A_527, %broadcast_in_dim3A_537, %select_n3A_519 : vector<16x256x256xi1>, vector<16x256x256xf32>
      %reduce_max3A_539 = arith.constant dense<0xFF800000> : vector<256x256xf32>
      %reduce_max3A_540 = vector.multi_reduction <maximumf>, %select_n3A_538, %reduce_max3A_539 [0] : vector<16x256x256xf32> to vector<256x256xf32>
      %reduce_max3A_541 = arith.constant dense<0xFF800000> : vector<256xf32>
      %reduce_max3A_542 = vector.multi_reduction <maximumf>, %reduce_max3A_540, %reduce_max3A_541 [1] : vector<256x256xf32> to vector<256xf32>
      %broadcast_in_dim3A_543 = vector.shape_cast %reduce_max3A_542 : vector<256xf32> to vector<256x1xf32>
      %broadcast_in_dim3A_544 = vector.shape_cast %broadcast_in_dim3A_543 : vector<256x1xf32> to vector<1x256x1xf32>
      %eq3A_545 = vector.broadcast %broadcast_in_dim3A_544 : vector<1x256x1xf32> to vector<16x256x256xf32>
      %eq3A_546 = arith.cmpf oeq, %select_n3A_538, %eq3A_545 : vector<16x256x256xf32>
      %jit3A_547 = arith.constant 1.000000e+09 : f32
      %broadcast_in_dim3A_548 = vector.broadcast %jit3A_547 : f32 to vector<16x256x256xf32>
      %select_n3A_549 = arith.select %eq3A_546, %convert_element_type3A_426, %broadcast_in_dim3A_548 : vector<16x256x256xi1>, vector<16x256x256xf32>
      %reduce_min3A_550 = arith.constant dense<0x7F800000> : vector<256x256xf32>
      %reduce_min3A_551 = vector.multi_reduction <minimumf>, %select_n3A_549, %reduce_min3A_550 [0] : vector<16x256x256xf32> to vector<256x256xf32>
      %reduce_min3A_552 = arith.constant dense<0x7F800000> : vector<256xf32>
      %reduce_min3A_553 = vector.multi_reduction <minimumf>, %reduce_min3A_551, %reduce_min3A_552 [1] : vector<256x256xf32> to vector<256xf32>
      %broadcast_in_dim3A_554 = vector.shape_cast %reduce_min3A_553 : vector<256xf32> to vector<256x1xf32>
      %jit3A_555 = arith.constant -1.000000e+30 : f32
      %broadcast_in_dim3A_556 = vector.broadcast %jit3A_555 : f32 to vector<16x256x256xf32>
      %select_n3A_557 = arith.select %eq3A_546, %broadcast_in_dim3A_556, %select_n3A_538 : vector<16x256x256xi1>, vector<16x256x256xf32>
      %reduce_max3A_558 = arith.constant dense<0xFF800000> : vector<256x256xf32>
      %reduce_max3A_559 = vector.multi_reduction <maximumf>, %select_n3A_557, %reduce_max3A_558 [0] : vector<16x256x256xf32> to vector<256x256xf32>
      %reduce_max3A_560 = arith.constant dense<0xFF800000> : vector<256xf32>
      %reduce_max3A_561 = vector.multi_reduction <maximumf>, %reduce_max3A_559, %reduce_max3A_560 [1] : vector<256x256xf32> to vector<256xf32>
      %broadcast_in_dim3A_562 = vector.shape_cast %reduce_max3A_561 : vector<256xf32> to vector<256x1xf32>
      %broadcast_in_dim3A_563 = vector.shape_cast %broadcast_in_dim3A_562 : vector<256x1xf32> to vector<1x256x1xf32>
      %eq3A_564 = vector.broadcast %broadcast_in_dim3A_563 : vector<1x256x1xf32> to vector<16x256x256xf32>
      %eq3A_565 = arith.cmpf oeq, %select_n3A_557, %eq3A_564 : vector<16x256x256xf32>
      %jit3A_566 = arith.constant 1.000000e+09 : f32
      %broadcast_in_dim3A_567 = vector.broadcast %jit3A_566 : f32 to vector<16x256x256xf32>
      %select_n3A_568 = arith.select %eq3A_565, %convert_element_type3A_426, %broadcast_in_dim3A_567 : vector<16x256x256xi1>, vector<16x256x256xf32>
      %reduce_min3A_569 = arith.constant dense<0x7F800000> : vector<256x256xf32>
      %reduce_min3A_570 = vector.multi_reduction <minimumf>, %select_n3A_568, %reduce_min3A_569 [0] : vector<16x256x256xf32> to vector<256x256xf32>
      %reduce_min3A_571 = arith.constant dense<0x7F800000> : vector<256xf32>
      %reduce_min3A_572 = vector.multi_reduction <minimumf>, %reduce_min3A_570, %reduce_min3A_571 [1] : vector<256x256xf32> to vector<256xf32>
      %broadcast_in_dim3A_573 = vector.shape_cast %reduce_min3A_572 : vector<256xf32> to vector<256x1xf32>
      %jit3A_574 = arith.constant -1.000000e+30 : f32
      %broadcast_in_dim3A_575 = vector.broadcast %jit3A_574 : f32 to vector<16x256x256xf32>
      %select_n3A_576 = arith.select %eq3A_565, %broadcast_in_dim3A_575, %select_n3A_557 : vector<16x256x256xi1>, vector<16x256x256xf32>
      %reduce_max3A_577 = arith.constant dense<0xFF800000> : vector<256x256xf32>
      %reduce_max3A_578 = vector.multi_reduction <maximumf>, %select_n3A_576, %reduce_max3A_577 [0] : vector<16x256x256xf32> to vector<256x256xf32>
      %reduce_max3A_579 = arith.constant dense<0xFF800000> : vector<256xf32>
      %reduce_max3A_580 = vector.multi_reduction <maximumf>, %reduce_max3A_578, %reduce_max3A_579 [1] : vector<256x256xf32> to vector<256xf32>
      %broadcast_in_dim3A_581 = vector.shape_cast %reduce_max3A_580 : vector<256xf32> to vector<256x1xf32>
      %broadcast_in_dim3A_582 = vector.shape_cast %broadcast_in_dim3A_581 : vector<256x1xf32> to vector<1x256x1xf32>
      %eq3A_583 = vector.broadcast %broadcast_in_dim3A_582 : vector<1x256x1xf32> to vector<16x256x256xf32>
      %eq3A_584 = arith.cmpf oeq, %select_n3A_576, %eq3A_583 : vector<16x256x256xf32>
      %jit3A_585 = arith.constant 1.000000e+09 : f32
      %broadcast_in_dim3A_586 = vector.broadcast %jit3A_585 : f32 to vector<16x256x256xf32>
      %select_n3A_587 = arith.select %eq3A_584, %convert_element_type3A_426, %broadcast_in_dim3A_586 : vector<16x256x256xi1>, vector<16x256x256xf32>
      %reduce_min3A_588 = arith.constant dense<0x7F800000> : vector<256x256xf32>
      %reduce_min3A_589 = vector.multi_reduction <minimumf>, %select_n3A_587, %reduce_min3A_588 [0] : vector<16x256x256xf32> to vector<256x256xf32>
      %reduce_min3A_590 = arith.constant dense<0x7F800000> : vector<256xf32>
      %reduce_min3A_591 = vector.multi_reduction <minimumf>, %reduce_min3A_589, %reduce_min3A_590 [1] : vector<256x256xf32> to vector<256xf32>
      %broadcast_in_dim3A_592 = vector.shape_cast %reduce_min3A_591 : vector<256xf32> to vector<256x1xf32>
      %jit3A_593 = arith.constant -1.000000e+30 : f32
      %broadcast_in_dim3A_594 = vector.broadcast %jit3A_593 : f32 to vector<16x256x256xf32>
      %select_n3A_595 = arith.select %eq3A_584, %broadcast_in_dim3A_594, %select_n3A_576 : vector<16x256x256xi1>, vector<16x256x256xf32>
      %reduce_max3A_596 = arith.constant dense<0xFF800000> : vector<256x256xf32>
      %reduce_max3A_597 = vector.multi_reduction <maximumf>, %select_n3A_595, %reduce_max3A_596 [0] : vector<16x256x256xf32> to vector<256x256xf32>
      %reduce_max3A_598 = arith.constant dense<0xFF800000> : vector<256xf32>
      %reduce_max3A_599 = vector.multi_reduction <maximumf>, %reduce_max3A_597, %reduce_max3A_598 [1] : vector<256x256xf32> to vector<256xf32>
      %broadcast_in_dim3A_600 = vector.shape_cast %reduce_max3A_599 : vector<256xf32> to vector<256x1xf32>
      %broadcast_in_dim3A_601 = vector.shape_cast %broadcast_in_dim3A_600 : vector<256x1xf32> to vector<1x256x1xf32>
      %eq3A_602 = vector.broadcast %broadcast_in_dim3A_601 : vector<1x256x1xf32> to vector<16x256x256xf32>
      %eq3A_603 = arith.cmpf oeq, %select_n3A_595, %eq3A_602 : vector<16x256x256xf32>
      %jit3A_604 = arith.constant 1.000000e+09 : f32
      %broadcast_in_dim3A_605 = vector.broadcast %jit3A_604 : f32 to vector<16x256x256xf32>
      %select_n3A_606 = arith.select %eq3A_603, %convert_element_type3A_426, %broadcast_in_dim3A_605 : vector<16x256x256xi1>, vector<16x256x256xf32>
      %reduce_min3A_607 = arith.constant dense<0x7F800000> : vector<256x256xf32>
      %reduce_min3A_608 = vector.multi_reduction <minimumf>, %select_n3A_606, %reduce_min3A_607 [0] : vector<16x256x256xf32> to vector<256x256xf32>
      %reduce_min3A_609 = arith.constant dense<0x7F800000> : vector<256xf32>
      %reduce_min3A_610 = vector.multi_reduction <minimumf>, %reduce_min3A_608, %reduce_min3A_609 [1] : vector<256x256xf32> to vector<256xf32>
      %broadcast_in_dim3A_611 = vector.shape_cast %reduce_min3A_610 : vector<256xf32> to vector<256x1xf32>
      %jit3A_612 = arith.constant -1.000000e+30 : f32
      %broadcast_in_dim3A_613 = vector.broadcast %jit3A_612 : f32 to vector<16x256x256xf32>
      %select_n3A_614 = arith.select %eq3A_603, %broadcast_in_dim3A_613, %select_n3A_595 : vector<16x256x256xi1>, vector<16x256x256xf32>
      %reduce_max3A_615 = arith.constant dense<0xFF800000> : vector<256x256xf32>
      %reduce_max3A_616 = vector.multi_reduction <maximumf>, %select_n3A_614, %reduce_max3A_615 [0] : vector<16x256x256xf32> to vector<256x256xf32>
      %reduce_max3A_617 = arith.constant dense<0xFF800000> : vector<256xf32>
      %reduce_max3A_618 = vector.multi_reduction <maximumf>, %reduce_max3A_616, %reduce_max3A_617 [1] : vector<256x256xf32> to vector<256xf32>
      %broadcast_in_dim3A_619 = vector.shape_cast %reduce_max3A_618 : vector<256xf32> to vector<256x1xf32>
      %broadcast_in_dim3A_620 = vector.shape_cast %broadcast_in_dim3A_619 : vector<256x1xf32> to vector<1x256x1xf32>
      %eq3A_621 = vector.broadcast %broadcast_in_dim3A_620 : vector<1x256x1xf32> to vector<16x256x256xf32>
      %eq3A_622 = arith.cmpf oeq, %select_n3A_614, %eq3A_621 : vector<16x256x256xf32>
      %jit3A_623 = arith.constant 1.000000e+09 : f32
      %broadcast_in_dim3A_624 = vector.broadcast %jit3A_623 : f32 to vector<16x256x256xf32>
      %select_n3A_625 = arith.select %eq3A_622, %convert_element_type3A_426, %broadcast_in_dim3A_624 : vector<16x256x256xi1>, vector<16x256x256xf32>
      %reduce_min3A_626 = arith.constant dense<0x7F800000> : vector<256x256xf32>
      %reduce_min3A_627 = vector.multi_reduction <minimumf>, %select_n3A_625, %reduce_min3A_626 [0] : vector<16x256x256xf32> to vector<256x256xf32>
      %reduce_min3A_628 = arith.constant dense<0x7F800000> : vector<256xf32>
      %reduce_min3A_629 = vector.multi_reduction <minimumf>, %reduce_min3A_627, %reduce_min3A_628 [1] : vector<256x256xf32> to vector<256xf32>
      %broadcast_in_dim3A_630 = vector.shape_cast %reduce_min3A_629 : vector<256xf32> to vector<256x1xf32>
      %jit3A_631 = arith.constant -1.000000e+30 : f32
      %broadcast_in_dim3A_632 = vector.broadcast %jit3A_631 : f32 to vector<16x256x256xf32>
      %select_n3A_633 = arith.select %eq3A_622, %broadcast_in_dim3A_632, %select_n3A_614 : vector<16x256x256xi1>, vector<16x256x256xf32>
      %reduce_max3A_634 = arith.constant dense<0xFF800000> : vector<256x256xf32>
      %reduce_max3A_635 = vector.multi_reduction <maximumf>, %select_n3A_633, %reduce_max3A_634 [0] : vector<16x256x256xf32> to vector<256x256xf32>
      %reduce_max3A_636 = arith.constant dense<0xFF800000> : vector<256xf32>
      %reduce_max3A_637 = vector.multi_reduction <maximumf>, %reduce_max3A_635, %reduce_max3A_636 [1] : vector<256x256xf32> to vector<256xf32>
      %broadcast_in_dim3A_638 = vector.shape_cast %reduce_max3A_637 : vector<256xf32> to vector<256x1xf32>
      %broadcast_in_dim3A_639 = vector.shape_cast %broadcast_in_dim3A_638 : vector<256x1xf32> to vector<1x256x1xf32>
      %eq3A_640 = vector.broadcast %broadcast_in_dim3A_639 : vector<1x256x1xf32> to vector<16x256x256xf32>
      %eq3A_641 = arith.cmpf oeq, %select_n3A_633, %eq3A_640 : vector<16x256x256xf32>
      %jit3A_642 = arith.constant 1.000000e+09 : f32
      %broadcast_in_dim3A_643 = vector.broadcast %jit3A_642 : f32 to vector<16x256x256xf32>
      %select_n3A_644 = arith.select %eq3A_641, %convert_element_type3A_426, %broadcast_in_dim3A_643 : vector<16x256x256xi1>, vector<16x256x256xf32>
      %reduce_min3A_645 = arith.constant dense<0x7F800000> : vector<256x256xf32>
      %reduce_min3A_646 = vector.multi_reduction <minimumf>, %select_n3A_644, %reduce_min3A_645 [0] : vector<16x256x256xf32> to vector<256x256xf32>
      %reduce_min3A_647 = arith.constant dense<0x7F800000> : vector<256xf32>
      %reduce_min3A_648 = vector.multi_reduction <minimumf>, %reduce_min3A_646, %reduce_min3A_647 [1] : vector<256x256xf32> to vector<256xf32>
      %broadcast_in_dim3A_649 = vector.shape_cast %reduce_min3A_648 : vector<256xf32> to vector<256x1xf32>
      %jit3A_650 = arith.constant -1.000000e+30 : f32
      %broadcast_in_dim3A_651 = vector.broadcast %jit3A_650 : f32 to vector<16x256x256xf32>
      %select_n3A_652 = arith.select %eq3A_641, %broadcast_in_dim3A_651, %select_n3A_633 : vector<16x256x256xi1>, vector<16x256x256xf32>
      %reduce_max3A_653 = arith.constant dense<0xFF800000> : vector<256x256xf32>
      %reduce_max3A_654 = vector.multi_reduction <maximumf>, %select_n3A_652, %reduce_max3A_653 [0] : vector<16x256x256xf32> to vector<256x256xf32>
      %reduce_max3A_655 = arith.constant dense<0xFF800000> : vector<256xf32>
      %reduce_max3A_656 = vector.multi_reduction <maximumf>, %reduce_max3A_654, %reduce_max3A_655 [1] : vector<256x256xf32> to vector<256xf32>
      %broadcast_in_dim3A_657 = vector.shape_cast %reduce_max3A_656 : vector<256xf32> to vector<256x1xf32>
      %broadcast_in_dim3A_658 = vector.shape_cast %broadcast_in_dim3A_657 : vector<256x1xf32> to vector<1x256x1xf32>
      %eq3A_659 = vector.broadcast %broadcast_in_dim3A_658 : vector<1x256x1xf32> to vector<16x256x256xf32>
      %eq3A_660 = arith.cmpf oeq, %select_n3A_652, %eq3A_659 : vector<16x256x256xf32>
      %jit3A_661 = arith.constant 1.000000e+09 : f32
      %broadcast_in_dim3A_662 = vector.broadcast %jit3A_661 : f32 to vector<16x256x256xf32>
      %select_n3A_663 = arith.select %eq3A_660, %convert_element_type3A_426, %broadcast_in_dim3A_662 : vector<16x256x256xi1>, vector<16x256x256xf32>
      %reduce_min3A_664 = arith.constant dense<0x7F800000> : vector<256x256xf32>
      %reduce_min3A_665 = vector.multi_reduction <minimumf>, %select_n3A_663, %reduce_min3A_664 [0] : vector<16x256x256xf32> to vector<256x256xf32>
      %reduce_min3A_666 = arith.constant dense<0x7F800000> : vector<256xf32>
      %reduce_min3A_667 = vector.multi_reduction <minimumf>, %reduce_min3A_665, %reduce_min3A_666 [1] : vector<256x256xf32> to vector<256xf32>
      %broadcast_in_dim3A_668 = vector.shape_cast %reduce_min3A_667 : vector<256xf32> to vector<256x1xf32>
      %jit3A_669 = arith.constant -1.000000e+30 : f32
      %broadcast_in_dim3A_670 = vector.broadcast %jit3A_669 : f32 to vector<16x256x256xf32>
      %select_n3A_671 = arith.select %eq3A_660, %broadcast_in_dim3A_670, %select_n3A_652 : vector<16x256x256xi1>, vector<16x256x256xf32>
      %reduce_max3A_672 = arith.constant dense<0xFF800000> : vector<256x256xf32>
      %reduce_max3A_673 = vector.multi_reduction <maximumf>, %select_n3A_671, %reduce_max3A_672 [0] : vector<16x256x256xf32> to vector<256x256xf32>
      %reduce_max3A_674 = arith.constant dense<0xFF800000> : vector<256xf32>
      %reduce_max3A_675 = vector.multi_reduction <maximumf>, %reduce_max3A_673, %reduce_max3A_674 [1] : vector<256x256xf32> to vector<256xf32>
      %broadcast_in_dim3A_676 = vector.shape_cast %reduce_max3A_675 : vector<256xf32> to vector<256x1xf32>
      %broadcast_in_dim3A_677 = vector.shape_cast %broadcast_in_dim3A_676 : vector<256x1xf32> to vector<1x256x1xf32>
      %eq3A_678 = vector.broadcast %broadcast_in_dim3A_677 : vector<1x256x1xf32> to vector<16x256x256xf32>
      %eq3A_679 = arith.cmpf oeq, %select_n3A_671, %eq3A_678 : vector<16x256x256xf32>
      %jit3A_680 = arith.constant 1.000000e+09 : f32
      %broadcast_in_dim3A_681 = vector.broadcast %jit3A_680 : f32 to vector<16x256x256xf32>
      %select_n3A_682 = arith.select %eq3A_679, %convert_element_type3A_426, %broadcast_in_dim3A_681 : vector<16x256x256xi1>, vector<16x256x256xf32>
      %reduce_min3A_683 = arith.constant dense<0x7F800000> : vector<256x256xf32>
      %reduce_min3A_684 = vector.multi_reduction <minimumf>, %select_n3A_682, %reduce_min3A_683 [0] : vector<16x256x256xf32> to vector<256x256xf32>
      %reduce_min3A_685 = arith.constant dense<0x7F800000> : vector<256xf32>
      %reduce_min3A_686 = vector.multi_reduction <minimumf>, %reduce_min3A_684, %reduce_min3A_685 [1] : vector<256x256xf32> to vector<256xf32>
      %broadcast_in_dim3A_687 = vector.shape_cast %reduce_min3A_686 : vector<256xf32> to vector<256x1xf32>
      %jit3A_688 = arith.constant -1.000000e+30 : f32
      %broadcast_in_dim3A_689 = vector.broadcast %jit3A_688 : f32 to vector<16x256x256xf32>
      %select_n3A_690 = arith.select %eq3A_679, %broadcast_in_dim3A_689, %select_n3A_671 : vector<16x256x256xi1>, vector<16x256x256xf32>
      %reduce_max3A_691 = arith.constant dense<0xFF800000> : vector<256x256xf32>
      %reduce_max3A_692 = vector.multi_reduction <maximumf>, %select_n3A_690, %reduce_max3A_691 [0] : vector<16x256x256xf32> to vector<256x256xf32>
      %reduce_max3A_693 = arith.constant dense<0xFF800000> : vector<256xf32>
      %reduce_max3A_694 = vector.multi_reduction <maximumf>, %reduce_max3A_692, %reduce_max3A_693 [1] : vector<256x256xf32> to vector<256xf32>
      %broadcast_in_dim3A_695 = vector.shape_cast %reduce_max3A_694 : vector<256xf32> to vector<256x1xf32>
      %broadcast_in_dim3A_696 = vector.shape_cast %broadcast_in_dim3A_695 : vector<256x1xf32> to vector<1x256x1xf32>
      %eq3A_697 = vector.broadcast %broadcast_in_dim3A_696 : vector<1x256x1xf32> to vector<16x256x256xf32>
      %eq3A_698 = arith.cmpf oeq, %select_n3A_690, %eq3A_697 : vector<16x256x256xf32>
      %jit3A_699 = arith.constant 1.000000e+09 : f32
      %broadcast_in_dim3A_700 = vector.broadcast %jit3A_699 : f32 to vector<16x256x256xf32>
      %select_n3A_701 = arith.select %eq3A_698, %convert_element_type3A_426, %broadcast_in_dim3A_700 : vector<16x256x256xi1>, vector<16x256x256xf32>
      %reduce_min3A_702 = arith.constant dense<0x7F800000> : vector<256x256xf32>
      %reduce_min3A_703 = vector.multi_reduction <minimumf>, %select_n3A_701, %reduce_min3A_702 [0] : vector<16x256x256xf32> to vector<256x256xf32>
      %reduce_min3A_704 = arith.constant dense<0x7F800000> : vector<256xf32>
      %reduce_min3A_705 = vector.multi_reduction <minimumf>, %reduce_min3A_703, %reduce_min3A_704 [1] : vector<256x256xf32> to vector<256xf32>
      %broadcast_in_dim3A_706 = vector.shape_cast %reduce_min3A_705 : vector<256xf32> to vector<256x1xf32>
      %jit3A_707 = arith.constant -1.000000e+30 : f32
      %broadcast_in_dim3A_708 = vector.broadcast %jit3A_707 : f32 to vector<16x256x256xf32>
      %select_n3A_709 = arith.select %eq3A_698, %broadcast_in_dim3A_708, %select_n3A_690 : vector<16x256x256xi1>, vector<16x256x256xf32>
      %reduce_max3A_710 = arith.constant dense<0xFF800000> : vector<256x256xf32>
      %reduce_max3A_711 = vector.multi_reduction <maximumf>, %select_n3A_709, %reduce_max3A_710 [0] : vector<16x256x256xf32> to vector<256x256xf32>
      %reduce_max3A_712 = arith.constant dense<0xFF800000> : vector<256xf32>
      %reduce_max3A_713 = vector.multi_reduction <maximumf>, %reduce_max3A_711, %reduce_max3A_712 [1] : vector<256x256xf32> to vector<256xf32>
      %broadcast_in_dim3A_714 = vector.shape_cast %reduce_max3A_713 : vector<256xf32> to vector<256x1xf32>
      %broadcast_in_dim3A_715 = vector.shape_cast %broadcast_in_dim3A_714 : vector<256x1xf32> to vector<1x256x1xf32>
      %eq3A_716 = vector.broadcast %broadcast_in_dim3A_715 : vector<1x256x1xf32> to vector<16x256x256xf32>
      %eq3A_717 = arith.cmpf oeq, %select_n3A_709, %eq3A_716 : vector<16x256x256xf32>
      %jit3A_718 = arith.constant 1.000000e+09 : f32
      %broadcast_in_dim3A_719 = vector.broadcast %jit3A_718 : f32 to vector<16x256x256xf32>
      %select_n3A_720 = arith.select %eq3A_717, %convert_element_type3A_426, %broadcast_in_dim3A_719 : vector<16x256x256xi1>, vector<16x256x256xf32>
      %reduce_min3A_721 = arith.constant dense<0x7F800000> : vector<256x256xf32>
      %reduce_min3A_722 = vector.multi_reduction <minimumf>, %select_n3A_720, %reduce_min3A_721 [0] : vector<16x256x256xf32> to vector<256x256xf32>
      %reduce_min3A_723 = arith.constant dense<0x7F800000> : vector<256xf32>
      %reduce_min3A_724 = vector.multi_reduction <minimumf>, %reduce_min3A_722, %reduce_min3A_723 [1] : vector<256x256xf32> to vector<256xf32>
      %broadcast_in_dim3A_725 = vector.shape_cast %reduce_min3A_724 : vector<256xf32> to vector<256x1xf32>
      %jit3A_726 = arith.constant -1.000000e+30 : f32
      %broadcast_in_dim3A_727 = vector.broadcast %jit3A_726 : f32 to vector<16x256x256xf32>
      %select_n3A_728 = arith.select %eq3A_717, %broadcast_in_dim3A_727, %select_n3A_709 : vector<16x256x256xi1>, vector<16x256x256xf32>
      %reduce_max3A_729 = arith.constant dense<0xFF800000> : vector<256x256xf32>
      %reduce_max3A_730 = vector.multi_reduction <maximumf>, %select_n3A_728, %reduce_max3A_729 [0] : vector<16x256x256xf32> to vector<256x256xf32>
      %reduce_max3A_731 = arith.constant dense<0xFF800000> : vector<256xf32>
      %reduce_max3A_732 = vector.multi_reduction <maximumf>, %reduce_max3A_730, %reduce_max3A_731 [1] : vector<256x256xf32> to vector<256xf32>
      %broadcast_in_dim3A_733 = vector.shape_cast %reduce_max3A_732 : vector<256xf32> to vector<256x1xf32>
      %broadcast_in_dim3A_734 = vector.shape_cast %broadcast_in_dim3A_733 : vector<256x1xf32> to vector<1x256x1xf32>
      %eq3A_735 = vector.broadcast %broadcast_in_dim3A_734 : vector<1x256x1xf32> to vector<16x256x256xf32>
      %eq3A_736 = arith.cmpf oeq, %select_n3A_728, %eq3A_735 : vector<16x256x256xf32>
      %jit3A_737 = arith.constant 1.000000e+09 : f32
      %broadcast_in_dim3A_738 = vector.broadcast %jit3A_737 : f32 to vector<16x256x256xf32>
      %select_n3A_739 = arith.select %eq3A_736, %convert_element_type3A_426, %broadcast_in_dim3A_738 : vector<16x256x256xi1>, vector<16x256x256xf32>
      %reduce_min3A_740 = arith.constant dense<0x7F800000> : vector<256x256xf32>
      %reduce_min3A_741 = vector.multi_reduction <minimumf>, %select_n3A_739, %reduce_min3A_740 [0] : vector<16x256x256xf32> to vector<256x256xf32>
      %reduce_min3A_742 = arith.constant dense<0x7F800000> : vector<256xf32>
      %reduce_min3A_743 = vector.multi_reduction <minimumf>, %reduce_min3A_741, %reduce_min3A_742 [1] : vector<256x256xf32> to vector<256xf32>
      %broadcast_in_dim3A_744 = vector.shape_cast %reduce_min3A_743 : vector<256xf32> to vector<256x1xf32>
      %jit3A_745 = arith.constant -1.000000e+30 : f32
      %broadcast_in_dim3A_746 = vector.broadcast %jit3A_745 : f32 to vector<16x256x256xf32>
      %select_n3A_747 = arith.select %eq3A_736, %broadcast_in_dim3A_746, %select_n3A_728 : vector<16x256x256xi1>, vector<16x256x256xf32>
      %reduce_max3A_748 = arith.constant dense<0xFF800000> : vector<256x256xf32>
      %reduce_max3A_749 = vector.multi_reduction <maximumf>, %select_n3A_747, %reduce_max3A_748 [0] : vector<16x256x256xf32> to vector<256x256xf32>
      %reduce_max3A_750 = arith.constant dense<0xFF800000> : vector<256xf32>
      %reduce_max3A_751 = vector.multi_reduction <maximumf>, %reduce_max3A_749, %reduce_max3A_750 [1] : vector<256x256xf32> to vector<256xf32>
      %broadcast_in_dim3A_752 = vector.shape_cast %reduce_max3A_751 : vector<256xf32> to vector<256x1xf32>
      %broadcast_in_dim3A_753 = vector.shape_cast %broadcast_in_dim3A_752 : vector<256x1xf32> to vector<1x256x1xf32>
      %eq3A_754 = vector.broadcast %broadcast_in_dim3A_753 : vector<1x256x1xf32> to vector<16x256x256xf32>
      %eq3A_755 = arith.cmpf oeq, %select_n3A_747, %eq3A_754 : vector<16x256x256xf32>
      %jit3A_756 = arith.constant 1.000000e+09 : f32
      %broadcast_in_dim3A_757 = vector.broadcast %jit3A_756 : f32 to vector<16x256x256xf32>
      %select_n3A_758 = arith.select %eq3A_755, %convert_element_type3A_426, %broadcast_in_dim3A_757 : vector<16x256x256xi1>, vector<16x256x256xf32>
      %reduce_min3A_759 = arith.constant dense<0x7F800000> : vector<256x256xf32>
      %reduce_min3A_760 = vector.multi_reduction <minimumf>, %select_n3A_758, %reduce_min3A_759 [0] : vector<16x256x256xf32> to vector<256x256xf32>
      %reduce_min3A_761 = arith.constant dense<0x7F800000> : vector<256xf32>
      %reduce_min3A_762 = vector.multi_reduction <minimumf>, %reduce_min3A_760, %reduce_min3A_761 [1] : vector<256x256xf32> to vector<256xf32>
      %broadcast_in_dim3A_763 = vector.shape_cast %reduce_min3A_762 : vector<256xf32> to vector<256x1xf32>
      %jit3A_764 = arith.constant -1.000000e+30 : f32
      %broadcast_in_dim3A_765 = vector.broadcast %jit3A_764 : f32 to vector<16x256x256xf32>
      %select_n3A_766 = arith.select %eq3A_755, %broadcast_in_dim3A_765, %select_n3A_747 : vector<16x256x256xi1>, vector<16x256x256xf32>
      %reduce_max3A_767 = arith.constant dense<0xFF800000> : vector<256x256xf32>
      %reduce_max3A_768 = vector.multi_reduction <maximumf>, %select_n3A_766, %reduce_max3A_767 [0] : vector<16x256x256xf32> to vector<256x256xf32>
      %reduce_max3A_769 = arith.constant dense<0xFF800000> : vector<256xf32>
      %reduce_max3A_770 = vector.multi_reduction <maximumf>, %reduce_max3A_768, %reduce_max3A_769 [1] : vector<256x256xf32> to vector<256xf32>
      %broadcast_in_dim3A_771 = vector.shape_cast %reduce_max3A_770 : vector<256xf32> to vector<256x1xf32>
      %broadcast_in_dim3A_772 = vector.shape_cast %broadcast_in_dim3A_771 : vector<256x1xf32> to vector<1x256x1xf32>
      %eq3A_773 = vector.broadcast %broadcast_in_dim3A_772 : vector<1x256x1xf32> to vector<16x256x256xf32>
      %eq3A_774 = arith.cmpf oeq, %select_n3A_766, %eq3A_773 : vector<16x256x256xf32>
      %jit3A_775 = arith.constant 1.000000e+09 : f32
      %broadcast_in_dim3A_776 = vector.broadcast %jit3A_775 : f32 to vector<16x256x256xf32>
      %select_n3A_777 = arith.select %eq3A_774, %convert_element_type3A_426, %broadcast_in_dim3A_776 : vector<16x256x256xi1>, vector<16x256x256xf32>
      %reduce_min3A_778 = arith.constant dense<0x7F800000> : vector<256x256xf32>
      %reduce_min3A_779 = vector.multi_reduction <minimumf>, %select_n3A_777, %reduce_min3A_778 [0] : vector<16x256x256xf32> to vector<256x256xf32>
      %reduce_min3A_780 = arith.constant dense<0x7F800000> : vector<256xf32>
      %reduce_min3A_781 = vector.multi_reduction <minimumf>, %reduce_min3A_779, %reduce_min3A_780 [1] : vector<256x256xf32> to vector<256xf32>
      %broadcast_in_dim3A_782 = vector.shape_cast %reduce_min3A_781 : vector<256xf32> to vector<256x1xf32>
      %jit3A_783 = arith.constant -1.000000e+30 : f32
      %broadcast_in_dim3A_784 = vector.broadcast %jit3A_783 : f32 to vector<16x256x256xf32>
      %select_n3A_785 = arith.select %eq3A_774, %broadcast_in_dim3A_784, %select_n3A_766 : vector<16x256x256xi1>, vector<16x256x256xf32>
      %reduce_max3A_786 = arith.constant dense<0xFF800000> : vector<256x256xf32>
      %reduce_max3A_787 = vector.multi_reduction <maximumf>, %select_n3A_785, %reduce_max3A_786 [0] : vector<16x256x256xf32> to vector<256x256xf32>
      %reduce_max3A_788 = arith.constant dense<0xFF800000> : vector<256xf32>
      %reduce_max3A_789 = vector.multi_reduction <maximumf>, %reduce_max3A_787, %reduce_max3A_788 [1] : vector<256x256xf32> to vector<256xf32>
      %broadcast_in_dim3A_790 = vector.shape_cast %reduce_max3A_789 : vector<256xf32> to vector<256x1xf32>
      %broadcast_in_dim3A_791 = vector.shape_cast %broadcast_in_dim3A_790 : vector<256x1xf32> to vector<1x256x1xf32>
      %eq3A_792 = vector.broadcast %broadcast_in_dim3A_791 : vector<1x256x1xf32> to vector<16x256x256xf32>
      %eq3A_793 = arith.cmpf oeq, %select_n3A_785, %eq3A_792 : vector<16x256x256xf32>
      %jit3A_794 = arith.constant 1.000000e+09 : f32
      %broadcast_in_dim3A_795 = vector.broadcast %jit3A_794 : f32 to vector<16x256x256xf32>
      %select_n3A_796 = arith.select %eq3A_793, %convert_element_type3A_426, %broadcast_in_dim3A_795 : vector<16x256x256xi1>, vector<16x256x256xf32>
      %reduce_min3A_797 = arith.constant dense<0x7F800000> : vector<256x256xf32>
      %reduce_min3A_798 = vector.multi_reduction <minimumf>, %select_n3A_796, %reduce_min3A_797 [0] : vector<16x256x256xf32> to vector<256x256xf32>
      %reduce_min3A_799 = arith.constant dense<0x7F800000> : vector<256xf32>
      %reduce_min3A_800 = vector.multi_reduction <minimumf>, %reduce_min3A_798, %reduce_min3A_799 [1] : vector<256x256xf32> to vector<256xf32>
      %broadcast_in_dim3A_801 = vector.shape_cast %reduce_min3A_800 : vector<256xf32> to vector<256x1xf32>
      %jit3A_802 = arith.constant -1.000000e+30 : f32
      %broadcast_in_dim3A_803 = vector.broadcast %jit3A_802 : f32 to vector<16x256x256xf32>
      %select_n3A_804 = arith.select %eq3A_793, %broadcast_in_dim3A_803, %select_n3A_785 : vector<16x256x256xi1>, vector<16x256x256xf32>
      %reduce_max3A_805 = arith.constant dense<0xFF800000> : vector<256x256xf32>
      %reduce_max3A_806 = vector.multi_reduction <maximumf>, %select_n3A_804, %reduce_max3A_805 [0] : vector<16x256x256xf32> to vector<256x256xf32>
      %reduce_max3A_807 = arith.constant dense<0xFF800000> : vector<256xf32>
      %reduce_max3A_808 = vector.multi_reduction <maximumf>, %reduce_max3A_806, %reduce_max3A_807 [1] : vector<256x256xf32> to vector<256xf32>
      %broadcast_in_dim3A_809 = vector.shape_cast %reduce_max3A_808 : vector<256xf32> to vector<256x1xf32>
      %broadcast_in_dim3A_810 = vector.shape_cast %broadcast_in_dim3A_809 : vector<256x1xf32> to vector<1x256x1xf32>
      %eq3A_811 = vector.broadcast %broadcast_in_dim3A_810 : vector<1x256x1xf32> to vector<16x256x256xf32>
      %eq3A_812 = arith.cmpf oeq, %select_n3A_804, %eq3A_811 : vector<16x256x256xf32>
      %jit3A_813 = arith.constant 1.000000e+09 : f32
      %broadcast_in_dim3A_814 = vector.broadcast %jit3A_813 : f32 to vector<16x256x256xf32>
      %select_n3A_815 = arith.select %eq3A_812, %convert_element_type3A_426, %broadcast_in_dim3A_814 : vector<16x256x256xi1>, vector<16x256x256xf32>
      %reduce_min3A_816 = arith.constant dense<0x7F800000> : vector<256x256xf32>
      %reduce_min3A_817 = vector.multi_reduction <minimumf>, %select_n3A_815, %reduce_min3A_816 [0] : vector<16x256x256xf32> to vector<256x256xf32>
      %reduce_min3A_818 = arith.constant dense<0x7F800000> : vector<256xf32>
      %reduce_min3A_819 = vector.multi_reduction <minimumf>, %reduce_min3A_817, %reduce_min3A_818 [1] : vector<256x256xf32> to vector<256xf32>
      %broadcast_in_dim3A_820 = vector.shape_cast %reduce_min3A_819 : vector<256xf32> to vector<256x1xf32>
      %jit3A_821 = arith.constant -1.000000e+30 : f32
      %broadcast_in_dim3A_822 = vector.broadcast %jit3A_821 : f32 to vector<16x256x256xf32>
      %select_n3A_823 = arith.select %eq3A_812, %broadcast_in_dim3A_822, %select_n3A_804 : vector<16x256x256xi1>, vector<16x256x256xf32>
      %reduce_max3A_824 = arith.constant dense<0xFF800000> : vector<256x256xf32>
      %reduce_max3A_825 = vector.multi_reduction <maximumf>, %select_n3A_823, %reduce_max3A_824 [0] : vector<16x256x256xf32> to vector<256x256xf32>
      %reduce_max3A_826 = arith.constant dense<0xFF800000> : vector<256xf32>
      %reduce_max3A_827 = vector.multi_reduction <maximumf>, %reduce_max3A_825, %reduce_max3A_826 [1] : vector<256x256xf32> to vector<256xf32>
      %broadcast_in_dim3A_828 = vector.shape_cast %reduce_max3A_827 : vector<256xf32> to vector<256x1xf32>
      %broadcast_in_dim3A_829 = vector.shape_cast %broadcast_in_dim3A_828 : vector<256x1xf32> to vector<1x256x1xf32>
      %eq3A_830 = vector.broadcast %broadcast_in_dim3A_829 : vector<1x256x1xf32> to vector<16x256x256xf32>
      %eq3A_831 = arith.cmpf oeq, %select_n3A_823, %eq3A_830 : vector<16x256x256xf32>
      %jit3A_832 = arith.constant 1.000000e+09 : f32
      %broadcast_in_dim3A_833 = vector.broadcast %jit3A_832 : f32 to vector<16x256x256xf32>
      %select_n3A_834 = arith.select %eq3A_831, %convert_element_type3A_426, %broadcast_in_dim3A_833 : vector<16x256x256xi1>, vector<16x256x256xf32>
      %reduce_min3A_835 = arith.constant dense<0x7F800000> : vector<256x256xf32>
      %reduce_min3A_836 = vector.multi_reduction <minimumf>, %select_n3A_834, %reduce_min3A_835 [0] : vector<16x256x256xf32> to vector<256x256xf32>
      %reduce_min3A_837 = arith.constant dense<0x7F800000> : vector<256xf32>
      %reduce_min3A_838 = vector.multi_reduction <minimumf>, %reduce_min3A_836, %reduce_min3A_837 [1] : vector<256x256xf32> to vector<256xf32>
      %broadcast_in_dim3A_839 = vector.shape_cast %reduce_min3A_838 : vector<256xf32> to vector<256x1xf32>
      %jit3A_840 = arith.constant -1.000000e+30 : f32
      %broadcast_in_dim3A_841 = vector.broadcast %jit3A_840 : f32 to vector<16x256x256xf32>
      %select_n3A_842 = arith.select %eq3A_831, %broadcast_in_dim3A_841, %select_n3A_823 : vector<16x256x256xi1>, vector<16x256x256xf32>
      %reduce_max3A_843 = arith.constant dense<0xFF800000> : vector<256x256xf32>
      %reduce_max3A_844 = vector.multi_reduction <maximumf>, %select_n3A_842, %reduce_max3A_843 [0] : vector<16x256x256xf32> to vector<256x256xf32>
      %reduce_max3A_845 = arith.constant dense<0xFF800000> : vector<256xf32>
      %reduce_max3A_846 = vector.multi_reduction <maximumf>, %reduce_max3A_844, %reduce_max3A_845 [1] : vector<256x256xf32> to vector<256xf32>
      %broadcast_in_dim3A_847 = vector.shape_cast %reduce_max3A_846 : vector<256xf32> to vector<256x1xf32>
      %broadcast_in_dim3A_848 = vector.shape_cast %broadcast_in_dim3A_847 : vector<256x1xf32> to vector<1x256x1xf32>
      %eq3A_849 = vector.broadcast %broadcast_in_dim3A_848 : vector<1x256x1xf32> to vector<16x256x256xf32>
      %eq3A_850 = arith.cmpf oeq, %select_n3A_842, %eq3A_849 : vector<16x256x256xf32>
      %jit3A_851 = arith.constant 1.000000e+09 : f32
      %broadcast_in_dim3A_852 = vector.broadcast %jit3A_851 : f32 to vector<16x256x256xf32>
      %select_n3A_853 = arith.select %eq3A_850, %convert_element_type3A_426, %broadcast_in_dim3A_852 : vector<16x256x256xi1>, vector<16x256x256xf32>
      %reduce_min3A_854 = arith.constant dense<0x7F800000> : vector<256x256xf32>
      %reduce_min3A_855 = vector.multi_reduction <minimumf>, %select_n3A_853, %reduce_min3A_854 [0] : vector<16x256x256xf32> to vector<256x256xf32>
      %reduce_min3A_856 = arith.constant dense<0x7F800000> : vector<256xf32>
      %reduce_min3A_857 = vector.multi_reduction <minimumf>, %reduce_min3A_855, %reduce_min3A_856 [1] : vector<256x256xf32> to vector<256xf32>
      %broadcast_in_dim3A_858 = vector.shape_cast %reduce_min3A_857 : vector<256xf32> to vector<256x1xf32>
      %jit3A_859 = arith.constant -1.000000e+30 : f32
      %broadcast_in_dim3A_860 = vector.broadcast %jit3A_859 : f32 to vector<16x256x256xf32>
      %select_n3A_861 = arith.select %eq3A_850, %broadcast_in_dim3A_860, %select_n3A_842 : vector<16x256x256xi1>, vector<16x256x256xf32>
      %reduce_max3A_862 = arith.constant dense<0xFF800000> : vector<256x256xf32>
      %reduce_max3A_863 = vector.multi_reduction <maximumf>, %select_n3A_861, %reduce_max3A_862 [0] : vector<16x256x256xf32> to vector<256x256xf32>
      %reduce_max3A_864 = arith.constant dense<0xFF800000> : vector<256xf32>
      %reduce_max3A_865 = vector.multi_reduction <maximumf>, %reduce_max3A_863, %reduce_max3A_864 [1] : vector<256x256xf32> to vector<256xf32>
      %broadcast_in_dim3A_866 = vector.shape_cast %reduce_max3A_865 : vector<256xf32> to vector<256x1xf32>
      %broadcast_in_dim3A_867 = vector.shape_cast %broadcast_in_dim3A_866 : vector<256x1xf32> to vector<1x256x1xf32>
      %eq3A_868 = vector.broadcast %broadcast_in_dim3A_867 : vector<1x256x1xf32> to vector<16x256x256xf32>
      %eq3A_869 = arith.cmpf oeq, %select_n3A_861, %eq3A_868 : vector<16x256x256xf32>
      %jit3A_870 = arith.constant 1.000000e+09 : f32
      %broadcast_in_dim3A_871 = vector.broadcast %jit3A_870 : f32 to vector<16x256x256xf32>
      %select_n3A_872 = arith.select %eq3A_869, %convert_element_type3A_426, %broadcast_in_dim3A_871 : vector<16x256x256xi1>, vector<16x256x256xf32>
      %reduce_min3A_873 = arith.constant dense<0x7F800000> : vector<256x256xf32>
      %reduce_min3A_874 = vector.multi_reduction <minimumf>, %select_n3A_872, %reduce_min3A_873 [0] : vector<16x256x256xf32> to vector<256x256xf32>
      %reduce_min3A_875 = arith.constant dense<0x7F800000> : vector<256xf32>
      %reduce_min3A_876 = vector.multi_reduction <minimumf>, %reduce_min3A_874, %reduce_min3A_875 [1] : vector<256x256xf32> to vector<256xf32>
      %broadcast_in_dim3A_877 = vector.shape_cast %reduce_min3A_876 : vector<256xf32> to vector<256x1xf32>
      %jit3A_878 = arith.constant -1.000000e+30 : f32
      %broadcast_in_dim3A_879 = vector.broadcast %jit3A_878 : f32 to vector<16x256x256xf32>
      %select_n3A_880 = arith.select %eq3A_869, %broadcast_in_dim3A_879, %select_n3A_861 : vector<16x256x256xi1>, vector<16x256x256xf32>
      %reduce_max3A_881 = arith.constant dense<0xFF800000> : vector<256x256xf32>
      %reduce_max3A_882 = vector.multi_reduction <maximumf>, %select_n3A_880, %reduce_max3A_881 [0] : vector<16x256x256xf32> to vector<256x256xf32>
      %reduce_max3A_883 = arith.constant dense<0xFF800000> : vector<256xf32>
      %reduce_max3A_884 = vector.multi_reduction <maximumf>, %reduce_max3A_882, %reduce_max3A_883 [1] : vector<256x256xf32> to vector<256xf32>
      %broadcast_in_dim3A_885 = vector.shape_cast %reduce_max3A_884 : vector<256xf32> to vector<256x1xf32>
      %broadcast_in_dim3A_886 = vector.shape_cast %broadcast_in_dim3A_885 : vector<256x1xf32> to vector<1x256x1xf32>
      %eq3A_887 = vector.broadcast %broadcast_in_dim3A_886 : vector<1x256x1xf32> to vector<16x256x256xf32>
      %eq3A_888 = arith.cmpf oeq, %select_n3A_880, %eq3A_887 : vector<16x256x256xf32>
      %jit3A_889 = arith.constant 1.000000e+09 : f32
      %broadcast_in_dim3A_890 = vector.broadcast %jit3A_889 : f32 to vector<16x256x256xf32>
      %select_n3A_891 = arith.select %eq3A_888, %convert_element_type3A_426, %broadcast_in_dim3A_890 : vector<16x256x256xi1>, vector<16x256x256xf32>
      %reduce_min3A_892 = arith.constant dense<0x7F800000> : vector<256x256xf32>
      %reduce_min3A_893 = vector.multi_reduction <minimumf>, %select_n3A_891, %reduce_min3A_892 [0] : vector<16x256x256xf32> to vector<256x256xf32>
      %reduce_min3A_894 = arith.constant dense<0x7F800000> : vector<256xf32>
      %reduce_min3A_895 = vector.multi_reduction <minimumf>, %reduce_min3A_893, %reduce_min3A_894 [1] : vector<256x256xf32> to vector<256xf32>
      %broadcast_in_dim3A_896 = vector.shape_cast %reduce_min3A_895 : vector<256xf32> to vector<256x1xf32>
      %jit3A_897 = arith.constant -1.000000e+30 : f32
      %broadcast_in_dim3A_898 = vector.broadcast %jit3A_897 : f32 to vector<16x256x256xf32>
      %select_n3A_899 = arith.select %eq3A_888, %broadcast_in_dim3A_898, %select_n3A_880 : vector<16x256x256xi1>, vector<16x256x256xf32>
      %reduce_max3A_900 = arith.constant dense<0xFF800000> : vector<256x256xf32>
      %reduce_max3A_901 = vector.multi_reduction <maximumf>, %select_n3A_899, %reduce_max3A_900 [0] : vector<16x256x256xf32> to vector<256x256xf32>
      %reduce_max3A_902 = arith.constant dense<0xFF800000> : vector<256xf32>
      %reduce_max3A_903 = vector.multi_reduction <maximumf>, %reduce_max3A_901, %reduce_max3A_902 [1] : vector<256x256xf32> to vector<256xf32>
      %broadcast_in_dim3A_904 = vector.shape_cast %reduce_max3A_903 : vector<256xf32> to vector<256x1xf32>
      %broadcast_in_dim3A_905 = vector.shape_cast %broadcast_in_dim3A_904 : vector<256x1xf32> to vector<1x256x1xf32>
      %eq3A_906 = vector.broadcast %broadcast_in_dim3A_905 : vector<1x256x1xf32> to vector<16x256x256xf32>
      %eq3A_907 = arith.cmpf oeq, %select_n3A_899, %eq3A_906 : vector<16x256x256xf32>
      %jit3A_908 = arith.constant 1.000000e+09 : f32
      %broadcast_in_dim3A_909 = vector.broadcast %jit3A_908 : f32 to vector<16x256x256xf32>
      %select_n3A_910 = arith.select %eq3A_907, %convert_element_type3A_426, %broadcast_in_dim3A_909 : vector<16x256x256xi1>, vector<16x256x256xf32>
      %reduce_min3A_911 = arith.constant dense<0x7F800000> : vector<256x256xf32>
      %reduce_min3A_912 = vector.multi_reduction <minimumf>, %select_n3A_910, %reduce_min3A_911 [0] : vector<16x256x256xf32> to vector<256x256xf32>
      %reduce_min3A_913 = arith.constant dense<0x7F800000> : vector<256xf32>
      %reduce_min3A_914 = vector.multi_reduction <minimumf>, %reduce_min3A_912, %reduce_min3A_913 [1] : vector<256x256xf32> to vector<256xf32>
      %broadcast_in_dim3A_915 = vector.shape_cast %reduce_min3A_914 : vector<256xf32> to vector<256x1xf32>
      %jit3A_916 = arith.constant -1.000000e+30 : f32
      %broadcast_in_dim3A_917 = vector.broadcast %jit3A_916 : f32 to vector<16x256x256xf32>
      %select_n3A_918 = arith.select %eq3A_907, %broadcast_in_dim3A_917, %select_n3A_899 : vector<16x256x256xi1>, vector<16x256x256xf32>
      %reduce_max3A_919 = arith.constant dense<0xFF800000> : vector<256x256xf32>
      %reduce_max3A_920 = vector.multi_reduction <maximumf>, %select_n3A_918, %reduce_max3A_919 [0] : vector<16x256x256xf32> to vector<256x256xf32>
      %reduce_max3A_921 = arith.constant dense<0xFF800000> : vector<256xf32>
      %reduce_max3A_922 = vector.multi_reduction <maximumf>, %reduce_max3A_920, %reduce_max3A_921 [1] : vector<256x256xf32> to vector<256xf32>
      %broadcast_in_dim3A_923 = vector.shape_cast %reduce_max3A_922 : vector<256xf32> to vector<256x1xf32>
      %broadcast_in_dim3A_924 = vector.shape_cast %broadcast_in_dim3A_923 : vector<256x1xf32> to vector<1x256x1xf32>
      %eq3A_925 = vector.broadcast %broadcast_in_dim3A_924 : vector<1x256x1xf32> to vector<16x256x256xf32>
      %eq3A_926 = arith.cmpf oeq, %select_n3A_918, %eq3A_925 : vector<16x256x256xf32>
      %jit3A_927 = arith.constant 1.000000e+09 : f32
      %broadcast_in_dim3A_928 = vector.broadcast %jit3A_927 : f32 to vector<16x256x256xf32>
      %select_n3A_929 = arith.select %eq3A_926, %convert_element_type3A_426, %broadcast_in_dim3A_928 : vector<16x256x256xi1>, vector<16x256x256xf32>
      %reduce_min3A_930 = arith.constant dense<0x7F800000> : vector<256x256xf32>
      %reduce_min3A_931 = vector.multi_reduction <minimumf>, %select_n3A_929, %reduce_min3A_930 [0] : vector<16x256x256xf32> to vector<256x256xf32>
      %reduce_min3A_932 = arith.constant dense<0x7F800000> : vector<256xf32>
      %reduce_min3A_933 = vector.multi_reduction <minimumf>, %reduce_min3A_931, %reduce_min3A_932 [1] : vector<256x256xf32> to vector<256xf32>
      %broadcast_in_dim3A_934 = vector.shape_cast %reduce_min3A_933 : vector<256xf32> to vector<256x1xf32>
      %jit3A_935 = arith.constant -1.000000e+30 : f32
      %broadcast_in_dim3A_936 = vector.broadcast %jit3A_935 : f32 to vector<16x256x256xf32>
      %select_n3A_937 = arith.select %eq3A_926, %broadcast_in_dim3A_936, %select_n3A_918 : vector<16x256x256xi1>, vector<16x256x256xf32>
      %reduce_max3A_938 = arith.constant dense<0xFF800000> : vector<256x256xf32>
      %reduce_max3A_939 = vector.multi_reduction <maximumf>, %select_n3A_937, %reduce_max3A_938 [0] : vector<16x256x256xf32> to vector<256x256xf32>
      %reduce_max3A_940 = arith.constant dense<0xFF800000> : vector<256xf32>
      %reduce_max3A_941 = vector.multi_reduction <maximumf>, %reduce_max3A_939, %reduce_max3A_940 [1] : vector<256x256xf32> to vector<256xf32>
      %broadcast_in_dim3A_942 = vector.shape_cast %reduce_max3A_941 : vector<256xf32> to vector<256x1xf32>
      %broadcast_in_dim3A_943 = vector.shape_cast %broadcast_in_dim3A_942 : vector<256x1xf32> to vector<1x256x1xf32>
      %eq3A_944 = vector.broadcast %broadcast_in_dim3A_943 : vector<1x256x1xf32> to vector<16x256x256xf32>
      %eq3A_945 = arith.cmpf oeq, %select_n3A_937, %eq3A_944 : vector<16x256x256xf32>
      %jit3A_946 = arith.constant 1.000000e+09 : f32
      %broadcast_in_dim3A_947 = vector.broadcast %jit3A_946 : f32 to vector<16x256x256xf32>
      %select_n3A_948 = arith.select %eq3A_945, %convert_element_type3A_426, %broadcast_in_dim3A_947 : vector<16x256x256xi1>, vector<16x256x256xf32>
      %reduce_min3A_949 = arith.constant dense<0x7F800000> : vector<256x256xf32>
      %reduce_min3A_950 = vector.multi_reduction <minimumf>, %select_n3A_948, %reduce_min3A_949 [0] : vector<16x256x256xf32> to vector<256x256xf32>
      %reduce_min3A_951 = arith.constant dense<0x7F800000> : vector<256xf32>
      %reduce_min3A_952 = vector.multi_reduction <minimumf>, %reduce_min3A_950, %reduce_min3A_951 [1] : vector<256x256xf32> to vector<256xf32>
      %broadcast_in_dim3A_953 = vector.shape_cast %reduce_min3A_952 : vector<256xf32> to vector<256x1xf32>
      %jit3A_954 = arith.constant -1.000000e+30 : f32
      %broadcast_in_dim3A_955 = vector.broadcast %jit3A_954 : f32 to vector<16x256x256xf32>
      %select_n3A_956 = arith.select %eq3A_945, %broadcast_in_dim3A_955, %select_n3A_937 : vector<16x256x256xi1>, vector<16x256x256xf32>
      %reduce_max3A_957 = arith.constant dense<0xFF800000> : vector<256x256xf32>
      %reduce_max3A_958 = vector.multi_reduction <maximumf>, %select_n3A_956, %reduce_max3A_957 [0] : vector<16x256x256xf32> to vector<256x256xf32>
      %reduce_max3A_959 = arith.constant dense<0xFF800000> : vector<256xf32>
      %reduce_max3A_960 = vector.multi_reduction <maximumf>, %reduce_max3A_958, %reduce_max3A_959 [1] : vector<256x256xf32> to vector<256xf32>
      %broadcast_in_dim3A_961 = vector.shape_cast %reduce_max3A_960 : vector<256xf32> to vector<256x1xf32>
      %broadcast_in_dim3A_962 = vector.shape_cast %broadcast_in_dim3A_961 : vector<256x1xf32> to vector<1x256x1xf32>
      %eq3A_963 = vector.broadcast %broadcast_in_dim3A_962 : vector<1x256x1xf32> to vector<16x256x256xf32>
      %eq3A_964 = arith.cmpf oeq, %select_n3A_956, %eq3A_963 : vector<16x256x256xf32>
      %jit3A_965 = arith.constant 1.000000e+09 : f32
      %broadcast_in_dim3A_966 = vector.broadcast %jit3A_965 : f32 to vector<16x256x256xf32>
      %select_n3A_967 = arith.select %eq3A_964, %convert_element_type3A_426, %broadcast_in_dim3A_966 : vector<16x256x256xi1>, vector<16x256x256xf32>
      %reduce_min3A_968 = arith.constant dense<0x7F800000> : vector<256x256xf32>
      %reduce_min3A_969 = vector.multi_reduction <minimumf>, %select_n3A_967, %reduce_min3A_968 [0] : vector<16x256x256xf32> to vector<256x256xf32>
      %reduce_min3A_970 = arith.constant dense<0x7F800000> : vector<256xf32>
      %reduce_min3A_971 = vector.multi_reduction <minimumf>, %reduce_min3A_969, %reduce_min3A_970 [1] : vector<256x256xf32> to vector<256xf32>
      %broadcast_in_dim3A_972 = vector.shape_cast %reduce_min3A_971 : vector<256xf32> to vector<256x1xf32>
      %jit3A_973 = arith.constant -1.000000e+30 : f32
      %broadcast_in_dim3A_974 = vector.broadcast %jit3A_973 : f32 to vector<16x256x256xf32>
      %select_n3A_975 = arith.select %eq3A_964, %broadcast_in_dim3A_974, %select_n3A_956 : vector<16x256x256xi1>, vector<16x256x256xf32>
      %reduce_max3A_976 = arith.constant dense<0xFF800000> : vector<256x256xf32>
      %reduce_max3A_977 = vector.multi_reduction <maximumf>, %select_n3A_975, %reduce_max3A_976 [0] : vector<16x256x256xf32> to vector<256x256xf32>
      %reduce_max3A_978 = arith.constant dense<0xFF800000> : vector<256xf32>
      %reduce_max3A_979 = vector.multi_reduction <maximumf>, %reduce_max3A_977, %reduce_max3A_978 [1] : vector<256x256xf32> to vector<256xf32>
      %broadcast_in_dim3A_980 = vector.shape_cast %reduce_max3A_979 : vector<256xf32> to vector<256x1xf32>
      %broadcast_in_dim3A_981 = vector.shape_cast %broadcast_in_dim3A_980 : vector<256x1xf32> to vector<1x256x1xf32>
      %eq3A_982 = vector.broadcast %broadcast_in_dim3A_981 : vector<1x256x1xf32> to vector<16x256x256xf32>
      %eq3A_983 = arith.cmpf oeq, %select_n3A_975, %eq3A_982 : vector<16x256x256xf32>
      %jit3A_984 = arith.constant 1.000000e+09 : f32
      %broadcast_in_dim3A_985 = vector.broadcast %jit3A_984 : f32 to vector<16x256x256xf32>
      %select_n3A_986 = arith.select %eq3A_983, %convert_element_type3A_426, %broadcast_in_dim3A_985 : vector<16x256x256xi1>, vector<16x256x256xf32>
      %reduce_min3A_987 = arith.constant dense<0x7F800000> : vector<256x256xf32>
      %reduce_min3A_988 = vector.multi_reduction <minimumf>, %select_n3A_986, %reduce_min3A_987 [0] : vector<16x256x256xf32> to vector<256x256xf32>
      %reduce_min3A_989 = arith.constant dense<0x7F800000> : vector<256xf32>
      %reduce_min3A_990 = vector.multi_reduction <minimumf>, %reduce_min3A_988, %reduce_min3A_989 [1] : vector<256x256xf32> to vector<256xf32>
      %broadcast_in_dim3A_991 = vector.shape_cast %reduce_min3A_990 : vector<256xf32> to vector<256x1xf32>
      %jit3A_992 = arith.constant -1.000000e+30 : f32
      %broadcast_in_dim3A_993 = vector.broadcast %jit3A_992 : f32 to vector<16x256x256xf32>
      %select_n3A_994 = arith.select %eq3A_983, %broadcast_in_dim3A_993, %select_n3A_975 : vector<16x256x256xi1>, vector<16x256x256xf32>
      %reduce_max3A_995 = arith.constant dense<0xFF800000> : vector<256x256xf32>
      %reduce_max3A_996 = vector.multi_reduction <maximumf>, %select_n3A_994, %reduce_max3A_995 [0] : vector<16x256x256xf32> to vector<256x256xf32>
      %reduce_max3A_997 = arith.constant dense<0xFF800000> : vector<256xf32>
      %reduce_max3A_998 = vector.multi_reduction <maximumf>, %reduce_max3A_996, %reduce_max3A_997 [1] : vector<256x256xf32> to vector<256xf32>
      %broadcast_in_dim3A_999 = vector.shape_cast %reduce_max3A_998 : vector<256xf32> to vector<256x1xf32>
      %broadcast_in_dim3A_1000 = vector.shape_cast %broadcast_in_dim3A_999 : vector<256x1xf32> to vector<1x256x1xf32>
      %eq3A_1001 = vector.broadcast %broadcast_in_dim3A_1000 : vector<1x256x1xf32> to vector<16x256x256xf32>
      %eq3A_1002 = arith.cmpf oeq, %select_n3A_994, %eq3A_1001 : vector<16x256x256xf32>
      %jit3A_1003 = arith.constant 1.000000e+09 : f32
      %broadcast_in_dim3A_1004 = vector.broadcast %jit3A_1003 : f32 to vector<16x256x256xf32>
      %select_n3A_1005 = arith.select %eq3A_1002, %convert_element_type3A_426, %broadcast_in_dim3A_1004 : vector<16x256x256xi1>, vector<16x256x256xf32>
      %reduce_min3A_1006 = arith.constant dense<0x7F800000> : vector<256x256xf32>
      %reduce_min3A_1007 = vector.multi_reduction <minimumf>, %select_n3A_1005, %reduce_min3A_1006 [0] : vector<16x256x256xf32> to vector<256x256xf32>
      %reduce_min3A_1008 = arith.constant dense<0x7F800000> : vector<256xf32>
      %reduce_min3A_1009 = vector.multi_reduction <minimumf>, %reduce_min3A_1007, %reduce_min3A_1008 [1] : vector<256x256xf32> to vector<256xf32>
      %broadcast_in_dim3A_1010 = vector.shape_cast %reduce_min3A_1009 : vector<256xf32> to vector<256x1xf32>
      %jit3A_1011 = arith.constant -1.000000e+30 : f32
      %broadcast_in_dim3A_1012 = vector.broadcast %jit3A_1011 : f32 to vector<16x256x256xf32>
      %select_n3A_1013 = arith.select %eq3A_1002, %broadcast_in_dim3A_1012, %select_n3A_994 : vector<16x256x256xi1>, vector<16x256x256xf32>
      %reduce_max3A_1014 = arith.constant dense<0xFF800000> : vector<256x256xf32>
      %reduce_max3A_1015 = vector.multi_reduction <maximumf>, %select_n3A_1013, %reduce_max3A_1014 [0] : vector<16x256x256xf32> to vector<256x256xf32>
      %reduce_max3A_1016 = arith.constant dense<0xFF800000> : vector<256xf32>
      %reduce_max3A_1017 = vector.multi_reduction <maximumf>, %reduce_max3A_1015, %reduce_max3A_1016 [1] : vector<256x256xf32> to vector<256xf32>
      %broadcast_in_dim3A_1018 = vector.shape_cast %reduce_max3A_1017 : vector<256xf32> to vector<256x1xf32>
      %broadcast_in_dim3A_1019 = vector.shape_cast %broadcast_in_dim3A_1018 : vector<256x1xf32> to vector<1x256x1xf32>
      %eq3A_1020 = vector.broadcast %broadcast_in_dim3A_1019 : vector<1x256x1xf32> to vector<16x256x256xf32>
      %eq3A_1021 = arith.cmpf oeq, %select_n3A_1013, %eq3A_1020 : vector<16x256x256xf32>
      %jit3A_1022 = arith.constant 1.000000e+09 : f32
      %broadcast_in_dim3A_1023 = vector.broadcast %jit3A_1022 : f32 to vector<16x256x256xf32>
      %select_n3A_1024 = arith.select %eq3A_1021, %convert_element_type3A_426, %broadcast_in_dim3A_1023 : vector<16x256x256xi1>, vector<16x256x256xf32>
      %reduce_min3A_1025 = arith.constant dense<0x7F800000> : vector<256x256xf32>
      %reduce_min3A_1026 = vector.multi_reduction <minimumf>, %select_n3A_1024, %reduce_min3A_1025 [0] : vector<16x256x256xf32> to vector<256x256xf32>
      %reduce_min3A_1027 = arith.constant dense<0x7F800000> : vector<256xf32>
      %reduce_min3A_1028 = vector.multi_reduction <minimumf>, %reduce_min3A_1026, %reduce_min3A_1027 [1] : vector<256x256xf32> to vector<256xf32>
      %broadcast_in_dim3A_1029 = vector.shape_cast %reduce_min3A_1028 : vector<256xf32> to vector<256x1xf32>
      %concatenate3A = tpu.concatenate %broadcast_in_dim3A_430, %broadcast_in_dim3A_448, %broadcast_in_dim3A_467, %broadcast_in_dim3A_486, %broadcast_in_dim3A_505, %broadcast_in_dim3A_524, %broadcast_in_dim3A_543, %broadcast_in_dim3A_562, %broadcast_in_dim3A_581, %broadcast_in_dim3A_600, %broadcast_in_dim3A_619, %broadcast_in_dim3A_638, %broadcast_in_dim3A_657, %broadcast_in_dim3A_676, %broadcast_in_dim3A_695, %broadcast_in_dim3A_714, %broadcast_in_dim3A_733, %broadcast_in_dim3A_752, %broadcast_in_dim3A_771, %broadcast_in_dim3A_790, %broadcast_in_dim3A_809, %broadcast_in_dim3A_828, %broadcast_in_dim3A_847, %broadcast_in_dim3A_866, %broadcast_in_dim3A_885, %broadcast_in_dim3A_904, %broadcast_in_dim3A_923, %broadcast_in_dim3A_942, %broadcast_in_dim3A_961, %broadcast_in_dim3A_980, %broadcast_in_dim3A_999, %broadcast_in_dim3A_1018 in 1 : vector<256x1xf32>, vector<256x1xf32>, vector<256x1xf32>, vector<256x1xf32>, vector<256x1xf32>, vector<256x1xf32>, vector<256x1xf32>, vector<256x1xf32>, vector<256x1xf32>, vector<256x1xf32>, vector<256x1xf32>, vector<256x1xf32>, vector<256x1xf32>, vector<256x1xf32>, vector<256x1xf32>, vector<256x1xf32>, vector<256x1xf32>, vector<256x1xf32>, vector<256x1xf32>, vector<256x1xf32>, vector<256x1xf32>, vector<256x1xf32>, vector<256x1xf32>, vector<256x1xf32>, vector<256x1xf32>, vector<256x1xf32>, vector<256x1xf32>, vector<256x1xf32>, vector<256x1xf32>, vector<256x1xf32>, vector<256x1xf32>, vector<256x1xf32> -> vector<256x32xf32>
      %swap3A_1030 = arith.constant 0 : index
      %swap3A_1031 = arith.constant 0 : index
      %swap3A_1032 = vector.load %arg35[%swap3A_1030, %swap3A_1031] : memref<256x32xf32, #tpu.memory_space<vmem>>, vector<256x32xf32>
      tpu.vector_store %arg35[%swap3A_1030, %swap3A_1031], %concatenate3A {strides = array<i32>} : memref<256x32xf32, #tpu.memory_space<vmem>>, vector<256x32xf32>,
      %concatenate3A_1033 = tpu.concatenate %broadcast_in_dim3A_440, %broadcast_in_dim3A_459, %broadcast_in_dim3A_478, %broadcast_in_dim3A_497, %broadcast_in_dim3A_516, %broadcast_in_dim3A_535, %broadcast_in_dim3A_554, %broadcast_in_dim3A_573, %broadcast_in_dim3A_592, %broadcast_in_dim3A_611, %broadcast_in_dim3A_630, %broadcast_in_dim3A_649, %broadcast_in_dim3A_668, %broadcast_in_dim3A_687, %broadcast_in_dim3A_706, %broadcast_in_dim3A_725, %broadcast_in_dim3A_744, %broadcast_in_dim3A_763, %broadcast_in_dim3A_782, %broadcast_in_dim3A_801, %broadcast_in_dim3A_820, %broadcast_in_dim3A_839, %broadcast_in_dim3A_858, %broadcast_in_dim3A_877, %broadcast_in_dim3A_896, %broadcast_in_dim3A_915, %broadcast_in_dim3A_934, %broadcast_in_dim3A_953, %broadcast_in_dim3A_972, %broadcast_in_dim3A_991, %broadcast_in_dim3A_1010, %broadcast_in_dim3A_1029 in 1 : vector<256x1xf32>, vector<256x1xf32>, vector<256x1xf32>, vector<256x1xf32>, vector<256x1xf32>, vector<256x1xf32>, vector<256x1xf32>, vector<256x1xf32>, vector<256x1xf32>, vector<256x1xf32>, vector<256x1xf32>, vector<256x1xf32>, vector<256x1xf32>, vector<256x1xf32>, vector<256x1xf32>, vector<256x1xf32>, vector<256x1xf32>, vector<256x1xf32>, vector<256x1xf32>, vector<256x1xf32>, vector<256x1xf32>, vector<256x1xf32>, vector<256x1xf32>, vector<256x1xf32>, vector<256x1xf32>, vector<256x1xf32>, vector<256x1xf32>, vector<256x1xf32>, vector<256x1xf32>, vector<256x1xf32>, vector<256x1xf32>, vector<256x1xf32> -> vector<256x32xf32>
      %convert_element_type3A_1034 = arith.fptosi %concatenate3A_1033 : vector<256x32xf32> to vector<256x32xi32>
      %swap3A_1035 = arith.constant 0 : index
      %swap3A_1036 = arith.constant 0 : index
      %swap3A_1037 = vector.load %arg36[%swap3A_1035, %swap3A_1036] : memref<256x32xi32, #tpu.memory_space<vmem>>, vector<256x32xi32>
      tpu.vector_store %arg36[%swap3A_1035, %swap3A_1036], %convert_element_type3A_1034 {strides = array<i32>} : memref<256x32xi32, #tpu.memory_space<vmem>>, vector<256x32xi32>,
    } else {
    }
    return
  }
  func.func @transform_0(%arg0: i32) -> (i32, i32) {
    %c0_i32 = arith.constant 0 : i32
    %c0_i32_0 = arith.constant 0 : i32
    %c0_i32_1 = arith.constant 0 : i32
    return %c0_i32, %c0_i32_0 : i32, i32
  }
  func.func @transform_1(%arg0: i32) -> (i32, i32, i32, i32) {
    %c0_i32 = arith.constant 0 : i32
    %c0_i32_0 = arith.constant 0 : i32
    %c0_i32_1 = arith.constant 0 : i32
    %c0_i32_2 = arith.constant 0 : i32
    return %arg0, %c0_i32, %c0_i32_0, %c0_i32_1 : i32, i32, i32, i32
  }
  func.func @transform_2(%arg0: i32) -> (i32, i32, i32, i32) {
    %c1_i32 = arith.constant 1 : i32
    %c0_i32 = arith.constant 0 : i32
    %c0_i32_0 = arith.constant 0 : i32
    %c0_i32_1 = arith.constant 0 : i32
    return %arg0, %c1_i32, %c0_i32, %c0_i32_0 : i32, i32, i32, i32
  }
  func.func @transform_3(%arg0: i32) -> (i32, i32, i32, i32) {
    %c2_i32 = arith.constant 2 : i32
    %c0_i32 = arith.constant 0 : i32
    %c0_i32_0 = arith.constant 0 : i32
    %c0_i32_1 = arith.constant 0 : i32
    return %arg0, %c2_i32, %c0_i32, %c0_i32_0 : i32, i32, i32, i32
  }
  func.func @transform_4(%arg0: i32) -> (i32, i32, i32, i32) {
    %c3_i32 = arith.constant 3 : i32
    %c0_i32 = arith.constant 0 : i32
    %c0_i32_0 = arith.constant 0 : i32
    %c0_i32_1 = arith.constant 0 : i32
    return %arg0, %c3_i32, %c0_i32, %c0_i32_0 : i32, i32, i32, i32
  }
  func.func @transform_5(%arg0: i32) -> (i32, i32, i32, i32) {
    %c4_i32 = arith.constant 4 : i32
    %c0_i32 = arith.constant 0 : i32
    %c0_i32_0 = arith.constant 0 : i32
    %c0_i32_1 = arith.constant 0 : i32
    return %arg0, %c4_i32, %c0_i32, %c0_i32_0 : i32, i32, i32, i32
  }
  func.func @transform_6(%arg0: i32) -> (i32, i32, i32, i32) {
    %c5_i32 = arith.constant 5 : i32
    %c0_i32 = arith.constant 0 : i32
    %c0_i32_0 = arith.constant 0 : i32
    %c0_i32_1 = arith.constant 0 : i32
    return %arg0, %c5_i32, %c0_i32, %c0_i32_0 : i32, i32, i32, i32
  }
  func.func @transform_7(%arg0: i32) -> (i32, i32, i32, i32) {
    %c6_i32 = arith.constant 6 : i32
    %c0_i32 = arith.constant 0 : i32
    %c0_i32_0 = arith.constant 0 : i32
    %c0_i32_1 = arith.constant 0 : i32
    return %arg0, %c6_i32, %c0_i32, %c0_i32_0 : i32, i32, i32, i32
  }
  func.func @transform_8(%arg0: i32) -> (i32, i32, i32, i32) {
    %c7_i32 = arith.constant 7 : i32
    %c0_i32 = arith.constant 0 : i32
    %c0_i32_0 = arith.constant 0 : i32
    %c0_i32_1 = arith.constant 0 : i32
    return %arg0, %c7_i32, %c0_i32, %c0_i32_0 : i32, i32, i32, i32
  }
  func.func @transform_9(%arg0: i32) -> (i32, i32, i32, i32) {
    %c8_i32 = arith.constant 8 : i32
    %c0_i32 = arith.constant 0 : i32
    %c0_i32_0 = arith.constant 0 : i32
    %c0_i32_1 = arith.constant 0 : i32
    return %arg0, %c8_i32, %c0_i32, %c0_i32_0 : i32, i32, i32, i32
  }
  func.func @transform_10(%arg0: i32) -> (i32, i32, i32, i32) {
    %c9_i32 = arith.constant 9 : i32
    %c0_i32 = arith.constant 0 : i32
    %c0_i32_0 = arith.constant 0 : i32
    %c0_i32_1 = arith.constant 0 : i32
    return %arg0, %c9_i32, %c0_i32, %c0_i32_0 : i32, i32, i32, i32
  }
  func.func @transform_11(%arg0: i32) -> (i32, i32, i32, i32) {
    %c10_i32 = arith.constant 10 : i32
    %c0_i32 = arith.constant 0 : i32
    %c0_i32_0 = arith.constant 0 : i32
    %c0_i32_1 = arith.constant 0 : i32
    return %arg0, %c10_i32, %c0_i32, %c0_i32_0 : i32, i32, i32, i32
  }
  func.func @transform_12(%arg0: i32) -> (i32, i32, i32, i32) {
    %c11_i32 = arith.constant 11 : i32
    %c0_i32 = arith.constant 0 : i32
    %c0_i32_0 = arith.constant 0 : i32
    %c0_i32_1 = arith.constant 0 : i32
    return %arg0, %c11_i32, %c0_i32, %c0_i32_0 : i32, i32, i32, i32
  }
  func.func @transform_13(%arg0: i32) -> (i32, i32, i32, i32) {
    %c12_i32 = arith.constant 12 : i32
    %c0_i32 = arith.constant 0 : i32
    %c0_i32_0 = arith.constant 0 : i32
    %c0_i32_1 = arith.constant 0 : i32
    return %arg0, %c12_i32, %c0_i32, %c0_i32_0 : i32, i32, i32, i32
  }
  func.func @transform_14(%arg0: i32) -> (i32, i32, i32, i32) {
    %c13_i32 = arith.constant 13 : i32
    %c0_i32 = arith.constant 0 : i32
    %c0_i32_0 = arith.constant 0 : i32
    %c0_i32_1 = arith.constant 0 : i32
    return %arg0, %c13_i32, %c0_i32, %c0_i32_0 : i32, i32, i32, i32
  }
  func.func @transform_15(%arg0: i32) -> (i32, i32, i32, i32) {
    %c14_i32 = arith.constant 14 : i32
    %c0_i32 = arith.constant 0 : i32
    %c0_i32_0 = arith.constant 0 : i32
    %c0_i32_1 = arith.constant 0 : i32
    return %arg0, %c14_i32, %c0_i32, %c0_i32_0 : i32, i32, i32, i32
  }
  func.func @transform_16(%arg0: i32) -> (i32, i32, i32, i32) {
    %c15_i32 = arith.constant 15 : i32
    %c0_i32 = arith.constant 0 : i32
    %c0_i32_0 = arith.constant 0 : i32
    %c0_i32_1 = arith.constant 0 : i32
    return %arg0, %c15_i32, %c0_i32, %c0_i32_0 : i32, i32, i32, i32
  }
  func.func @transform_17(%arg0: i32) -> (i32, i32, i32, i32) {
    %c16_i32 = arith.constant 16 : i32
    %c0_i32 = arith.constant 0 : i32
    %c0_i32_0 = arith.constant 0 : i32
    %c0_i32_1 = arith.constant 0 : i32
    return %arg0, %c16_i32, %c0_i32, %c0_i32_0 : i32, i32, i32, i32
  }
  func.func @transform_18(%arg0: i32) -> (i32, i32, i32, i32) {
    %c17_i32 = arith.constant 17 : i32
    %c0_i32 = arith.constant 0 : i32
    %c0_i32_0 = arith.constant 0 : i32
    %c0_i32_1 = arith.constant 0 : i32
    return %arg0, %c17_i32, %c0_i32, %c0_i32_0 : i32, i32, i32, i32
  }
  func.func @transform_19(%arg0: i32) -> (i32, i32, i32, i32) {
    %c18_i32 = arith.constant 18 : i32
    %c0_i32 = arith.constant 0 : i32
    %c0_i32_0 = arith.constant 0 : i32
    %c0_i32_1 = arith.constant 0 : i32
    return %arg0, %c18_i32, %c0_i32, %c0_i32_0 : i32, i32, i32, i32
  }
  func.func @transform_20(%arg0: i32) -> (i32, i32, i32, i32) {
    %c19_i32 = arith.constant 19 : i32
    %c0_i32 = arith.constant 0 : i32
    %c0_i32_0 = arith.constant 0 : i32
    %c0_i32_1 = arith.constant 0 : i32
    return %arg0, %c19_i32, %c0_i32, %c0_i32_0 : i32, i32, i32, i32
  }
  func.func @transform_21(%arg0: i32) -> (i32, i32, i32, i32) {
    %c20_i32 = arith.constant 20 : i32
    %c0_i32 = arith.constant 0 : i32
    %c0_i32_0 = arith.constant 0 : i32
    %c0_i32_1 = arith.constant 0 : i32
    return %arg0, %c20_i32, %c0_i32, %c0_i32_0 : i32, i32, i32, i32
  }
  func.func @transform_22(%arg0: i32) -> (i32, i32, i32, i32) {
    %c21_i32 = arith.constant 21 : i32
    %c0_i32 = arith.constant 0 : i32
    %c0_i32_0 = arith.constant 0 : i32
    %c0_i32_1 = arith.constant 0 : i32
    return %arg0, %c21_i32, %c0_i32, %c0_i32_0 : i32, i32, i32, i32
  }
  func.func @transform_23(%arg0: i32) -> (i32, i32, i32, i32) {
    %c22_i32 = arith.constant 22 : i32
    %c0_i32 = arith.constant 0 : i32
    %c0_i32_0 = arith.constant 0 : i32
    %c0_i32_1 = arith.constant 0 : i32
    return %arg0, %c22_i32, %c0_i32, %c0_i32_0 : i32, i32, i32, i32
  }
  func.func @transform_24(%arg0: i32) -> (i32, i32, i32, i32) {
    %c23_i32 = arith.constant 23 : i32
    %c0_i32 = arith.constant 0 : i32
    %c0_i32_0 = arith.constant 0 : i32
    %c0_i32_1 = arith.constant 0 : i32
    return %arg0, %c23_i32, %c0_i32, %c0_i32_0 : i32, i32, i32, i32
  }
  func.func @transform_25(%arg0: i32) -> (i32, i32, i32, i32) {
    %c24_i32 = arith.constant 24 : i32
    %c0_i32 = arith.constant 0 : i32
    %c0_i32_0 = arith.constant 0 : i32
    %c0_i32_1 = arith.constant 0 : i32
    return %arg0, %c24_i32, %c0_i32, %c0_i32_0 : i32, i32, i32, i32
  }
  func.func @transform_26(%arg0: i32) -> (i32, i32, i32, i32) {
    %c25_i32 = arith.constant 25 : i32
    %c0_i32 = arith.constant 0 : i32
    %c0_i32_0 = arith.constant 0 : i32
    %c0_i32_1 = arith.constant 0 : i32
    return %arg0, %c25_i32, %c0_i32, %c0_i32_0 : i32, i32, i32, i32
  }
  func.func @transform_27(%arg0: i32) -> (i32, i32, i32, i32) {
    %c26_i32 = arith.constant 26 : i32
    %c0_i32 = arith.constant 0 : i32
    %c0_i32_0 = arith.constant 0 : i32
    %c0_i32_1 = arith.constant 0 : i32
    return %arg0, %c26_i32, %c0_i32, %c0_i32_0 : i32, i32, i32, i32
  }
  func.func @transform_28(%arg0: i32) -> (i32, i32, i32, i32) {
    %c27_i32 = arith.constant 27 : i32
    %c0_i32 = arith.constant 0 : i32
    %c0_i32_0 = arith.constant 0 : i32
    %c0_i32_1 = arith.constant 0 : i32
    return %arg0, %c27_i32, %c0_i32, %c0_i32_0 : i32, i32, i32, i32
  }
  func.func @transform_29(%arg0: i32) -> (i32, i32, i32, i32) {
    %c28_i32 = arith.constant 28 : i32
    %c0_i32 = arith.constant 0 : i32
    %c0_i32_0 = arith.constant 0 : i32
    %c0_i32_1 = arith.constant 0 : i32
    return %arg0, %c28_i32, %c0_i32, %c0_i32_0 : i32, i32, i32, i32
  }
  func.func @transform_30(%arg0: i32) -> (i32, i32, i32, i32) {
    %c29_i32 = arith.constant 29 : i32
    %c0_i32 = arith.constant 0 : i32
    %c0_i32_0 = arith.constant 0 : i32
    %c0_i32_1 = arith.constant 0 : i32
    return %arg0, %c29_i32, %c0_i32, %c0_i32_0 : i32, i32, i32, i32
  }
  func.func @transform_31(%arg0: i32) -> (i32, i32, i32, i32) {
    %c30_i32 = arith.constant 30 : i32
    %c0_i32 = arith.constant 0 : i32
    %c0_i32_0 = arith.constant 0 : i32
    %c0_i32_1 = arith.constant 0 : i32
    return %arg0, %c30_i32, %c0_i32, %c0_i32_0 : i32, i32, i32, i32
  }
  func.func @transform_32(%arg0: i32) -> (i32, i32, i32, i32) {
    %c31_i32 = arith.constant 31 : i32
    %c0_i32 = arith.constant 0 : i32
    %c0_i32_0 = arith.constant 0 : i32
    %c0_i32_1 = arith.constant 0 : i32
    return %arg0, %c31_i32, %c0_i32, %c0_i32_0 : i32, i32, i32, i32
  }
  func.func @transform_33(%arg0: i32) -> (i32, i32) {
    %c0_i32 = arith.constant 0 : i32
    %c0_i32_0 = arith.constant 0 : i32
    return %c0_i32, %arg0 : i32, i32
  }
  func.func @transform_34(%arg0: i32) -> (i32, i32) {
    %c0_i32 = arith.constant 0 : i32
    %c0_i32_0 = arith.constant 0 : i32
    %c0_i32_1 = arith.constant 0 : i32
    return %c0_i32, %c0_i32_0 : i32, i32
  }
  func.func @transform_35(%arg0: i32) -> (i32, i32) {
    %c0_i32 = arith.constant 0 : i32
    %c0_i32_0 = arith.constant 0 : i32
    %c0_i32_1 = arith.constant 0 : i32
    return %c0_i32, %c0_i32_0 : i32, i32
  }
}

</mosaic_0001>

<sc_bundles>
// kernel: kernel.4.cloned.1.call-start
scs
__scs_entry_jumppad:
0x0: {  	(pc) =	sbr.rel $0x88, $3  }
0x1: {  	(tag) =	ssettag $0x0;
	lr =	simm.s32 $0x1  }
0x2: {  	[smem:$0x3F9C] =	sst lr;
	_ =	strace $0xD0000000  }
0x3: {  	_ = 	snop  }
0x4: {  	_ = 	snop  }
0x5: {  	_ = 	snop  }
0x6: {  	_ = 	snop  }
0x7: {  	_ = 	snop  }
__scs_overlays_trampoline_lowered:
0x8: {  	[smem:$0x3FAB] =	sst s0  }
0x9: {  	[smem:$0x3FAC] =	sst s1  }
0xa: {  	[smem:$0x3FAD] =	sst s2  }
0xb: {  	[smem:$0x3FAE] =	sst s3  }
0xc: {  	[smem:$0x3FAF] =	sst s4  }
0xd: {  	[smem:$0x3FB0] =	sst s5  }
0xe: {  	[smem:$0x3FB1] =	sst s6  }
0xf: {  	[smem:$0x3FB2] =	sst s7  }
0x10: {  	[smem:$0x3FB3] =	sst s8  }
0x11: {  	[smem:$0x3FB4] =	sst s9;
	s0 =	simm.s32 @!p0 $0x0  }
0x12: {  	s1 =	sld [smem:$0x3F9A];
	s0 =	simm.s32 @p0 $0x1  }
0x13: {  	[smem:$0x3FB5] =	sst s0;
	s0 =	simm.s32 @!p1 $0x0  }
0x14: {  	s2 =	sld [smem:$0x3F99];
	s0 =	simm.s32 @p1 $0x1  }
0x15: {  	[smem:$0x3FB6] =	sst s0;
	s0 =	simm.s32 @!p2 $0x0  }
0x16: {  	s3 =	sld [smem:$0x3FDB];
	s0 =	simm.s32 @p2 $0x1  }
0x17: {  	s4 =	simm.s32 $0x1BF5;
	[smem:$0x3FB8] =	sst s0  }
0x18: {  	s0 =	sld [smem:$0x3F9B];
	_ =	swait.ge [sflag:s4], $0x0  }
0x19: {  	s7 =	sld [smem:$0x3F9C]  }
0x1a: {  	s8 =	sadd.s32 $0xFFFFE003, lr  }
0x1b: {  	s9 =	sadd.s32 $0xFFFFFEF7, lr;
	s5 =	simm.s32 $0xFFFFFFFF;
	p2 =	slt.u32 s8, $0xFFFFF086  }
0x1c: {  	p1 =	slt.u32 s9, $0xF7A;
	s5 =	simm.s32 @!p2 $0x0  }
0x1d: {  	s5 =	simm.s32 @p1 $0x1;
	p0 =	seq.s32 s7, s2  }
0x1e: {  	s7 =	smul.u32 @!p0 $0xF7A, s2;
	p2 =	seq.s32 @!p0 s5, $0x0  }
0x1f: {  	s9 =	smul.u32 $0xF7A, s1;
	s8 =	simm.s32 @!p0 $0x1BF5;
	p2 =	por !p2, p0  }
0x20: {  	[sflag:s8] =	ssyncset.s32 @!p0 $0xFFFFF086;
	s6 =	sadd.s32 @!p0 s3, s7;
	s7 =	simm.s32 @!p0 $0x108  }
0x21: {  	s3 =	sadd.s32 s3, s9;
	s6 =	sadd.s32 @!p0 $0x88, s6;
	s7 =	simm.s32 @p2 $0x1082  }
0x22: {  	[simem:s7], [sflag:s8] =	dma.local @!p0 [hbm:s6], $0xF7A  }
0x23: {  	s9 =	sor.u32 $0xD0000000, s2;
	s6 =	simm.s32 $0x108;
	_ =	swait.ge @!p0 [sflag:s8], $0x0  }
0x24: {  	s3 =	sadd.s32 $0x88, s3;
	s6 =	simm.s32 @!p1 $0x1082;
	[sflag:s4] =	ssyncset.s32 $0xFFFFF086  }
0x25: {  	[simem:s6], [sflag:s4] =	dma.local [hbm:s3], $0xF7A  }
0x26: {  	[smem:$0x3F9C] =	sst s1;
	(tag) =	ssettag s2;
	_ =	strace s9  }
0x27: {  	s1 =	sld [smem:$0x3FAC]  }
0x28: {  	s2 =	sld [smem:$0x3FAD]  }
0x29: {  	s4 =	sld [smem:$0x3FAF]  }
0x2a: {  	p0 =	seq.s32 s5, $0x0;
	s5 =	sld [smem:$0x3FB0]  }
0x2b: {  	s6 =	sld [smem:$0x3FB1]  }
0x2c: {  	s7 =	sld [smem:$0x3FB2]  }
0x2d: {  	s3 =	simm.s32 $0x108;
	s8 =	sld [smem:$0x3FB3]  }
0x2e: {  	s3 =	simm.s32 @!p0 $0x1082;
	s9 =	sld [smem:$0x3FB4]  }
0x2f: {  	lr =	sadd.s32 s0, s3;
	s0 =	sld [smem:$0x3FAB]  }
0x30: {  	s3 =	sld [smem:$0x3FAE]  }
0x31: {  	[smem:$0x3FB7] =	sst s10  }
0x32: {  	s10 =	sld [smem:$0x3FB5];
	_ =	sdelay $0x3  }
0x33: {  	p0 =	seq.s32 s10, $0x1;
	s10 =	sld [smem:$0x3FB7];
	_ =	sdelay $0x3  }
0x34: {  	[smem:$0x3FB7] =	sst s10  }
0x35: {  	s10 =	sld [smem:$0x3FB6];
	_ =	sdelay $0x3  }
0x36: {  	p1 =	seq.s32 s10, $0x1;
	s10 =	sld [smem:$0x3FB7];
	_ =	sdelay $0x3  }
0x37: {  	[smem:$0x3FB7] =	sst s10  }
0x38: {  	s10 =	sld [smem:$0x3FB8]  }
0x39: {  	_ = 	snop;
	(pc) =	sbr.ind lr, $3  }
0x3a: {  	_ = 	snop  }
0x3b: {  	_ = 	snop  }
0x3c: {  	p2 =	seq.s32 s10, $0x1;
	s10 =	sld [smem:$0x3FB7]  }
0x3d: {  	_ =	shalt  }
0x3e: {  	_ =	shalt  }
0x3f: {  	_ =	shalt  }
0x40: {  	_ =	shalt  }
0x41: {  	_ =	shalt  }
0x42: {  	_ =	shalt  }
0x43: {  	_ =	shalt  }
0x44: {  	_ =	shalt  }
0x45: {  	_ =	shalt  }
0x46: {  	_ =	shalt  }
0x47: {  	_ =	shalt  }
0x48: {  	_ =	shalt  }
0x49: {  	_ =	shalt  }
0x4a: {  	_ =	shalt  }
0x4b: {  	_ =	shalt  }
0x4c: {  	_ =	shalt  }
0x4d: {  	_ =	shalt  }
0x4e: {  	_ =	shalt  }
0x4f: {  	_ =	shalt  }
0x50: {  	_ =	shalt  }
0x51: {  	_ =	shalt  }
0x52: {  	_ =	shalt  }
0x53: {  	_ =	shalt  }
0x54: {  	_ =	shalt  }
0x55: {  	_ =	shalt  }
0x56: {  	_ =	shalt  }
0x57: {  	_ =	shalt  }
0x58: {  	_ =	shalt  }
0x59: {  	_ =	shalt  }
0x5a: {  	_ =	shalt  }
0x5b: {  	_ =	shalt  }
0x5c: {  	_ =	shalt  }
0x5d: {  	_ =	shalt  }
0x5e: {  	_ =	shalt  }
0x5f: {  	_ =	shalt  }
0x60: {  	_ =	shalt  }
0x61: {  	_ =	shalt  }
0x62: {  	_ =	shalt  }
0x63: {  	_ =	shalt  }
0x64: {  	_ =	shalt  }
0x65: {  	_ =	shalt  }
0x66: {  	_ =	shalt  }
0x67: {  	_ =	shalt  }
0x68: {  	_ =	shalt  }
0x69: {  	_ =	shalt  }
0x6a: {  	_ =	shalt  }
0x6b: {  	_ =	shalt  }
0x6c: {  	_ =	shalt  }
0x6d: {  	_ =	shalt  }
0x6e: {  	_ =	shalt  }
0x6f: {  	_ =	shalt  }
0x70: {  	_ =	shalt  }
0x71: {  	_ =	shalt  }
0x72: {  	_ =	shalt  }
0x73: {  	_ =	shalt  }
0x74: {  	_ =	shalt  }
0x75: {  	_ =	shalt  }
0x76: {  	_ =	shalt  }
0x77: {  	_ =	shalt  }
0x78: {  	_ =	shalt  }
0x79: {  	_ =	shalt  }
0x7a: {  	_ =	shalt  }
0x7b: {  	_ =	shalt  }
0x7c: {  	_ =	shalt  }
0x7d: {  	_ =	shalt  }
0x7e: {  	_ =	shalt  }
0x7f: {  	_ =	shalt  }
0x80: {  	_ =	shalt  }
0x81: {  	_ =	shalt  }
0x82: {  	_ =	shalt  }
0x83: {  	_ =	shalt  }
0x84: {  	_ =	shalt  }
0x85: {  	_ =	shalt  }
0x86: {  	_ =	shalt  }
0x87: {  	_ =	shalt  }
.Lfunc_end0:
.L_simem_size_0:
called_computation_lowered:
.L_overlay_start_0:
0x88: {  	s2 =	sld [smem:$0x3FD9]  }
0x89: {  	s3 =	sld [smem:$0x3FFE];
	_ =	sdelay $0x1  }
0x8a: {  	s1 =	srdreg.scid  }
0x8b: {  	s0 =	sand.u32 $0x1, s1  }
0x8c: {  	s30 =	sshll.u32 s0, $0xA;
	s2 =	sadd.s32 s3, s2  }
0x8d: {  	s2 =	sadd.s32 s2, s30  }
0x8e: {  	[smem:$0x3FC3] =	sst s2  }
0x8f: {  	_ = 	snop  }
0x90: {  	s2 =	sld [smem:$0x3FC8]  }
0x91: {  	s4 =	sld [smem:$0x3FD0]  }
0x92: {  	s5 =	sld [smem:$0x3FC7]  }
0x93: {  	s6 =	sld [smem:$0x3FC6]  }
0x94: {  	s7 =	simm.s32 $0xA;
	s8 =	simm.s32 $0x10;
	s31 =	sld [smem:$0x3FC5]  }
0x95: {  	[smem:s8], [sflag:s7] =	dma.local [hbm:s4], $0x1  }
0x96: {  	_ =	swait.eq [sflag:s7], $0x1  }
0x97: {  	s8 =	sld [smem:$0x10]  }
0x98: {  	s17 =	sld [smem:$0x11]  }
0x99: {  	s9 =	sld [smem:$0x12]  }
0x9a: {  	s10 =	sld [smem:$0x13];
	[sflag:s7] =	ssyncset.done $0x0  }
0x9b: {  	s11 =	sld [smem:$0x14];
	[sflag:s7] =	ssyncadd.s32 $0xFFFFFFFF  }
0x9c: {  	s18 =	sld [smem:$0x15];
	(tm) =	ssettm $0x1  }
0x9d: {  	s12 =	sld [smem:$0x3FFB];
	_ =	sdelay $0x3  }
0x9e: {  	_ =	strace s12  }
0x9f: {  	s12 =	sld [smem:$0x3FFC];
	_ =	sdelay $0x3  }
0xa0: {  	_ =	strace s12  }
0xa1: {  	s12 =	sld [smem:$0x3FFD];
	_ =	sdelay $0x3  }
0xa2: {  	_ =	strace s12  }
0xa3: {  	_ =	strace $0x8FFFFFFF  }
0xa4: {  	s19 =	sld [smem:$0x3FDB];
	_ =	sdelay $0x1  }
0xa5: {  	s13 =	simm.s32 $_scs_section_size  }
0xa6: {  	s14 =	simm.s32 $_size__tile_overlayer_lowered;
	s15 =	simm.s32 $_tile_overlayer_lowered  }
0xa7: {  	s22 =	simm.s32 $0x1BFF;
	s21 =	sshll.u32 s15, $0x1;
	s12 =	sadd.s32 s13, s19  }
0xa8: {  	s16 =	simm.s32 $0x0;
	s20 =	sshll.u32 s14, $0x1;
	s14 =	sadd.s32 s21, s12  }
0xa9: {  	[timem:s16], [sflag:s22] =	dma.local [hbm:s14], s20  }
0xaa: {  	_ =	swait.ge [sflag:s22], s20  }
0xab: {  	s13 =	ssub.s32 $0x0, s20;
	[sflag:s22] =	ssyncset.done $0x0  }
0xac: {  	[sflag:s22] =	ssyncadd.s32 s13;
	_ =	sdelay $0x1  }
0xad: {  	s23 =	simm.s32 $0x1B8B  }
0xae: {  	_ =	swait.ge [sflag:s23], $0x1  }
0xaf: {  	[sflag:s23] =	ssyncset.done $0x0  }
0xb0: {  	s25 =	simm.s32 $0x1B8E;
	s24 =	sld [smem:$0x3FFE];
	[sflag:s23] =	ssyncadd.s32 $0xFFFFFFFF  }
0xb1: {  	s26 =	simm.s32 $execute0_lowered;
	[smem:$0x3FD2] =	sst s25  }
0xb2: {  	s14 =	sshll.u32 s26, $0x1;
	_ =	strace $0x80000046;
	[dreg:$0x1] =	wrdreg $0xFFFFFFFF  }
0xb3: {  	s28 =	simm.s32 $_size_execute0_lowered;
	s12 =	sadd.s32 s12, s14;
	[dreg:$0x0] =	wrdreg $0x0  }
0xb4: {  	s14 =	sshll.u32 s28, $0x1;
	[dreg:$0x2] =	wrdreg s12  }
0xb5: {  	[dreg:$0x3] =	wrdreg s14  }
0xb6: {  	[dreg:$0x4] =	wrdreg $0xC0  }
0xb7: {  	_ =	task [dreg:s16], $0x5FFFF  }
0xb8: {  	[dreg:$0x1] =	wrdreg $0xFFFFFFFF  }
0xb9: {  	[dreg:$0x0] =	wrdreg $0x60  }
0xba: {  	[dreg:$0x2] =	wrdreg s18  }
0xbb: {  	[dreg:$0x3] =	wrdreg s11  }
0xbc: {  	[dreg:$0x4] =	wrdreg s24  }
0xbd: {  	[dreg:$0x5] =	wrdreg s5  }
0xbe: {  	[dreg:$0x6] =	wrdreg s6  }
0xbf: {  	[dreg:$0x7] =	wrdreg s2  }
0xc0: {  	[dreg:$0x8] =	wrdreg s31  }
0xc1: {  	[dreg:$0x9] =	wrdreg s9  }
0xc2: {  	[dreg:$0xa] =	wrdreg s10  }
0xc3: {  	[dreg:$0xb] =	wrdreg s8  }
0xc4: {  	[dreg:$0xc] =	wrdreg s17  }
0xc5: {  	[dreg:$0xd] =	wrdreg $0x9  }
0xc6: {  	_ =	task.clear_ibuf [dreg:s16], $0xEFFFF;
	_ =	strace $0x90000046  }
0xc7: {  	s29 =	simm.s32 $0x9;
	_ =	strace $0x80000048  }
0xc8: {  	_ =	swait.ge [sflag:s29], $0x1  }
0xc9: {  	[sflag:s29] =	ssyncadd.s32 $0xFFFFFFFF  }
0xca: {  	_ =	strace $0x90000048  }
0xcb: {  	_ =	sfence  }
0xcc: {  	s30 =	sld [smem:$0x0];
	_ =	sdelay $0x2  }
0xcd: {  	s31 =	sshll.u32 s1, $0xD;
	s1 =	sshrl.u32 s1, $0x2  }
0xce: {  	s3 =	sand.u32 $0x4000, s31;
	s1 =	sadd.s32 s1, s30  }
0xcf: {  	s0 =	sor.u32 s3, s0;
	s1 =	sshll.u32 s1, $0x11  }
0xd0: {  	s0 =	sor.u32 s1, s0  }
0xd1: {  	s0 =	sadd.s32 $0x8F2B, s0  }
0xd2: {  	[sflag:s0] =	ssyncadd.remote.s32 $0x1  }
0xd3: {  	_ =	sfence.sel $0xFFFF  }
0xd4: {  	[dreg:$0x0] =	wrdreg $0xFFFFFFFF;
	(pc) =	sbr.abs _section_cstart, $3  }
0xd5: {  	[dreg:$0x1] =	wrdreg $0xFFFFFFFF  }
0xd6: {  	_ =	task.clear_ibuf [dreg:s16], $0x2FFFF;
	_ =	strace $0x9FFFFFFF  }
0xd7: {  	(tm) =	ssettm $0x7FFFFFFF  }
tec
execute0_lowered:
.L_overlay_start_1:
0x0: {  	(tag) =	ssettag $0x1  }
0x1: {  	s0 =	rddreg [dreg:$0x0]  }
0x2: {  	s1 =	rddreg [dreg:$0x1]  }
0x3: {  	s2 =	rddreg [dreg:$0x2]  }
0x4: {  	s3 =	rddreg [dreg:$0x6]  }
0x5: {  	s4 =	rddreg [dreg:$0x7]  }
0x6: {  	s6 =	rddreg [dreg:$0x8]  }
0x7: {  	s7 =	rddreg [dreg:$0x9]  }
0x8: {  	s8 =	rddreg [dreg:$0xa];
	s5 =	simm.s32 $0x0;
	s9 =	srdreg.scid  }
0x9: {  	s10 =	stileid.u32;
	s19 =	simm.s32 $0x3;
	s20 =	simm.s32 $0xBC00  }
0xa: {  	s21 =	simm.s32 $0x300;
	s28 =	simm.s32 $0x2300;
	s29 =	simm.s32 $0x2  }
0xb: {  	s30 =	simm.s32 $0x3500;
	[smem:$0x7FF] =	sst s5;
	s9 =	sand.u32 $0x1, s9  }
0xc: {  	s10 =	sshll.u32 s10, $0x1;
	s22 =	sadd.s32 $0xA00, s2;
	_ =	strace $0x80000047  }
0xd: {  	s12 =	sor.u32 s9, s10;
	s9 =	ssub.s32 $0x2, s9;
	[dreg:$0xc] =	wrdreg s22  }
0xe: {  	s22 =	simm.s32 $0x1;
	s17 =	sshll.u32 s12, $0x5;
	s23 =	sshrl.u32 s9, $0x1  }
0xf: {  	s25 =	sadd.s32 s3, s12;
	s10 =	sshll.u32 s12, $0xB;
	s26 =	sshll.u32 s12, $0xC  }
0x10: {  	s31 =	sshll.u32 s12, $0x7;
	s3 =	simm.s32 $0x0;
	s2 =	sadd.s32 s17, s2  }
0x11: {  	s18 =	ssub.s32 s9, s23;
	s0 =	sadd.s32 s0, s17;
	s24 =	sadd.s32 s1, s17  }
0x12: {  	[dreg:$0xf] =	wrdreg s25;
	s11 =	sadd.s32 s4, s17;
	s13 =	sadd.s32 s6, s26  }
0x13: {  	s14 =	sadd.s32 s7, s31;
	s17 =	sadd.s32 s8, s17;
	s23 =	simm.s32 $0x100  }
0x14: {  	s25 =	simm.s32 $0x200;
	s26 =	simm.s32 $0x1300;
	[dreg:$0xd] =	wrdreg s0  }
0x15: {  	v0 =	vlaneseq.u32;
	[dreg:$0xe] =	wrdreg s24;
	s12 =	sadd.s32 $0x20A00, s2;
	s15 =	sadd.s32 $0x20E00, s2  }
0x16: {  	v1 =	vimm.s32 $0x0;
	v0 =	vmul.u32 $0x10, v0;
	s16 =	sadd.s32 $0x21200, s2;
	s18 =	smax.u32 s18, $0x1;
	s24 =	simm.s32 $0x3800  }
.LBB2_1:
0x17: {  	s0 =	rddreg [dreg:$0xd]  }
0x18: {  	[tilespmem:s5], [sflag:$0x3] =	stream.linear.gather [hbm4b:s0+s5], $0x100, $0x38;
	[tilespmem:$0xBC08] =	vst v63  }
0x19: {  	_ =	swait.ge [sflag:s19], $0x100  }
0x1a: {  	[sflag:s19] =	ssyncset.done $0x0  }
0x1b: {  	s8 =	rddreg [dreg:$0xe];
	[sflag:s19] =	ssyncadd.s32 $0xFFFFFF00  }
0x1c: {  	[tilespmem:s23], [sflag:$0x3] =	stream.linear.gather [hbm4b:s8+s5], $0x100, $0x38;
	[tilespmem:$0xBC08] =	vst v63  }
0x1d: {  	_ =	swait.ge [sflag:s19], $0x100  }
0x1e: {  	[sflag:s19] =	ssyncset.done $0x0  }
0x1f: {  	s9 =	rddreg [dreg:$0xf];
	[sflag:s19] =	ssyncadd.s32 $0xFFFFFF00  }
0x20: {  	[tilespmem:s20], [sflag:$0x3] =	stream.linear.gather [hbm4b:s9+s5], $0x8, $0x38;
	[tilespmem:$0xBC08] =	vst v63  }
0x21: {  	_ =	swait.ge [sflag:s19], $0x8  }
0x22: {  	[sflag:s19] =	ssyncset.done $0x0  }
0x23: {  	[sflag:s19] =	ssyncadd.s32 $0xFFFFFFF8  }
0x24: {  	v2 =	vld [tilespmem:s23+$0x0];
	_ =	sdelay $0x3  }
0x25: {  	s31 =	sand.u32 $0x700, s5  }
0x26: {  	s0 =	sor.u32 s10, s31;
	v2 =	vshrl.u32 v2, $0x4  }
0x27: {  	v2 =	vadd.s32 s0, v2  }
0x28: {  	s1 =	simm.s32 $0x110;
	[tilespmem:s25+$0x0] =	vst v2  }
0x29: {  	s2 =	simm.s32 $0x80;
	s4 =	simm.s32 $0x100;
	s0 =	simm.s32 $0x200;
	v2 =	vld [tilespmem:s1+$0x0]  }
.LBB2_2:
0x2a: {  	p0 =	sne.s32 s4, $0x780;
	_ =	sdelay $0x2  }
.Ltmp0:
0x2b: {  	s6 =	sand.u32 $0x700, s2;
	s2 =	smov.u32 s4;
	(pc) =	sbr.rel @p0 .LBB2_2-.Ltmp0, $4  }
0x2c: {  	s6 =	sor.u32 s10, s6;
	v2 =	vshrl.u32 v2, $0x4  }
0x2d: {  	s0 =	sadd.s32 $0x10, s0;
	v2 =	vadd.s32 s6, v2  }
0x2e: {  	s1 =	sadd.s32 $0x10, s1;
	[tilespmem:s0+$0x0] =	vst v2  }
0x2f: {  	s4 =	sadd.s32 $0x80, s4;
	v2 =	vld [tilespmem:s1+$0x0]  }
0x30: {  	_ =	sdelay $0x2  }
0x31: {  	s1 =	sand.u32 $0x700, s2  }
0x32: {  	s1 =	sor.u32 s10, s1;
	v2 =	vshrl.u32 v2, $0x4  }
0x33: {  	s0 =	sadd.s32 $0x10, s0;
	v2 =	vadd.s32 s1, v2  }
0x34: {  	s8 =	simm.s32 $0x100;
	s9 =	rddreg [dreg:$0xc];
	[tilespmem:s0+$0x0] =	vst v2;
	s0 =	simm.s32 $0x200  }
0x35: {  	[tilespmem:s21], [sflag:$0x1] =	stream.indirect.gather [hbm4b:s9+s8], $0x10, s0, s8, $0xb8;
	[tilespmem:$0xBC08] =	vst v63  }
0x36: {  	_ =	swait.ge [sflag:s22], $0x1000  }
0x37: {  	[sflag:s22] =	ssyncset.done $0x0  }
0x38: {  	[sflag:s22] =	ssyncadd.s32 $0xFFFFF000  }
0x39: {  	v2 =	vld [tilespmem:s8+$0x0];
	_ =	sdelay $0x1  }
0x3a: {  	s31 =	simm.s32 $0x0  }
0x3b: {  	v3 =	vmov s31  }
0x3c: {  	v3 =	vshll.u32 v3, $0x4  }
0x3d: {  	v3 =	vor.u32 v0, v3;
	v4 =	vand.u32 $0xF, v2  }
0x3e: {  	v3 =	vor.u32 v3, v4;
	_ =	sdelay $0x4  }
0x3f: {  	v3 =	vld.idx.msk [tilespmem:v3+s21+$0x0], $0xffff;
	_ =	sdelay $0x3  }
0x40: {  	v2 =	vshll.u32 v2, $0x5  }
0x41: {  	s1 =	simm.s32 $0x3300;
	v2 =	vadd.s32 v3, v2  }
0x42: {  	[tilespmem:s1+$0x0] =	vst v2;
	v2 =	vshrl.u32 v2, $0x4  }
0x43: {  	s2 =	simm.s32 $0x110;
	[tilespmem:s0+$0x0] =	vst v2  }
0x44: {  	s4 =	simm.s32 $0x10;
	s6 =	simm.s32 $0x20;
	v2 =	vld [tilespmem:s2+$0x0]  }
.LBB2_4:
0x45: {  	p0 =	sne.s32 s6, $0xF0;
	_ =	sdelay $0x1  }
0x46: {  	v3 =	vmov s4;
	s4 =	smov.u32 s6  }
0x47: {  	v3 =	vshll.u32 v3, $0x4  }
0x48: {  	v3 =	vor.u32 v0, v3;
	v4 =	vand.u32 $0xF, v2  }
0x49: {  	v3 =	vor.u32 v3, v4;
	_ =	sdelay $0x4  }
0x4a: {  	v3 =	vld.idx.msk [tilespmem:v3+s21+$0x0], $0xffff;
	_ =	sdelay $0x4  }
.Ltmp1:
0x4b: {  	v2 =	vshll.u32 v2, $0x5;
	(pc) =	sbr.rel @p0 .LBB2_4-.Ltmp1, $4  }
0x4c: {  	s1 =	sadd.s32 $0x10, s1;
	v2 =	vadd.s32 v3, v2  }
0x4d: {  	s0 =	sadd.s32 $0x10, s0;
	[tilespmem:s1+$0x0] =	vst v2;
	v2 =	vshrl.u32 v2, $0x4  }
0x4e: {  	s2 =	sadd.s32 $0x10, s2;
	[tilespmem:s0+$0x0] =	vst v2  }
0x4f: {  	s6 =	sadd.s32 $0x10, s6;
	v2 =	vld [tilespmem:s2+$0x0]  }
0x50: {  	_ =	sdelay $0x1  }
0x51: {  	v3 =	vmov s4  }
0x52: {  	v3 =	vshll.u32 v3, $0x4  }
0x53: {  	v3 =	vor.u32 v0, v3;
	v4 =	vand.u32 $0xF, v2  }
0x54: {  	v3 =	vor.u32 v3, v4;
	_ =	sdelay $0x4  }
0x55: {  	v3 =	vld.idx.msk [tilespmem:v3+s21+$0x0], $0xffff;
	_ =	sdelay $0x3  }
0x56: {  	v2 =	vshll.u32 v2, $0x5  }
0x57: {  	s1 =	sadd.s32 $0x10, s1;
	v2 =	vadd.s32 v3, v2  }
0x58: {  	s0 =	sadd.s32 $0x10, s0;
	[tilespmem:s1+$0x0] =	vst v2;
	v2 =	vshrl.u32 v2, $0x4  }
0x59: {  	s4 =	rddreg [dreg:$0x5];
	[tilespmem:s0+$0x0] =	vst v2;
	s0 =	simm.s32 $0x3300  }
0x5a: {  	[tilespmem:s24], [sflag:$0x2] =	stream.indirect.gather [hbm4b:s4+s23], $0x80, s0, s23, $0xb8;
	[tilespmem:$0xBC08] =	vst v63  }
0x5b: {  	s6 =	rddreg [dreg:$0x3]  }
0x5c: {  	[tilespmem:s26], [sflag:$0x1] =	stream.indirect.gather [hbm4b:s6+s23], $0x10, s25, s23, $0xb8;
	[tilespmem:$0xBC08] =	vst v63  }
0x5d: {  	s7 =	rddreg [dreg:$0x4]  }
0x5e: {  	[tilespmem:s28], [sflag:$0x1] =	stream.indirect.gather [hbm4b:s7+s23], $0x10, s25, s23, $0xb8;
	[tilespmem:$0xBC08] =	vst v63  }
0x5f: {  	_ =	swait.ge [sflag:s22], $0x1000  }
0x60: {  	[sflag:s22] =	ssyncset.done $0x0  }
0x61: {  	[sflag:s22] =	ssyncadd.s32 $0xFFFFF000  }
0x62: {  	_ =	swait.ge [sflag:s22], $0x1000  }
0x63: {  	[sflag:s22] =	ssyncset.done $0x0  }
0x64: {  	[sflag:s22] =	ssyncadd.s32 $0xFFFFF000  }
0x65: {  	v2 =	vld [tilespmem:s0+$0x0];
	_ =	sdelay $0x1  }
0x66: {  	s8 =	simm.s32 $0x0  }
0x67: {  	v3 =	vmov s8  }
0x68: {  	v3 =	vshll.u32 v3, $0x4  }
0x69: {  	v3 =	vor.u32 v0, v3;
	v2 =	vand.u32 $0xF, v2  }
0x6a: {  	v2 =	vor.u32 v3, v2;
	_ =	sdelay $0x4  }
0x6b: {  	s9 =	simm.s32 $0x0;
	v3 =	vld.idx.msk [tilespmem:v2+s28+$0x0], $0xffff  }
0x6c: {  	v63 =	vmov s9;
	_ =	sdelay $0x2  }
0x6d: {  	s1 =	simm.s32 $0x3600  }
0x6e: {  	v2 =	vld.idx.msk [tilespmem:v2+s26+$0x0], $0xffff;
	[tilespmem:s1+$0x0] =	vst v3  }
0x6f: {  	v3 =	vld.idx.msk [tilespmem:v63+s20+$0x0], $0xffff;
	_ =	sdelay $0x4  }
0x70: {  	vm0 =	veq.s32 v2, v3  }
0x71: {  	s2 =	simm.s32 $0x3700;
	v2 =	vsel vm0, $0x1, v1  }
0x72: {  	[tilespmem:s2+$0x0] =	vst v2  }
0x73: {  	v2 =	vld [tilespmem:s8+$0x0];
	_ =	sdelay $0x1  }
0x74: {  	v3 =	vsel vm0, $0x3F800000, v1  }
0x75: {  	v3 =	vmul.f32 $-1.000000000e+10, v3;
	_ =	sdelay $0x1  }
0x76: {  	s31 =	simm.s32 $0x3410;
	s4 =	simm.s32 $0x1;
	v2 =	vadd.f32 v3, v2  }
0x77: {  	s6 =	simm.s32 $0x10;
	s7 =	simm.s32 $0x10;
	s8 =	simm.s32 $0x3400  }
.LBB2_6:
0x78: {  	[tilespmem:s8+$0x0] =	vst v2;
	s0 =	sadd.s32 $0x10, s0;
	s1 =	sadd.s32 $0x10, s1;
	s2 =	sadd.s32 $0x10, s2  }
0x79: {  	p0 =	sne.s32 s4, $0xF;
	s9 =	smov.u32 s4;
	s4 =	sadd.s32 $0x1, s4;
	v2 =	vld [tilespmem:s0+$0x0]  }
0x7a: {  	s8 =	smov.u32 s31;
	_ =	sdelay $0x1  }
0x7b: {  	v3 =	vmov s7  }
0x7c: {  	v3 =	vshll.u32 v3, $0x4  }
0x7d: {  	v3 =	vor.u32 v0, v3;
	v2 =	vand.u32 $0xF, v2  }
0x7e: {  	v2 =	vor.u32 v3, v2;
	_ =	sdelay $0x4  }
0x7f: {  	v3 =	vld.idx.msk [tilespmem:v2+s28+$0x0], $0xffff  }
0x80: {  	s9 =	sshrl.u32 s9, $0x1  }
0x81: {  	v4 =	vmov s9;
	_ =	sdelay $0x2  }
0x82: {  	v2 =	vld.idx.msk [tilespmem:v2+s26+$0x0], $0xffff  }
0x83: {  	[tilespmem:s1+$0x0] =	vst v3  }
0x84: {  	v3 =	vld.idx.msk [tilespmem:v4+s20+$0x0], $0xffff;
	_ =	sdelay $0x5  }
0x85: {  	vm0 =	veq.s32 v2, v3  }
0x86: {  	v2 =	vsel vm0, $0x1, v1;
	v3 =	vsel vm0, $0x3F800000, v1  }
0x87: {  	[tilespmem:s2+$0x0] =	vst v2  }
0x88: {  	v2 =	vld [tilespmem:s6+$0x0];
	_ =	sdelay $0x1  }
.Ltmp2:
0x89: {  	(pc) =	sbr.rel @p0 .LBB2_6-.Ltmp2, $3  }
0x8a: {  	v3 =	vmul.f32 $-1.000000000e+10, v3;
	_ =	sdelay $0x1  }
0x8b: {  	v2 =	vadd.f32 v3, v2  }
0x8c: {  	s31 =	sadd.s32 $0x10, s31;
	s7 =	sadd.s32 $0x10, s7;
	s6 =	sadd.s32 $0x10, s6  }
0x8d: {  	[tilespmem:s8+$0x0] =	vst v2;
	s31 =	simm.s32 $0x0  }
0x8e: {  	v2 =	vld [tilespmem:s31+$0x3400]  }
0x8f: {  	v3 =	vld [tilespmem:s31+$0x3410];
	_ =	sdelay $0x4  }
0x90: {  	v4 =	vmax.f32 v2, v3  }
0x91: {  	(xrf0) =	vmax.scan.msk.f32 $0xffff, v4;
	_ =	sdelay $0x5  }
0x92: {  	s2 =	simm.s32 $0x20;
	v4, _, _ =	vpop (xrf0)  }
0x93: {  	v5 =	vld [tilespmem:s2+$0x3400];
	v4 =	vbroadcast v4, $0xF  }
0x94: {  	v6 =	vld [tilespmem:s2+$0x3410]  }
0x95: {  	v2 =	vsub.f32 v2, v4  }
0x96: {  	s4 =	simm.s32 $0x40;
	v3 =	vsub.f32 v3, v4  }
0x97: {  	v7 =	vld [tilespmem:s4+$0x3410];
	v2 =	vmul.f32 $1.442695020e+00, v2  }
0x98: {  	v4 =	vld [tilespmem:s4+$0x3400];
	v3 =	vmul.f32 $1.442695020e+00, v3  }
0x99: {  	(erf) = vpow2.f32 v2;
	v2 =	vmax.f32 v5, v6  }
0x9a: {  	(erf) = vpow2.f32 v3;
	(xrf0) =	vmax.scan.msk.f32 $0xffff, v2;
	_ =	sdelay $0x2  }
0x9b: {  	v2 =	vmax.f32 v4, v7;
	_ =	sdelay $0x1  }
0x9c: {  	(xrf0) =	vmax.scan.msk.f32 $0xffff, v2  }
0x9d: {  	v2, _, _ =	vpop (xrf0)  }
0x9e: {  	v8 =	vbroadcast v2, $0xF  }
0x9f: {  	v2 =	vpop (erf)  }
0xa0: {  	s0 =	simm.s32 $0x60;
	(xrf2) =	vadd.scan.msk.f32 $0xffff, v2;
	v3 =	vpop (erf);
	v5 =	vsub.f32 v5, v8  }
0xa1: {  	v10 =	vld [tilespmem:s0+$0x3400];
	(xrf2) =	vadd.scan.msk.f32 $0xffff, v3  }
0xa2: {  	v11 =	vld [tilespmem:s0+$0x3410];
	v6 =	vsub.f32 v6, v8;
	v5 =	vmul.f32 $1.442695020e+00, v5;
	v8, _, _ =	vpop (xrf0)  }
0xa3: {  	v8 =	vbroadcast v8, $0xF  }
0xa4: {  	(erf) = vpow2.f32 v5;
	v5 =	vmul.f32 $1.442695020e+00, v6  }
0xa5: {  	v4 =	vsub.f32 v4, v8  }
0xa6: {  	(erf) = vpow2.f32 v5  }
0xa7: {  	v5 =	vmax.f32 v10, v11;
	v4 =	vmul.f32 $1.442695020e+00, v4;
	_ =	sdelay $0x2  }
0xa8: {  	(xrf0) =	vmax.scan.msk.f32 $0xffff, v5;
	v5, _, _ =	vpop (xrf2)  }
0xa9: {  	(erf) = vpow2.f32 v4;
	(v2sf) =	vpush v5, $0xF;
	v4, _, _ =	vpop (xrf2)  }
0xaa: {  	(v2sf) =	vpush v4, $0xF;
	_ =	sdelay $0x1  }
0xab: {  	v4 =	vpop (erf)  }
0xac: {  	s1 =	simm.s32 $0x80;
	v7 =	vsub.f32 v7, v8;
	(xrf2) =	vadd.scan.msk.f32 $0xffff, v4;
	v6 =	vpop (erf)  }
0xad: {  	v14 =	vld [tilespmem:s1+$0x3400];
	(xrf2) =	vadd.scan.msk.f32 $0xffff, v6  }
0xae: {  	v9 =	vld [tilespmem:s1+$0x3410];
	v7 =	vmul.f32 $1.442695020e+00, v7;
	v5, _, _ =	vpop (xrf0)  }
0xaf: {  	v8 =	vbroadcast v5, $0xF  }
0xb0: {  	(erf) = vpow2.f32 v7  }
0xb1: {  	v10 =	vsub.f32 v10, v8;
	_ =	sdelay $0x1  }
0xb2: {  	v7 =	vmul.f32 $1.442695020e+00, v10;
	v10 =	vmax.f32 v14, v9;
	_ =	sdelay $0x1  }
0xb3: {  	v5 =	vpop (erf);
	(erf) = vpow2.f32 v7;
	v7 =	vsub.f32 v11, v8  }
0xb4: {  	(xrf0) =	vmax.scan.msk.f32 $0xffff, v10;
	v10, _, _ =	vpop (xrf2)  }
0xb5: {  	s6 =	spop (v2sf);
	v8, _, _ =	vpop (xrf2);
	(v2sf) =	vpush v10, $0xF  }
0xb6: {  	(xrf2) =	vadd.scan.msk.f32 $0xffff, v5;
	s7 =	spop (v2sf);
	(v2sf) =	vpush v8, $0xF  }
0xb7: {  	v11 =	vmul.f32 $1.442695020e+00, v7;
	v7 =	vpop (erf)  }
0xb8: {  	(xrf2) =	vadd.scan.msk.f32 $0xffff, v7  }
0xb9: {  	s7 =	sadd.f32 s7, s6;
	_ =	sdelay $0x1  }
0xba: {  	(erf) = vpow2.f32 v11;
	v11 =	vmov s7  }
0xbb: {  	v12, _, _ =	vpop (xrf0);
	s6 =	simm.s32 $0xA0;
	(erf) = vrcp.f32 v11  }
0xbc: {  	v13 =	vbroadcast v12, $0xF;
	v12 =	vld [tilespmem:s6+$0x3400]  }
0xbd: {  	v11 =	vld [tilespmem:s6+$0x3410];
	_ =	sdelay $0x1  }
0xbe: {  	v10, _, _ =	vpop (xrf2)  }
0xbf: {  	v14 =	vsub.f32 v14, v13;
	v8 =	vpop (erf);
	s7 =	simm.s32 $0x300  }
.LBB2_8:
0xc0: {  	p0 =	sne.s32 s7, $0x380;
	(xrf2) =	vadd.scan.msk.f32 $0xffff, v8;
	(v2sf) =	vpush v10, $0xF;
	v10, _, _ =	vpop (xrf2);
	v15 =	vmov v12  }
0xc1: {  	v16 =	vmax.f32 v15, v11;
	v14 =	vmul.f32 $1.442695020e+00, v14;
	(v2sf) =	vpush v10, $0xF  }
0xc2: {  	v10 =	vsub.f32 v9, v13;
	v9 =	vmov v11;
	(xrf0) =	vmax.scan.msk.f32 $0xffff, v16;
	v12 =	vpop (erf);
	s8 =	spop (v2sf)  }
0xc3: {  	(erf) = vpow2.f32 v14;
	(xrf2) =	vadd.scan.msk.f32 $0xffff, v12;
	s9 =	spop (v2sf);
	v11 =	vpop (erf)  }
0xc4: {  	v10 =	vmul.f32 $1.442695020e+00, v10;
	s8 =	sadd.f32 s9, s8;
	v13 =	vmul.f32 v11, v3;
	v3 =	vmovc v6;
	v6 =	vmovc v7;
	v7 =	vmov v12  }
0xc5: {  	v11 =	vmul.f32 v11, v2;
	v2 =	vmovc v4;
	v4 =	vmov v5;
	v5 =	vmov v8  }
0xc6: {  	(erf) = vpow2.f32 v10;
	v10 =	vmov s8;
	[tilespmem:s31+$0x3510] =	vst v13  }
0xc7: {  	s8 =	sshra.s32 s7, $0x2;
	(erf) = vrcp.f32 v10;
	[tilespmem:s31+$0x3500] =	vst v11;
	s31 =	smov.u32 s2;
	s2 =	smov.u32 s4  }
.Ltmp3:
0xc8: {  	s4 =	smov.u32 s0;
	s0 =	smov.u32 s1;
	v12 =	vld [tilespmem:s8+$0x3400];
	v8, _, _ =	vpop (xrf0);
	(pc) =	sbr.rel @p0 .LBB2_8-.Ltmp3, $3  }
0xc9: {  	s1 =	smov.u32 s6;
	s6 =	smov.u32 s8;
	v11 =	vld [tilespmem:s8+$0x3410]  }
0xca: {  	v13 =	vbroadcast v8, $0xF;
	v10, _, _ =	vpop (xrf2);
	_ =	sdelay $0x1  }
0xcb: {  	s7 =	sadd.s32 $0x80, s7;
	v14 =	vsub.f32 v15, v13;
	v8 =	vpop (erf)  }
0xcc: {  	_ = 	snop  }
0xcd: {  	v15 =	vmax.f32 v12, v11  }
0xce: {  	(xrf0) =	vmax.scan.msk.f32 $0xffff, v15;
	_ =	sdelay $0x5  }
0xcf: {  	v15, _, _ =	vpop (xrf0)  }
0xd0: {  	v9 =	vsub.f32 v9, v13;
	s7 =	spop (v2sf);
	v39 =	vbroadcast v15, $0xF  }
0xd1: {  	v14 =	vmul.f32 $1.442695020e+00, v14;
	s8 =	spop (v2sf)  }
0xd2: {  	v9 =	vmul.f32 $1.442695020e+00, v9;
	s7 =	sadd.f32 s8, s7;
	v40 =	vsub.f32 v12, v39  }
0xd3: {  	(erf) = vpow2.f32 v14;
	v41 =	vsub.f32 v11, v39  }
0xd4: {  	(erf) = vpow2.f32 v9;
	v42 =	vmov s7;
	v12 =	vmul.f32 $1.442695020e+00, v40  }
0xd5: {  	(erf) = vrcp.f32 v42;
	v43 =	vmul.f32 $1.442695020e+00, v41  }
0xd6: {  	(erf) = vpow2.f32 v12  }
0xd7: {  	(erf) = vpow2.f32 v43;
	_ =	sdelay $0x2  }
0xd8: {  	v44 =	vpop (erf)  }
0xd9: {  	v45 =	vpop (erf)  }
0xda: {  	(xrf2) =	vadd.scan.msk.f32 $0xffff, v8;
	v46 =	vpop (erf)  }
0xdb: {  	(xrf2) =	vadd.scan.msk.f32 $0xffff, v44;
	v47 =	vpop (erf)  }
0xdc: {  	(xrf2) =	vadd.scan.msk.f32 $0xffff, v46;
	v48 =	vpop (erf)  }
0xdd: {  	(xrf2) =	vadd.scan.msk.f32 $0xffff, v47;
	v49 =	vpop (erf)  }
0xde: {  	(xrf2) =	vadd.scan.msk.f32 $0xffff, v49;
	v16 =	vpop (erf)  }
0xdf: {  	(xrf2) =	vadd.scan.msk.f32 $0xffff, v16;
	_ =	sdelay $0x3  }
0xe0: {  	v17, _, _ =	vpop (xrf2);
	(v2sf) =	vpush v10, $0xF  }
0xe1: {  	(v2sf) =	vpush v17, $0xF;
	v50, _, _ =	vpop (xrf2)  }
0xe2: {  	(v2sf) =	vpush v50, $0xF;
	v51, _, _ =	vpop (xrf2)  }
0xe3: {  	(v2sf) =	vpush v51, $0xF;
	v52, _, _ =	vpop (xrf2)  }
0xe4: {  	v53, _, _ =	vpop (xrf2);
	(v2sf) =	vpush v52, $0xF  }
0xe5: {  	(v2sf) =	vpush v53, $0xF;
	v54, _, _ =	vpop (xrf2)  }
0xe6: {  	(v2sf) =	vpush v54, $0xF;
	v55, _, _ =	vpop (xrf2)  }
0xe7: {  	(v2sf) =	vpush v55, $0xF;
	_ =	sdelay $0x7  }
0xe8: {  	s7 =	spop (v2sf)  }
0xe9: {  	s8 =	spop (v2sf)  }
0xea: {  	s7 =	sadd.f32 s8, s7;
	s9 =	spop (v2sf)  }
0xeb: {  	s8 =	spop (v2sf)  }
0xec: {  	v56 =	vmov s7;
	s7 =	sadd.f32 s8, s9;
	s8 =	spop (v2sf)  }
0xed: {  	(erf) = vrcp.f32 v56;
	s9 =	spop (v2sf)  }
0xee: {  	v57 =	vmov s7;
	s7 =	sadd.f32 s9, s8;
	s8 =	spop (v2sf)  }
0xef: {  	(erf) = vrcp.f32 v57;
	s9 =	spop (v2sf)  }
0xf0: {  	v58 =	vmov s7;
	s9 =	sadd.f32 s9, s8  }
0xf1: {  	(erf) = vrcp.f32 v58  }
0xf2: {  	v59 =	vmov s9  }
0xf3: {  	v3 =	vmul.f32 v45, v3;
	(erf) = vrcp.f32 v59  }
0xf4: {  	v2 =	vmul.f32 v45, v2  }
0xf5: {  	[tilespmem:s31+$0x3510] =	vst v3;
	v3 =	vmul.f32 v48, v6  }
0xf6: {  	[tilespmem:s31+$0x3500] =	vst v2;
	v2 =	vmul.f32 v48, v4;
	v60 =	vpop (erf)  }
0xf7: {  	[tilespmem:s2+$0x3510] =	vst v3;
	v3 =	vmul.f32 v60, v7  }
0xf8: {  	[tilespmem:s2+$0x3500] =	vst v2;
	v2 =	vmul.f32 v60, v5;
	v61 =	vpop (erf)  }
0xf9: {  	[tilespmem:s4+$0x3510] =	vst v3;
	v3 =	vmul.f32 v61, v44  }
0xfa: {  	[tilespmem:s4+$0x3500] =	vst v2;
	v2 =	vmul.f32 v61, v8;
	v62 =	vpop (erf)  }
0xfb: {  	[tilespmem:s0+$0x3510] =	vst v3;
	v3 =	vmul.f32 v62, v47  }
0xfc: {  	[tilespmem:s0+$0x3500] =	vst v2;
	v2 =	vmul.f32 v62, v46;
	v63 =	vpop (erf)  }
0xfd: {  	[tilespmem:s1+$0x3510] =	vst v3;
	v3 =	vmul.f32 v63, v16  }
0xfe: {  	[tilespmem:s1+$0x3500] =	vst v2;
	v2 =	vmul.f32 v63, v49  }
0xff: {  	[tilespmem:s6+$0x3510] =	vst v3  }
0x100: {  	[tilespmem:s6+$0x3500] =	vst v2  }
0x101: {  	_ =	swait.ge [sflag:s29], $0x8000  }
0x102: {  	s2 =	simm.s32 $0x0;
	[sflag:s29] =	ssyncset.done $0x0  }
0x103: {  	s0 =	simm.s32 $0x0;
	s1 =	simm.s32 $0x3840;
	[sflag:s29] =	ssyncadd.s32 $0xFFFF8000  }
.LBB2_10:
0x104: {  	s4 =	sadd.s32 $0x0, s0  }
0x105: {  	v2 =	vmov s4;
	_ =	sdelay $0x1  }
0x106: {  	v3 =	vld [tilespmem:s1+$0xFFFFFFC0]  }
0x107: {  	v5 =	vld [tilespmem:s1+$0xFFFFFFD0]  }
0x108: {  	v6 =	vld [tilespmem:s1+$0xFFFFFFE0]  }
0x109: {  	v4 =	vld.idx.msk [tilespmem:v2+s30+$0x0], $0xffff  }
0x10a: {  	v2 =	vld [tilespmem:s1+$0x30]  }
0x10b: {  	s31 =	sadd.s32 $0x1, s0;
	v9 =	vld [tilespmem:s1+$0xFFFFFFF0]  }
0x10c: {  	v11 =	vld [tilespmem:s1+$0x0];
	v8 =	vmov s31  }
0x10d: {  	v13 =	vld [tilespmem:s1+$0x10];
	_ =	sdelay $0x1  }
0x10e: {  	v2 =	vmul.f32 v2, v4  }
0x10f: {  	v12 =	vld [tilespmem:s1+$0x20];
	v10 =	vmul.f32 v3, v4;
	v5 =	vmul.f32 v5, v4  }
0x110: {  	v7 =	vimm.f32 $0.0e+00;
	s4 =	sadd.s32 $0x80, s1;
	v3 =	vld.idx.msk [tilespmem:v8+s30+$0x0], $0xffff;
	v6 =	vmul.f32 v6, v4;
	v15 =	vmul.f32 v9, v4  }
0x111: {  	v16 =	vmul.f32 v11, v4;
	v17 =	vmul.f32 v13, v4;
	v9 =	vadd.f32 v10, v7;
	v10 =	vld [tilespmem:s4+$0x30]  }
0x112: {  	v14 =	vld [tilespmem:s4+$0xFFFFFFC0];
	v13 =	vimm.f32 $0.0e+00;
	v2 =	vadd.f32 v2, v7;
	v5 =	vadd.f32 v5, v7  }
0x113: {  	s7 =	sadd.s32 $0x2, s0;
	s6 =	simm.s32 $0x3;
	v11 =	vimm.f32 $0.0e+00;
	v8 =	vadd.f32 v6, v7;
	v6 =	vadd.f32 v15, v7;
	v15 =	vld [tilespmem:s4+$0xFFFFFFD0]  }
.LBB2_11:
0x114: {  	p0 =	sne.s32 s6, $0x1F;
	v18 =	vmov s7;
	v19 =	vld [tilespmem:s4+$0xFFFFFFE0];
	v7 =	vadd.f32 v16, v7;
	v12 =	vmul.f32 v12, v4  }
0x115: {  	v16 =	vld [tilespmem:s4+$0xFFFFFFF0];
	v13 =	vadd.f32 v17, v13  }
0x116: {  	v4 =	vmov v3;
	v17 =	vld [tilespmem:s4+$0x0];
	v10 =	vmul.f32 v10, v3;
	v11 =	vadd.f32 v12, v11  }
0x117: {  	v14 =	vmul.f32 v14, v4;
	v20 =	vld [tilespmem:s4+$0x10]  }
.Ltmp4:
0x118: {  	v15 =	vmul.f32 v15, v4;
	v12 =	vld [tilespmem:s4+$0x20];
	v2 =	vadd.f32 v10, v2;
	(pc) =	sbr.rel @p0 .LBB2_11-.Ltmp4, $4  }
0x119: {  	s4 =	sadd.s32 $0x80, s4;
	v3 =	vld.idx.msk [tilespmem:v18+s30+$0x0], $0xffff;
	v9 =	vadd.f32 v14, v9;
	v18 =	vmul.f32 v19, v4  }
0x11a: {  	v10 =	vld [tilespmem:s4+$0x30];
	v5 =	vadd.f32 v15, v5;
	v19 =	vmul.f32 v16, v4  }
0x11b: {  	v14 =	vld [tilespmem:s4+$0xFFFFFFC0];
	v8 =	vadd.f32 v18, v8;
	v16 =	vmul.f32 v17, v4  }
0x11c: {  	s7 =	sadd.s32 s6, s0;
	s6 =	sadd.s32 $0x1, s6;
	v15 =	vld [tilespmem:s4+$0xFFFFFFD0];
	v6 =	vadd.f32 v19, v6;
	v17 =	vmul.f32 v20, v4  }
0x11d: {  	v19 =	vld [tilespmem:s4+$0xFFFFFFE0]  }
0x11e: {  	v18 =	vmov s7;
	v20 =	vld [tilespmem:s4+$0xFFFFFFF0]  }
0x11f: {  	v21 =	vld [tilespmem:s4+$0x0]  }
0x120: {  	v22 =	vld [tilespmem:s4+$0x10]  }
0x121: {  	v23 =	vld [tilespmem:s4+$0x20];
	s9 =	sadd.s32 $0x80, s4  }
0x122: {  	v24 =	vld [tilespmem:s9+$0xFFFFFFC0]  }
0x123: {  	v18 =	vld.idx.msk [tilespmem:v18+s30+$0x0], $0xffff  }
0x124: {  	v4 =	vmul.f32 v12, v4;
	v44 =	vld [tilespmem:s9+$0xFFFFFFD0]  }
0x125: {  	v7 =	vadd.f32 v16, v7;
	v45 =	vld [tilespmem:s9+$0xFFFFFFE0];
	v10 =	vmul.f32 v10, v3;
	v14 =	vmul.f32 v14, v3  }
0x126: {  	v13 =	vadd.f32 v17, v13;
	v48 =	vld [tilespmem:s9+$0xFFFFFFF0];
	v46 =	vmul.f32 v15, v3;
	v47 =	vmul.f32 v19, v3  }
0x127: {  	v51 =	vld [tilespmem:s9+$0x0];
	v4 =	vadd.f32 v4, v11;
	v49 =	vmul.f32 v20, v3;
	v50 =	vmul.f32 v21, v3  }
0x128: {  	v53 =	vld [tilespmem:s9+$0x10];
	v9 =	vadd.f32 v14, v9;
	v56 =	vmul.f32 v22, v3;
	v52 =	vmul.f32 v24, v18  }
0x129: {  	v54 =	vld [tilespmem:s9+$0x20];
	v3 =	vmul.f32 v23, v3;
	v5 =	vadd.f32 v46, v5;
	v12 =	vmul.f32 v44, v18  }
0x12a: {  	s31 =	sshll.u32 s2, $0x7;
	v55 =	vld [tilespmem:s9+$0x30];
	v8 =	vadd.f32 v47, v8;
	v16 =	vmul.f32 v45, v18;
	v9 =	vadd.f32 v52, v9  }
0x12b: {  	s4 =	sand.u32 $0x3FFFFF80, s31;
	v6 =	vadd.f32 v49, v6;
	v17 =	vmul.f32 v48, v18;
	v5 =	vadd.f32 v12, v5  }
0x12c: {  	v7 =	vadd.f32 v50, v7;
	v57 =	vmul.f32 v51, v18;
	v8 =	vadd.f32 v16, v8;
	[tilespmem:s4+$0xB800] =	vst v9  }
0x12d: {  	s2 =	sadd.s32 $0x1, s2;
	v58 =	vadd.f32 v56, v13;
	v59 =	vmul.f32 v53, v18;
	v6 =	vadd.f32 v17, v6;
	[tilespmem:s4+$0xB810] =	vst v5  }
0x12e: {  	p0 =	sne.s32 s2, $0x8;
	v3 =	vadd.f32 v3, v4;
	v61 =	vmul.f32 v54, v18;
	v60 =	vadd.f32 v57, v7;
	[tilespmem:s4+$0xB820] =	vst v8  }
.Ltmp5:
0x12f: {  	v2 =	vadd.f32 v10, v2;
	v62 =	vmul.f32 v55, v18;
	v63 =	vadd.f32 v59, v58;
	[tilespmem:s4+$0xB830] =	vst v6;
	(pc) =	sbr.rel @p0 .LBB2_10-.Ltmp5, $4  }
0x130: {  	v3 =	vadd.f32 v61, v3;
	[tilespmem:s4+$0xB840] =	vst v60  }
0x131: {  	v2 =	vadd.f32 v62, v2;
	[tilespmem:s4+$0xB850] =	vst v63  }
0x132: {  	[tilespmem:s4+$0xB860] =	vst v3  }
0x133: {  	s0 =	sadd.s32 $0x20, s0;
	s1 =	sadd.s32 $0x1000, s1;
	[tilespmem:s4+$0xB870] =	vst v2  }
0x134: {  	s0 =	simm.s32 $0x3400  }
0x135: {  	[hbm4b:s11+s5] =	stream.linear.scatter [tilespmem:s0], [sflag:$0x3], $0x100, $0x38;
	[tilespmem:$0xBC08] =	vst v63  }
0x136: {  	_ =	swait.ge [sflag:s19], $0x100  }
0x137: {  	[sflag:s19] =	ssyncset.done $0x0  }
0x138: {  	[sflag:s19] =	ssyncadd.s32 $0xFFFFFF00  }
0x139: {  	[hbm4b:s12+s5] =	stream.linear.scatter [tilespmem:s30], [sflag:$0x3], $0x100, $0x38;
	[tilespmem:$0xBC08] =	vst v63  }
0x13a: {  	_ =	swait.ge [sflag:s19], $0x100  }
0x13b: {  	[sflag:s19] =	ssyncset.done $0x0  }
0x13c: {  	[sflag:s19] =	ssyncadd.s32 $0xFFFFFF00  }
0x13d: {  	[hbm4b:s13+s5] =	stream.linear.scatter [tilespmem:s24], [sflag:$0x3], $0x8000, $0x38;
	[tilespmem:$0xBC08] =	vst v63  }
0x13e: {  	_ =	swait.ge [sflag:s19], $0x8000  }
0x13f: {  	[sflag:s19] =	ssyncset.done $0x0  }
0x140: {  	s7 =	simm.s32 $0xB800;
	[sflag:s19] =	ssyncadd.s32 $0xFFFF8000  }
0x141: {  	[hbm4b:s14+s5] =	stream.linear.scatter [tilespmem:s7], [sflag:$0x3], $0x400, $0x38;
	[tilespmem:$0xBC08] =	vst v63  }
0x142: {  	_ =	swait.ge [sflag:s19], $0x400  }
0x143: {  	[sflag:s19] =	ssyncset.done $0x0  }
0x144: {  	s8 =	simm.s32 $0x3600;
	[sflag:s19] =	ssyncadd.s32 $0xFFFFFC00  }
0x145: {  	[hbm4b:s15+s5] =	stream.linear.scatter [tilespmem:s8], [sflag:$0x3], $0x100, $0x38;
	[tilespmem:$0xBC08] =	vst v63  }
0x146: {  	_ =	swait.ge [sflag:s19], $0x100  }
0x147: {  	[sflag:s19] =	ssyncset.done $0x0  }
0x148: {  	s9 =	simm.s32 $0x3300;
	[sflag:s19] =	ssyncadd.s32 $0xFFFFFF00  }
0x149: {  	[hbm4b:s16+s5] =	stream.linear.scatter [tilespmem:s9], [sflag:$0x3], $0x100, $0x38;
	[tilespmem:$0xBC08] =	vst v63  }
0x14a: {  	s3 =	sadd.s32 $0x1, s3;
	_ =	swait.ge [sflag:s19], $0x100  }
0x14b: {  	p0 =	sne.s32 s3, s18;
	[sflag:s19] =	ssyncset.done $0x0  }
.Ltmp6:
0x14c: {  	s31 =	simm.s32 $0x3700;
	[sflag:s19] =	ssyncadd.s32 $0xFFFFFF00;
	(pc) =	sbr.rel @p0 .LBB2_1-.Ltmp6, $4  }
0x14d: {  	[hbm4b:s17+s5] =	stream.linear.scatter [tilespmem:s31], [sflag:$0x3], $0x100, $0x38;
	[tilespmem:$0xBC08] =	vst v63  }
0x14e: {  	_ =	swait.ge [sflag:s19], $0x100  }
0x14f: {  	[sflag:s19] =	ssyncset.done $0x0  }
0x150: {  	[sflag:s19] =	ssyncadd.s32 $0xFFFFFF00  }
0x151: {  	_ =	sfence.sel $0x180000  }
0x152: {  	[bflag:$0x0] =	sbarrier.arrive $0xFFFF  }
0x153: {  	_ =	strace $0x90000047  }
0x154: {  	s0 =	stileid.u32;
	[bflag:$0x2] =	sbarrier.arrive $0xFFFF  }
0x155: {  	p0 =	sne.s32 s0, $0x0;
	s0 =	rddreg [dreg:$0xb]  }
0x156: {  	s0 =	sadd.s32 @!p0 $0x100000, s0  }
0x157: {  	[sflag:s0] =	ssyncadd.tile.s32 @!p0 $0x1;
	_ =	shalt  }
.Lfunc_end2:
_tile_overlayer_lowered:
.L_overlay_start_2:
0x158: {  	(tag) =	ssettag $0x2  }
0x159: {  	s0 =	rddreg [dreg:$0x0];
	s2 =	stileid.u32  }
0x15a: {  	s1 =	rddreg [dreg:$0x1];
	p0 =	sne.s32 s2, $0x0  }
0x15b: {  	s3 =	rddreg [dreg:$0x2];
	[bflag:$0x3] =	sbarrier.arrive $0xFFFF;
	s2 =	simm.s32 @!p0 $0x1C03  }
0x15c: {  	[timem:s3], [sflag:s2] =	dma.local @!p0 [hbm:s0], s1  }
0x15d: {  	s0 =	simm.s32 @!p0 $0x3  }
0x15e: {  	_ =	swait.ge @!p0 [sflag:s0], s1  }
0x15f: {  	s1 =	ssub.s32 @!p0 $0x0, s1;
	[sflag:s0] =	ssyncset.done @!p0 $0x0  }
0x160: {  	[sflag:s0] =	ssyncadd.s32 @!p0 s1  }
0x161: {  	[bflag:$0x3] =	sbarrier.arrive $0xFFFF  }
0x162: {  	_ =	shalt  }

</sc_bundles>
